<compile_context>
chip_gen: v7x
topology: tpu7x:2x2x1
jax: 0.10.2.dev20260603
libtpu: 0.0.44.dev20260713+nightly
codegen_flags: <defaults>
</compile_context>

<pallas_src>
import functools

import jax
import jax.numpy as jnp
from jax import lax
from jax.experimental import pallas as pl
from jax.experimental.pallas import tpu as pltpu
from jax.experimental.pallas import tpu_sc as plsc

_EPS = 0.1
_K = 39935
_MININT = -2147483648
_NW = 32
_STAT = 16
_SC_ROWS = 64
_TC_BLOCK = 8



def _sc_body(x_hbm, tgt_hbm, out_hbm, row_v, hist_v, tgt_v, stat_v, *,
             sc_rows, vocab):
    rows_per = sc_rows // _NW
    chunks = vocab // 16
    cid = lax.axis_index("c")
    sid = lax.axis_index("s")
    wid = sid * 2 + cid
    lane = lax.iota(jnp.int32, 16)
    ones = jnp.ones((16,), jnp.int32)
    zeros16 = jnp.zeros((16,), jnp.int32)

    pltpu.sync_copy(tgt_hbm, tgt_v)

    def usort(x):
        b = plsc.bitcast(x, jnp.int32)
        return jnp.where(b < 0, ~b, b ^ _MININT)

    def zero_hist():
        @plsc.parallel_loop(0, 256, 1, unroll=4)
        def _(bb):
            plsc.store_scatter(hist_v, [bb * 16 + lane], zeros16)

    def hist_pass(l, prefix, mx):
        shift_b = jnp.int32(24 - 8 * l)
        shift_p = jnp.int32(32 - 8 * l)

        def body(c, mx):
            x = row_v[pl.ds(c * 16, 16)]
            ub = usort(x)
            bucket = lax.shift_right_logical(ub, shift_b) & jnp.int32(0xFF)
            idx = bucket * 16 + lane
            if l == 0:
                plsc.addupdate_scatter(hist_v, [idx], ones)
                mx = jnp.maximum(mx, x)
            else:
                active = lax.shift_right_logical(ub, shift_p) == prefix
                plsc.addupdate_scatter(hist_v, [idx], ones, mask=active)
            return mx
        return plsc.parallel_loop(0, chunks, 1, unroll=8, carry=mx)(body)

    def walk(k_rem):
        def wb(i, carry):
            cum, b0, above = carry
            bb = 255 - i
            tot = jnp.sum(plsc.load_gather(hist_v, [bb * 16 + lane]))
            plsc.store_scatter(hist_v, [bb * 16 + lane], zeros16)
            newcum = cum + tot
            crossing = (cum < k_rem) & (newcum >= k_rem)
            b0 = jnp.where(crossing, bb, b0)
            above = jnp.where(crossing, cum, above)
            return newcum, b0, above
        _, b0, above = lax.fori_loop(0, 256, wb, (jnp.int32(0), jnp.int32(0),
                                                  jnp.int32(0)))
        return b0, above

    def row_body(r, c):
        row = wid * rows_per + r
        pltpu.sync_copy(x_hbm.at[row], row_v)
        t_splat = plsc.load_gather(tgt_v, [jnp.full((16,), row, jnp.int32)])

        prefix = jnp.int32(0)
        k_rem = jnp.int32(_K)
        mx = jnp.full((16,), -jnp.inf, jnp.float32)
        for l in range(4):
            mx = hist_pass(l, prefix, mx)
            b0, above = walk(k_rem)
            k_rem = k_rem - above
            prefix = (prefix << 8) | b0
        t_us = prefix
        cnt_gt = jnp.int32(_K) - k_rem
        m = jnp.max(mx)
        t_bias = t_us ^ _MININT

        def fin(c, carry):
            se, sgt, xt, yt, cnteq = carry
            x = row_v[pl.ds(c * 16, 16)]
            ub = usort(x)
            se = se + jnp.exp(x - m)
            gt = (ub ^ _MININT) > t_bias
            sgt = sgt + jnp.where(gt, x, 0.0)
            gi = c * 16 + lane
            tm = gi == t_splat
            xt = xt + jnp.where(tm, x, 0.0)
            yt = yt + jnp.where(tm, ub, 0)
            eq = (ub == t_us) & (gi < t_splat)
            cnteq = cnteq + jnp.where(eq, 1, 0)
            return se, sgt, xt, yt, cnteq

        z_f = jnp.zeros((16,), jnp.float32)
        se, sgt, xt, yt, cnteq = plsc.parallel_loop(
            0, chunks, 1, unroll=8,
            carry=(z_f, z_f, z_f, zeros16, zeros16))(fin)

        se_s = jnp.sum(se)
        sgt_s = jnp.sum(sgt)
        xt_s = jnp.sum(xt)
        yt_s = jnp.sum(yt)
        cnteq_s = jnp.sum(cnteq)

        tus_v = jnp.full((16,), t_us, jnp.int32)
        ty_v = jnp.where(tus_v < 0, tus_v ^ _MININT, ~tus_v)
        tf_v = plsc.bitcast(ty_v, jnp.float32)

        incl = ((yt_s ^ _MININT) > t_bias) | \
            ((yt_s == t_us) & (cnt_gt + cnteq_s < _K))
        incl_f = jnp.where(incl, 1.0, 0.0).astype(jnp.float32)

        stat = jnp.where(lane == 0, m, 0.0)
        stat = jnp.where(lane == 1, se_s, stat)
        stat = jnp.where(lane == 2, sgt_s, stat)
        stat = jnp.where(lane == 3, cnt_gt.astype(jnp.float32), stat)
        stat = jnp.where(lane == 4, tf_v, stat)
        stat = jnp.where(lane == 5, xt_s, stat)
        stat = jnp.where(lane == 6, incl_f, stat)
        plsc.store_scatter(stat_v, [r * _STAT + lane], stat)
        return c

    zero_hist()
    lax.fori_loop(0, rows_per, row_body, 0)
    pltpu.sync_copy(stat_v, out_hbm.at[wid])



def _tc_body(tgt_ref, x_ref, out_ref, y_ref, *, rows, vocab, batch, row0):
    i = pl.program_id(0)

    n_sl = 8
    sl_step = ((vocab // n_sl) // 128) * 128
    sl_starts = [s * sl_step for s in range(n_sl)]
    slices = list(zip(sl_starts, sl_starts[1:] + [vocab]))

    m_p, lo_p, hi_p = [], [], []
    for s0, s1 in slices:
        xs = x_ref[:, pl.ds(s0, s1 - s0)]
        bs = jax.lax.bitcast_convert_type(xs, jnp.int32)
        ys = bs ^ jnp.where(bs < 0, jnp.int32(0x7FFFFFFF), jnp.int32(0))
        y_ref[:, pl.ds(s0, s1 - s0)] = ys
        m_p.append(jnp.max(xs, axis=1, keepdims=True))
        lo_p.append(jnp.min(ys, axis=1, keepdims=True))
        hi_p.append(jnp.max(ys, axis=1, keepdims=True))
    m = functools.reduce(jnp.maximum, m_p)
    lo = functools.reduce(jnp.minimum, lo_p)
    hi = functools.reduce(jnp.maximum, hi_p)

    se = None
    for s0, s1 in slices:
        xs = x_ref[:, pl.ds(s0, s1 - s0)]
        p = jnp.sum(jnp.exp(xs - m), axis=1, keepdims=True)
        se = p if se is None else se + p
    lse = m + jnp.log(se)

    def count_ge(mid):
        tot = None
        for s0, s1 in slices:
            c = jnp.sum(jnp.where(y_ref[:, pl.ds(s0, s1 - s0)] >= mid,
                                  1.0, 0.0), axis=1, keepdims=True)
            tot = c if tot is None else tot + c
        return tot

    def step(_, carry):
        lo, hi = carry
        mid = (lo >> 1) + (hi >> 1) + (lo & hi & 1) + ((lo ^ hi) & 1)
        ge = count_ge(mid) >= float(_K)
        lo = jnp.where(ge, mid, lo)
        hi = jnp.where(ge, hi, mid - 1)
        return lo, hi

    lo, hi = jax.lax.fori_loop(0, 32, step, (lo, hi), unroll=False)
    t_sort = lo
    t_val = jax.lax.bitcast_convert_type(
        t_sort ^ jnp.where(t_sort < 0, jnp.int32(0x7FFFFFFF), jnp.int32(0)),
        jnp.float32)

    tcol = jnp.stack([tgt_ref[row0 + i * rows + r] for r in range(rows)]
                     ).reshape(rows, 1)

    cnt_gt = s_gt = x_t = y_t = cnt_eq_lt = None
    for s0, s1 in slices:
        xs = x_ref[:, pl.ds(s0, s1 - s0)]
        ys = y_ref[:, pl.ds(s0, s1 - s0)]
        lane = jax.lax.broadcasted_iota(jnp.int32, (rows, s1 - s0), 1) + s0
        gt = ys > t_sort
        tmask = lane == tcol
        c1 = jnp.sum(jnp.where(gt, 1.0, 0.0), axis=1, keepdims=True)
        c2 = jnp.sum(jnp.where(gt, xs, 0.0), axis=1, keepdims=True)
        c3 = jnp.sum(jnp.where(tmask, xs, 0.0), axis=1, keepdims=True)
        c4 = jnp.sum(jnp.where(tmask, ys, 0), axis=1, keepdims=True)
        c5 = jnp.sum(jnp.where((ys == t_sort) & (lane < tcol), 1.0, 0.0),
                     axis=1, keepdims=True)
        if cnt_gt is None:
            cnt_gt, s_gt, x_t, y_t, cnt_eq_lt = c1, c2, c3, c4, c5
        else:
            cnt_gt += c1
            s_gt += c2
            x_t += c3
            y_t += c4
            cnt_eq_lt += c5
    incl = (y_t > t_sort) | ((y_t == t_sort) & (cnt_gt + cnt_eq_lt
                                                < float(_K)))

    s_topk = s_gt + (_K - cnt_gt) * t_val
    l_sum_topk = _K * lse - s_topk
    l_t = lse - x_t
    loss_rows = (_EPS / _K) * (l_sum_topk - jnp.where(incl, l_t, 0.0)) \
        + (1.0 - _EPS) * l_t

    part = jnp.sum(loss_rows) / batch

    @pl.when(i == 0)
    def _():
        out_ref[0, 0] = 0.0

    out_ref[0, 0] += part



def _epi_body(s_ref, part_ref, out_ref, *, batch):
    s = s_ref[...]
    m = s[:, 0:1]
    se = s[:, 1:2]
    sgt = s[:, 2:3]
    cnt_gt = s[:, 3:4]
    t_f = s[:, 4:5]
    x_t = s[:, 5:6]
    incl = s[:, 6:7]
    lse = m + jnp.log(se)
    s_topk = sgt + (_K - cnt_gt) * t_f
    l_sum_topk = _K * lse - s_topk
    l_t = lse - x_t
    loss = (_EPS / _K) * (l_sum_topk - incl * l_t) + (1.0 - _EPS) * l_t
    out_ref[0, 0] = jnp.sum(loss) / batch + part_ref[0, 0]


def kernel(inputs, targets):
    B, V = inputs.shape
    t32 = targets.astype(jnp.int32)
    sc_rows = _SC_ROWS
    tc_rows = B - sc_rows
    rows_per = sc_rows // _NW

    sc = pl.kernel(
        functools.partial(_sc_body, sc_rows=sc_rows, vocab=V),
        out_type=jax.ShapeDtypeStruct((_NW, rows_per * _STAT), jnp.float32),
        mesh=plsc.VectorSubcoreMesh(core_axis_name="c", subcore_axis_name="s"),
        compiler_params=pltpu.CompilerParams(needs_layout_passes=False),
        scratch_types=[
            pltpu.VMEM((V,), jnp.float32),
            pltpu.VMEM((4096,), jnp.int32),
            pltpu.VMEM((B,), jnp.int32),
            pltpu.VMEM((rows_per * _STAT,), jnp.float32),
        ],
    )
    stats = sc(inputs, t32).reshape(sc_rows, _STAT)

    blk0 = sc_rows // _TC_BLOCK
    tc_part = pl.pallas_call(
        functools.partial(_tc_body, rows=_TC_BLOCK, vocab=V, batch=float(B),
                          row0=sc_rows),
        grid_spec=pltpu.PrefetchScalarGridSpec(
            num_scalar_prefetch=1,
            grid=(tc_rows // _TC_BLOCK,),
            in_specs=[pl.BlockSpec((_TC_BLOCK, V),
                                   lambda i, t: (i + blk0, 0))],
            out_specs=pl.BlockSpec(memory_space=pltpu.SMEM),
            scratch_shapes=[pltpu.VMEM((_TC_BLOCK, V), jnp.int32)],
        ),
        out_shape=jax.ShapeDtypeStruct((1, 1), jnp.float32),
    )(t32, inputs)

    out = pl.pallas_call(
        functools.partial(_epi_body, batch=float(B)),
        out_shape=jax.ShapeDtypeStruct((1, 1), jnp.float32),
        in_specs=[pl.BlockSpec((sc_rows, _STAT), lambda: (0, 0)),
                  pl.BlockSpec(memory_space=pltpu.SMEM)],
        out_specs=pl.BlockSpec(memory_space=pltpu.SMEM),
    )(stats, tc_part)
    return out[0, 0]

# --- scband reference (transcript-rebuilt; emitter-appended) ---
"""Pipeline reference for scband-lsr-topk-72301479460872 (READ-ONLY COPY).

The authoritative reference and input builder live on the scoring server;
editing this copy changes nothing except your own understanding.
"""

import jax, jax.numpy as jnp
import numpy as np

EPSILON = 0.1
TOPK = 39935


def setup_inputs(seed: int = 0) -> dict:
    key = jax.random.key(seed)
    k1, k2 = jax.random.split(key)
    inputs = jax.random.normal(k1, (128, 100000), dtype=jnp.float32)
    targets = jax.random.randint(k2, (128,), 0, 100000, dtype=jnp.int64)
    return {"inputs": inputs, "targets": targets}


def reference(inputs, targets):
    B, V = inputs.shape
    # _get_one_hot: build smoothed target distribution (detached in torch)
    _, topk_idx = jax.lax.top_k(inputs, TOPK)  # [B, TOPK] indices
    onehot = jnp.zeros((B, V), dtype=jnp.float32)
    rows = jnp.arange(B)[:, None]
    # scatter_(1, topk_idx, eps/topk) -> overwrite
    onehot = onehot.at[rows, topk_idx].set(EPSILON / TOPK)
    # scatter_(1, targets, 1 - eps) -> overwrite (target wins even if in topk)
    onehot = onehot.at[jnp.arange(B), targets].set(1.0 - EPSILON)
    # log_softmax along dim=1 (legacy 2D default)
    log_probs = jax.nn.log_softmax(inputs, axis=1)
    loss = -(onehot * log_probs)
    loss = loss.sum(axis=1)
    loss = loss.mean(axis=0)
    return loss

if __name__ == "__main__":
    import jax
    _d = setup_inputs()
    print(jax.jit(kernel)(*tuple(_d.values())))

</pallas_src>

<mosaic_0001>
#map = affine_map<(d0, d1) -> (0, 0)>
#map1 = affine_map<(d0, d1) -> (0)>
module attributes {stable_mosaic.version = 14 : i64} {
  func.func @_sc_body(%arg0: i32, %arg1: i32, %arg2: memref<128x100000xf32, #tpu.memory_space<hbm>>, %arg3: memref<128xi32, #tpu.memory_space<hbm>>, %arg4: memref<32x32xf32, #tpu.memory_space<hbm>>, %arg5: memref<100000xf32, #tpu.memory_space<vmem>>, %arg6: memref<4096xi32, #tpu.memory_space<vmem>>, %arg7: memref<128xi32, #tpu.memory_space<vmem>>, %arg8: memref<32xf32, #tpu.memory_space<vmem>>) attributes {dimension_semantics = [#tpu.dimension_semantics<core_parallel>, #tpu.dimension_semantics<subcore_parallel>], iteration_bounds = array<i64: 2, 16>, scalar_prefetch = 0 : i64, scratch_operands = 4 : i64, tpu.core_type = #tpu.core_type<sc_vector_subcore>, window_params = [{transform_indices = #map}, {transform_indices = #map1}, {transform_indices = #map}]} {
    %mul3A = arith.constant 2 : i32
    %mul3A_0 = arith.muli %arg1, %mul3A : i32
    %add3A = arith.addi %mul3A_0, %arg0 : i32
    %iota3A = tpu.iota {dimensions = array<i32: 0>} : vector<16xi32>
    %broadcast_in_dim3A = arith.constant 1 : i32
    %broadcast_in_dim3A_1 = vector.broadcast %broadcast_in_dim3A : i32 to vector<16xi32>
    %broadcast_in_dim3A_2 = arith.constant 0 : i32
    %broadcast_in_dim3A_3 = vector.broadcast %broadcast_in_dim3A_2 : i32 to vector<16xi32>
    "tpu.region"() ({
      %run_scoped3A = tpu.sem_alloc : memref<!tpu.dma_semaphore, #tpu.memory_space<semaphore_mem>>
      tpu.enqueue_dma source(%arg3 : memref<128xi32, #tpu.memory_space<hbm>>) target(%arg7 : memref<128xi32, #tpu.memory_space<vmem>>) target_semaphore(%run_scoped3A : memref<!tpu.dma_semaphore, #tpu.memory_space<semaphore_mem>>)
      tpu.wait_dma2 semaphore(%run_scoped3A : memref<!tpu.dma_semaphore, #tpu.memory_space<semaphore_mem>>) src(%arg3 : memref<128xi32, #tpu.memory_space<hbm>>) dst(%arg7 : memref<128xi32, #tpu.memory_space<vmem>>)
      tpu.yield
    }) : () -> ()
    %parallel_loop3A = arith.constant 0 : i32
    %parallel_loop3A_4 = arith.constant 256 : i32
    %parallel_loop3A_5 = arith.constant 1 : i32
    scf.for %parallel_loop3A_11 = %parallel_loop3A to %parallel_loop3A_4 step %parallel_loop3A_5  : i32 {
      %parallel_loop3A_12 = arith.constant 16 : i32
      %parallel_loop3A_13 = arith.muli %parallel_loop3A_11, %parallel_loop3A_12 : i32
      %parallel_loop3A_14 = vector.broadcast %parallel_loop3A_13 : i32 to vector<16xi32>
      %parallel_loop3A_15 = arith.addi %parallel_loop3A_14, %iota3A : vector<16xi32>
      tpu.vector_store_idx %arg6[%parallel_loop3A_15], %broadcast_in_dim3A_3 : memref<4096xi32, #tpu.memory_space<vmem>>[vector<16xi32>], vector<16xi32>,
    } {sc.loop_unroll_factor = 4 : i64, sc.parallel_access}
    %scan3A = arith.constant 0 : i32
    %scan3A_6 = arith.constant 0 : i32
    %scan3A_7 = arith.constant 2 : i32
    %scan3A_8 = arith.addi %scan3A_6, %scan3A_7 : i32
    %scan3A_9 = arith.constant 1 : i32
    scf.for %scan3A_11 = %scan3A_6 to %scan3A_8 step %scan3A_9  : i32 {
      %mul3A_12 = arith.constant 2 : i32
      %mul3A_13 = arith.muli %add3A, %mul3A_12 : i32
      %add3A_14 = arith.addi %mul3A_13, %scan3A_11 : i32
      "tpu.region"() ({
        %run_scoped3A = tpu.sem_alloc : memref<!tpu.dma_semaphore, #tpu.memory_space<semaphore_mem>>
        %dma_start3A = arith.constant 0 : i32
        %dma_start3A_179 = tpu.memref_slice %arg2[%add3A_14, %dma_start3A] : memref<128x100000xf32, #tpu.memory_space<hbm>> -> memref<1x100000xf32, #tpu.memory_space<hbm>>
        %dma_start3A_180 = tpu.memref_squeeze %dma_start3A_179 : memref<1x100000xf32, #tpu.memory_space<hbm>> -> memref<100000xf32, #tpu.memory_space<hbm>>
        %dma_start3A_181 = arith.constant 0 : i32
        %dma_start3A_182 = tpu.memref_slice %arg2[%add3A_14, %dma_start3A_181] : memref<128x100000xf32, #tpu.memory_space<hbm>> -> memref<1x100000xf32, #tpu.memory_space<hbm>>
        %dma_start3A_183 = tpu.memref_squeeze %dma_start3A_182 : memref<1x100000xf32, #tpu.memory_space<hbm>> -> memref<100000xf32, #tpu.memory_space<hbm>>
        tpu.enqueue_dma source(%dma_start3A_183 : memref<100000xf32, #tpu.memory_space<hbm>>) target(%arg5 : memref<100000xf32, #tpu.memory_space<vmem>>) target_semaphore(%run_scoped3A : memref<!tpu.dma_semaphore, #tpu.memory_space<semaphore_mem>>)
        %dma_wait3A = arith.constant 0 : i32
        %dma_wait3A_184 = tpu.memref_slice %arg2[%add3A_14, %dma_wait3A] : memref<128x100000xf32, #tpu.memory_space<hbm>> -> memref<1x100000xf32, #tpu.memory_space<hbm>>
        %dma_wait3A_185 = tpu.memref_squeeze %dma_wait3A_184 : memref<1x100000xf32, #tpu.memory_space<hbm>> -> memref<100000xf32, #tpu.memory_space<hbm>>
        %dma_wait3A_186 = arith.constant 0 : i32
        %dma_wait3A_187 = tpu.memref_slice %arg2[%add3A_14, %dma_wait3A_186] : memref<128x100000xf32, #tpu.memory_space<hbm>> -> memref<1x100000xf32, #tpu.memory_space<hbm>>
        %dma_wait3A_188 = tpu.memref_squeeze %dma_wait3A_187 : memref<1x100000xf32, #tpu.memory_space<hbm>> -> memref<100000xf32, #tpu.memory_space<hbm>>
        tpu.wait_dma2 semaphore(%run_scoped3A : memref<!tpu.dma_semaphore, #tpu.memory_space<semaphore_mem>>) src(%dma_wait3A_188 : memref<100000xf32, #tpu.memory_space<hbm>>) dst(%arg5 : memref<100000xf32, #tpu.memory_space<vmem>>)
        tpu.yield
      }) : () -> ()
      %broadcast_in_dim3A_15 = vector.broadcast %add3A_14 : i32 to vector<16xi32>
      %gather3A = tpu.vector_load_idx %arg7[%broadcast_in_dim3A_15] : memref<128xi32, #tpu.memory_space<vmem>>[vector<16xi32>], vector<16xi32>,
      %broadcast_in_dim3A_16 = arith.constant 0xFF800000 : f32
      %broadcast_in_dim3A_17 = vector.broadcast %broadcast_in_dim3A_16 : f32 to vector<16xf32>
      %parallel_loop3A_18 = arith.constant 0 : i32
      %parallel_loop3A_19 = arith.constant 6250 : i32
      %parallel_loop3A_20 = arith.constant 1 : i32
      %parallel_loop3A_21 = arith.constant 24 : i32
      %parallel_loop3A_22 = scf.for %parallel_loop3A_179 = %parallel_loop3A_18 to %parallel_loop3A_19 step %parallel_loop3A_20 iter_args(%parallel_loop3A_180 = %broadcast_in_dim3A_17) -> (vector<16xf32>)  : i32 {
        %parallel_loop3A_181 = arith.constant 16 : i32
        %parallel_loop3A_182 = arith.muli %parallel_loop3A_179, %parallel_loop3A_181 : i32
        %parallel_loop3A_183 = arith.index_cast %parallel_loop3A_182 : i32 to index
        %parallel_loop3A_184 = tpu.vector_load %arg5[%parallel_loop3A_183] {strides = array<i32>} : memref<100000xf32, #tpu.memory_space<vmem>>, vector<16xf32>,
        %parallel_loop3A_185 = vector.bitcast %parallel_loop3A_184 : vector<16xf32> to vector<16xi32>
        %parallel_loop3A_186 = arith.constant 0 : i32
        %parallel_loop3A_187 = vector.broadcast %parallel_loop3A_186 : i32 to vector<16xi32>
        %parallel_loop3A_188 = arith.cmpi slt, %parallel_loop3A_185, %parallel_loop3A_187 : vector<16xi32>
        %parallel_loop3A_189 = arith.constant dense<-1> : vector<16xi32>
        %parallel_loop3A_190 = arith.xori %parallel_loop3A_185, %parallel_loop3A_189 : vector<16xi32>
        %parallel_loop3A_191 = arith.constant -2147483648 : i32
        %parallel_loop3A_192 = vector.broadcast %parallel_loop3A_191 : i32 to vector<16xi32>
        %parallel_loop3A_193 = arith.xori %parallel_loop3A_185, %parallel_loop3A_192 : vector<16xi32>
        %parallel_loop3A_194 = arith.select %parallel_loop3A_188, %parallel_loop3A_190, %parallel_loop3A_193 : vector<16xi1>, vector<16xi32>
        %parallel_loop3A_195 = vector.broadcast %parallel_loop3A_21 : i32 to vector<16xi32>
        %parallel_loop3A_196 = arith.shrui %parallel_loop3A_194, %parallel_loop3A_195 : vector<16xi32>
        %parallel_loop3A_197 = arith.constant 255 : i32
        %parallel_loop3A_198 = vector.broadcast %parallel_loop3A_197 : i32 to vector<16xi32>
        %parallel_loop3A_199 = arith.andi %parallel_loop3A_196, %parallel_loop3A_198 : vector<16xi32>
        %parallel_loop3A_200 = arith.constant 16 : i32
        %parallel_loop3A_201 = vector.broadcast %parallel_loop3A_200 : i32 to vector<16xi32>
        %parallel_loop3A_202 = arith.muli %parallel_loop3A_199, %parallel_loop3A_201 : vector<16xi32>
        %parallel_loop3A_203 = arith.addi %parallel_loop3A_202, %iota3A : vector<16xi32>
        tpu.vector_store_idx %arg6[%parallel_loop3A_203], %broadcast_in_dim3A_1 {add = true} : memref<4096xi32, #tpu.memory_space<vmem>>[vector<16xi32>], vector<16xi32>,
        %parallel_loop3A_204 = arith.maximumf %parallel_loop3A_180, %parallel_loop3A_184 : vector<16xf32>
        scf.yield %parallel_loop3A_204 : vector<16xf32>
      } {sc.loop_unroll_factor = 8 : i64, sc.parallel_access}
      %scan3A_23 = arith.constant 39935 : i32
      %scan3A_24 = arith.constant 0 : i32
      %scan3A_25 = arith.constant 0 : i32
      %scan3A_26 = arith.constant 0 : i32
      %scan3A_27 = arith.constant 0 : i32
      %scan3A_28 = arith.constant 256 : i32
      %scan3A_29 = arith.addi %scan3A_27, %scan3A_28 : i32
      %scan3A_30 = arith.constant 1 : i32
      %scan3A_31:3 = scf.for %scan3A_179 = %scan3A_27 to %scan3A_29 step %scan3A_30 iter_args(%scan3A_180 = %scan3A_24, %scan3A_181 = %scan3A_25, %scan3A_182 = %scan3A_26) -> (i32, i32, i32)  : i32 {
        %sub3A_183 = arith.constant 255 : i32
        %sub3A_184 = arith.subi %sub3A_183, %scan3A_179 : i32
        %mul3A_185 = arith.constant 16 : i32
        %mul3A_186 = arith.muli %sub3A_184, %mul3A_185 : i32
        %add3A_187 = vector.broadcast %mul3A_186 : i32 to vector<16xi32>
        %add3A_188 = arith.addi %add3A_187, %iota3A : vector<16xi32>
        %gather3A_189 = tpu.vector_load_idx %arg6[%add3A_188] : memref<4096xi32, #tpu.memory_space<vmem>>[vector<16xi32>], vector<16xi32>,
        %reduce_sum3A_190 = arith.constant true
        %reduce_sum3A_191 = vector.broadcast %reduce_sum3A_190 : i1 to vector<16xi1>
        %reduce_sum3A_192 = tpu.scan <sum>, %gather3A_189 masked %reduce_sum3A_191 : vector<16xi32>, vector<16xi1> -> vector<16xi32>
        %reduce_sum3A_193 = vector.extract %reduce_sum3A_192[15] : i32 from vector<16xi32>
        %mul3A_194 = arith.constant 16 : i32
        %mul3A_195 = arith.muli %sub3A_184, %mul3A_194 : i32
        %add3A_196 = vector.broadcast %mul3A_195 : i32 to vector<16xi32>
        %add3A_197 = arith.addi %add3A_196, %iota3A : vector<16xi32>
        tpu.vector_store_idx %arg6[%add3A_197], %broadcast_in_dim3A_3 : memref<4096xi32, #tpu.memory_space<vmem>>[vector<16xi32>], vector<16xi32>,
        %add3A_198 = arith.addi %scan3A_180, %reduce_sum3A_193 : i32
        %lt3A_199 = arith.cmpi slt, %scan3A_180, %scan3A_23 : i32
        %ge3A = arith.cmpi sge, %add3A_198, %scan3A_23 : i32
        %and3A_200 = arith.andi %lt3A_199, %ge3A : i1
        %select_n3A_201 = arith.select %and3A_200, %sub3A_184, %scan3A_181 : i32
        %select_n3A_202 = arith.select %and3A_200, %scan3A_180, %scan3A_182 : i32
        scf.yield %add3A_198, %select_n3A_201, %select_n3A_202 : i32, i32, i32
      }
      %scan3A_32 = arith.constant 256 : i32
      %sub3A = arith.constant 39935 : i32
      %sub3A_33 = arith.subi %sub3A, %scan3A_31#2 : i32
      %shift_left3A = arith.constant 0 : i32
      %shift_left3A_34 = arith.constant 8 : i32
      %shift_left3A_35 = arith.shli %shift_left3A, %shift_left3A_34 : i32
      %or3A = arith.ori %shift_left3A_35, %scan3A_31#1 : i32
      %parallel_loop3A_36 = arith.constant 0 : i32
      %parallel_loop3A_37 = arith.constant 6250 : i32
      %parallel_loop3A_38 = arith.constant 1 : i32
      %parallel_loop3A_39 = arith.constant 16 : i32
      %parallel_loop3A_40 = arith.constant 24 : i32
      %parallel_loop3A_41 = scf.for %parallel_loop3A_179 = %parallel_loop3A_36 to %parallel_loop3A_37 step %parallel_loop3A_38 iter_args(%parallel_loop3A_180 = %parallel_loop3A_22) -> (vector<16xf32>)  : i32 {
        %parallel_loop3A_181 = arith.constant 16 : i32
        %parallel_loop3A_182 = arith.muli %parallel_loop3A_179, %parallel_loop3A_181 : i32
        %parallel_loop3A_183 = arith.index_cast %parallel_loop3A_182 : i32 to index
        %parallel_loop3A_184 = tpu.vector_load %arg5[%parallel_loop3A_183] {strides = array<i32>} : memref<100000xf32, #tpu.memory_space<vmem>>, vector<16xf32>,
        %parallel_loop3A_185 = vector.bitcast %parallel_loop3A_184 : vector<16xf32> to vector<16xi32>
        %parallel_loop3A_186 = arith.constant 0 : i32
        %parallel_loop3A_187 = vector.broadcast %parallel_loop3A_186 : i32 to vector<16xi32>
        %parallel_loop3A_188 = arith.cmpi slt, %parallel_loop3A_185, %parallel_loop3A_187 : vector<16xi32>
        %parallel_loop3A_189 = arith.constant dense<-1> : vector<16xi32>
        %parallel_loop3A_190 = arith.xori %parallel_loop3A_185, %parallel_loop3A_189 : vector<16xi32>
        %parallel_loop3A_191 = arith.constant -2147483648 : i32
        %parallel_loop3A_192 = vector.broadcast %parallel_loop3A_191 : i32 to vector<16xi32>
        %parallel_loop3A_193 = arith.xori %parallel_loop3A_185, %parallel_loop3A_192 : vector<16xi32>
        %parallel_loop3A_194 = arith.select %parallel_loop3A_188, %parallel_loop3A_190, %parallel_loop3A_193 : vector<16xi1>, vector<16xi32>
        %parallel_loop3A_195 = vector.broadcast %parallel_loop3A_39 : i32 to vector<16xi32>
        %parallel_loop3A_196 = arith.shrui %parallel_loop3A_194, %parallel_loop3A_195 : vector<16xi32>
        %parallel_loop3A_197 = arith.constant 255 : i32
        %parallel_loop3A_198 = vector.broadcast %parallel_loop3A_197 : i32 to vector<16xi32>
        %parallel_loop3A_199 = arith.andi %parallel_loop3A_196, %parallel_loop3A_198 : vector<16xi32>
        %parallel_loop3A_200 = arith.constant 16 : i32
        %parallel_loop3A_201 = vector.broadcast %parallel_loop3A_200 : i32 to vector<16xi32>
        %parallel_loop3A_202 = arith.muli %parallel_loop3A_199, %parallel_loop3A_201 : vector<16xi32>
        %parallel_loop3A_203 = arith.addi %parallel_loop3A_202, %iota3A : vector<16xi32>
        %parallel_loop3A_204 = vector.broadcast %parallel_loop3A_40 : i32 to vector<16xi32>
        %parallel_loop3A_205 = arith.shrui %parallel_loop3A_194, %parallel_loop3A_204 : vector<16xi32>
        %parallel_loop3A_206 = vector.broadcast %or3A : i32 to vector<16xi32>
        %parallel_loop3A_207 = arith.cmpi eq, %parallel_loop3A_205, %parallel_loop3A_206 : vector<16xi32>
        tpu.vector_store_idx %arg6[%parallel_loop3A_203], %broadcast_in_dim3A_1 masked %parallel_loop3A_207 {add = true} : memref<4096xi32, #tpu.memory_space<vmem>>[vector<16xi32>], vector<16xi32>, vector<16xi1>
        scf.yield %parallel_loop3A_180 : vector<16xf32>
      } {sc.loop_unroll_factor = 8 : i64, sc.parallel_access}
      %scan3A_42 = arith.constant 0 : i32
      %scan3A_43 = arith.constant 0 : i32
      %scan3A_44 = arith.constant 0 : i32
      %scan3A_45 = arith.constant 0 : i32
      %scan3A_46 = arith.constant 256 : i32
      %scan3A_47 = arith.addi %scan3A_45, %scan3A_46 : i32
      %scan3A_48 = arith.constant 1 : i32
      %scan3A_49:3 = scf.for %scan3A_179 = %scan3A_45 to %scan3A_47 step %scan3A_48 iter_args(%scan3A_180 = %scan3A_42, %scan3A_181 = %scan3A_43, %scan3A_182 = %scan3A_44) -> (i32, i32, i32)  : i32 {
        %sub3A_183 = arith.constant 255 : i32
        %sub3A_184 = arith.subi %sub3A_183, %scan3A_179 : i32
        %mul3A_185 = arith.constant 16 : i32
        %mul3A_186 = arith.muli %sub3A_184, %mul3A_185 : i32
        %add3A_187 = vector.broadcast %mul3A_186 : i32 to vector<16xi32>
        %add3A_188 = arith.addi %add3A_187, %iota3A : vector<16xi32>
        %gather3A_189 = tpu.vector_load_idx %arg6[%add3A_188] : memref<4096xi32, #tpu.memory_space<vmem>>[vector<16xi32>], vector<16xi32>,
        %reduce_sum3A_190 = arith.constant true
        %reduce_sum3A_191 = vector.broadcast %reduce_sum3A_190 : i1 to vector<16xi1>
        %reduce_sum3A_192 = tpu.scan <sum>, %gather3A_189 masked %reduce_sum3A_191 : vector<16xi32>, vector<16xi1> -> vector<16xi32>
        %reduce_sum3A_193 = vector.extract %reduce_sum3A_192[15] : i32 from vector<16xi32>
        %mul3A_194 = arith.constant 16 : i32
        %mul3A_195 = arith.muli %sub3A_184, %mul3A_194 : i32
        %add3A_196 = vector.broadcast %mul3A_195 : i32 to vector<16xi32>
        %add3A_197 = arith.addi %add3A_196, %iota3A : vector<16xi32>
        tpu.vector_store_idx %arg6[%add3A_197], %broadcast_in_dim3A_3 : memref<4096xi32, #tpu.memory_space<vmem>>[vector<16xi32>], vector<16xi32>,
        %add3A_198 = arith.addi %scan3A_180, %reduce_sum3A_193 : i32
        %lt3A_199 = arith.cmpi slt, %scan3A_180, %sub3A_33 : i32
        %ge3A = arith.cmpi sge, %add3A_198, %sub3A_33 : i32
        %and3A_200 = arith.andi %lt3A_199, %ge3A : i1
        %select_n3A_201 = arith.select %and3A_200, %sub3A_184, %scan3A_181 : i32
        %select_n3A_202 = arith.select %and3A_200, %scan3A_180, %scan3A_182 : i32
        scf.yield %add3A_198, %select_n3A_201, %select_n3A_202 : i32, i32, i32
      }
      %scan3A_50 = arith.constant 256 : i32
      %sub3A_51 = arith.subi %sub3A_33, %scan3A_49#2 : i32
      %shift_left3A_52 = arith.constant 8 : i32
      %shift_left3A_53 = arith.shli %or3A, %shift_left3A_52 : i32
      %or3A_54 = arith.ori %shift_left3A_53, %scan3A_49#1 : i32
      %parallel_loop3A_55 = arith.constant 0 : i32
      %parallel_loop3A_56 = arith.constant 6250 : i32
      %parallel_loop3A_57 = arith.constant 1 : i32
      %parallel_loop3A_58 = arith.constant 8 : i32
      %parallel_loop3A_59 = arith.constant 16 : i32
      %parallel_loop3A_60 = scf.for %parallel_loop3A_179 = %parallel_loop3A_55 to %parallel_loop3A_56 step %parallel_loop3A_57 iter_args(%parallel_loop3A_180 = %parallel_loop3A_41) -> (vector<16xf32>)  : i32 {
        %parallel_loop3A_181 = arith.constant 16 : i32
        %parallel_loop3A_182 = arith.muli %parallel_loop3A_179, %parallel_loop3A_181 : i32
        %parallel_loop3A_183 = arith.index_cast %parallel_loop3A_182 : i32 to index
        %parallel_loop3A_184 = tpu.vector_load %arg5[%parallel_loop3A_183] {strides = array<i32>} : memref<100000xf32, #tpu.memory_space<vmem>>, vector<16xf32>,
        %parallel_loop3A_185 = vector.bitcast %parallel_loop3A_184 : vector<16xf32> to vector<16xi32>
        %parallel_loop3A_186 = arith.constant 0 : i32
        %parallel_loop3A_187 = vector.broadcast %parallel_loop3A_186 : i32 to vector<16xi32>
        %parallel_loop3A_188 = arith.cmpi slt, %parallel_loop3A_185, %parallel_loop3A_187 : vector<16xi32>
        %parallel_loop3A_189 = arith.constant dense<-1> : vector<16xi32>
        %parallel_loop3A_190 = arith.xori %parallel_loop3A_185, %parallel_loop3A_189 : vector<16xi32>
        %parallel_loop3A_191 = arith.constant -2147483648 : i32
        %parallel_loop3A_192 = vector.broadcast %parallel_loop3A_191 : i32 to vector<16xi32>
        %parallel_loop3A_193 = arith.xori %parallel_loop3A_185, %parallel_loop3A_192 : vector<16xi32>
        %parallel_loop3A_194 = arith.select %parallel_loop3A_188, %parallel_loop3A_190, %parallel_loop3A_193 : vector<16xi1>, vector<16xi32>
        %parallel_loop3A_195 = vector.broadcast %parallel_loop3A_58 : i32 to vector<16xi32>
        %parallel_loop3A_196 = arith.shrui %parallel_loop3A_194, %parallel_loop3A_195 : vector<16xi32>
        %parallel_loop3A_197 = arith.constant 255 : i32
        %parallel_loop3A_198 = vector.broadcast %parallel_loop3A_197 : i32 to vector<16xi32>
        %parallel_loop3A_199 = arith.andi %parallel_loop3A_196, %parallel_loop3A_198 : vector<16xi32>
        %parallel_loop3A_200 = arith.constant 16 : i32
        %parallel_loop3A_201 = vector.broadcast %parallel_loop3A_200 : i32 to vector<16xi32>
        %parallel_loop3A_202 = arith.muli %parallel_loop3A_199, %parallel_loop3A_201 : vector<16xi32>
        %parallel_loop3A_203 = arith.addi %parallel_loop3A_202, %iota3A : vector<16xi32>
        %parallel_loop3A_204 = vector.broadcast %parallel_loop3A_59 : i32 to vector<16xi32>
        %parallel_loop3A_205 = arith.shrui %parallel_loop3A_194, %parallel_loop3A_204 : vector<16xi32>
        %parallel_loop3A_206 = vector.broadcast %or3A_54 : i32 to vector<16xi32>
        %parallel_loop3A_207 = arith.cmpi eq, %parallel_loop3A_205, %parallel_loop3A_206 : vector<16xi32>
        tpu.vector_store_idx %arg6[%parallel_loop3A_203], %broadcast_in_dim3A_1 masked %parallel_loop3A_207 {add = true} : memref<4096xi32, #tpu.memory_space<vmem>>[vector<16xi32>], vector<16xi32>, vector<16xi1>
        scf.yield %parallel_loop3A_180 : vector<16xf32>
      } {sc.loop_unroll_factor = 8 : i64, sc.parallel_access}
      %scan3A_61 = arith.constant 0 : i32
      %scan3A_62 = arith.constant 0 : i32
      %scan3A_63 = arith.constant 0 : i32
      %scan3A_64 = arith.constant 0 : i32
      %scan3A_65 = arith.constant 256 : i32
      %scan3A_66 = arith.addi %scan3A_64, %scan3A_65 : i32
      %scan3A_67 = arith.constant 1 : i32
      %scan3A_68:3 = scf.for %scan3A_179 = %scan3A_64 to %scan3A_66 step %scan3A_67 iter_args(%scan3A_180 = %scan3A_61, %scan3A_181 = %scan3A_62, %scan3A_182 = %scan3A_63) -> (i32, i32, i32)  : i32 {
        %sub3A_183 = arith.constant 255 : i32
        %sub3A_184 = arith.subi %sub3A_183, %scan3A_179 : i32
        %mul3A_185 = arith.constant 16 : i32
        %mul3A_186 = arith.muli %sub3A_184, %mul3A_185 : i32
        %add3A_187 = vector.broadcast %mul3A_186 : i32 to vector<16xi32>
        %add3A_188 = arith.addi %add3A_187, %iota3A : vector<16xi32>
        %gather3A_189 = tpu.vector_load_idx %arg6[%add3A_188] : memref<4096xi32, #tpu.memory_space<vmem>>[vector<16xi32>], vector<16xi32>,
        %reduce_sum3A_190 = arith.constant true
        %reduce_sum3A_191 = vector.broadcast %reduce_sum3A_190 : i1 to vector<16xi1>
        %reduce_sum3A_192 = tpu.scan <sum>, %gather3A_189 masked %reduce_sum3A_191 : vector<16xi32>, vector<16xi1> -> vector<16xi32>
        %reduce_sum3A_193 = vector.extract %reduce_sum3A_192[15] : i32 from vector<16xi32>
        %mul3A_194 = arith.constant 16 : i32
        %mul3A_195 = arith.muli %sub3A_184, %mul3A_194 : i32
        %add3A_196 = vector.broadcast %mul3A_195 : i32 to vector<16xi32>
        %add3A_197 = arith.addi %add3A_196, %iota3A : vector<16xi32>
        tpu.vector_store_idx %arg6[%add3A_197], %broadcast_in_dim3A_3 : memref<4096xi32, #tpu.memory_space<vmem>>[vector<16xi32>], vector<16xi32>,
        %add3A_198 = arith.addi %scan3A_180, %reduce_sum3A_193 : i32
        %lt3A_199 = arith.cmpi slt, %scan3A_180, %sub3A_51 : i32
        %ge3A = arith.cmpi sge, %add3A_198, %sub3A_51 : i32
        %and3A_200 = arith.andi %lt3A_199, %ge3A : i1
        %select_n3A_201 = arith.select %and3A_200, %sub3A_184, %scan3A_181 : i32
        %select_n3A_202 = arith.select %and3A_200, %scan3A_180, %scan3A_182 : i32
        scf.yield %add3A_198, %select_n3A_201, %select_n3A_202 : i32, i32, i32
      }
      %scan3A_69 = arith.constant 256 : i32
      %sub3A_70 = arith.subi %sub3A_51, %scan3A_68#2 : i32
      %shift_left3A_71 = arith.constant 8 : i32
      %shift_left3A_72 = arith.shli %or3A_54, %shift_left3A_71 : i32
      %or3A_73 = arith.ori %shift_left3A_72, %scan3A_68#1 : i32
      %parallel_loop3A_74 = arith.constant 0 : i32
      %parallel_loop3A_75 = arith.constant 6250 : i32
      %parallel_loop3A_76 = arith.constant 1 : i32
      %parallel_loop3A_77 = arith.constant 0 : i32
      %parallel_loop3A_78 = arith.constant 8 : i32
      %parallel_loop3A_79 = scf.for %parallel_loop3A_179 = %parallel_loop3A_74 to %parallel_loop3A_75 step %parallel_loop3A_76 iter_args(%parallel_loop3A_180 = %parallel_loop3A_60) -> (vector<16xf32>)  : i32 {
        %parallel_loop3A_181 = arith.constant 16 : i32
        %parallel_loop3A_182 = arith.muli %parallel_loop3A_179, %parallel_loop3A_181 : i32
        %parallel_loop3A_183 = arith.index_cast %parallel_loop3A_182 : i32 to index
        %parallel_loop3A_184 = tpu.vector_load %arg5[%parallel_loop3A_183] {strides = array<i32>} : memref<100000xf32, #tpu.memory_space<vmem>>, vector<16xf32>,
        %parallel_loop3A_185 = vector.bitcast %parallel_loop3A_184 : vector<16xf32> to vector<16xi32>
        %parallel_loop3A_186 = arith.constant 0 : i32
        %parallel_loop3A_187 = vector.broadcast %parallel_loop3A_186 : i32 to vector<16xi32>
        %parallel_loop3A_188 = arith.cmpi slt, %parallel_loop3A_185, %parallel_loop3A_187 : vector<16xi32>
        %parallel_loop3A_189 = arith.constant dense<-1> : vector<16xi32>
        %parallel_loop3A_190 = arith.xori %parallel_loop3A_185, %parallel_loop3A_189 : vector<16xi32>
        %parallel_loop3A_191 = arith.constant -2147483648 : i32
        %parallel_loop3A_192 = vector.broadcast %parallel_loop3A_191 : i32 to vector<16xi32>
        %parallel_loop3A_193 = arith.xori %parallel_loop3A_185, %parallel_loop3A_192 : vector<16xi32>
        %parallel_loop3A_194 = arith.select %parallel_loop3A_188, %parallel_loop3A_190, %parallel_loop3A_193 : vector<16xi1>, vector<16xi32>
        %parallel_loop3A_195 = vector.broadcast %parallel_loop3A_77 : i32 to vector<16xi32>
        %parallel_loop3A_196 = arith.shrui %parallel_loop3A_194, %parallel_loop3A_195 : vector<16xi32>
        %parallel_loop3A_197 = arith.constant 255 : i32
        %parallel_loop3A_198 = vector.broadcast %parallel_loop3A_197 : i32 to vector<16xi32>
        %parallel_loop3A_199 = arith.andi %parallel_loop3A_196, %parallel_loop3A_198 : vector<16xi32>
        %parallel_loop3A_200 = arith.constant 16 : i32
        %parallel_loop3A_201 = vector.broadcast %parallel_loop3A_200 : i32 to vector<16xi32>
        %parallel_loop3A_202 = arith.muli %parallel_loop3A_199, %parallel_loop3A_201 : vector<16xi32>
        %parallel_loop3A_203 = arith.addi %parallel_loop3A_202, %iota3A : vector<16xi32>
        %parallel_loop3A_204 = vector.broadcast %parallel_loop3A_78 : i32 to vector<16xi32>
        %parallel_loop3A_205 = arith.shrui %parallel_loop3A_194, %parallel_loop3A_204 : vector<16xi32>
        %parallel_loop3A_206 = vector.broadcast %or3A_73 : i32 to vector<16xi32>
        %parallel_loop3A_207 = arith.cmpi eq, %parallel_loop3A_205, %parallel_loop3A_206 : vector<16xi32>
        tpu.vector_store_idx %arg6[%parallel_loop3A_203], %broadcast_in_dim3A_1 masked %parallel_loop3A_207 {add = true} : memref<4096xi32, #tpu.memory_space<vmem>>[vector<16xi32>], vector<16xi32>, vector<16xi1>
        scf.yield %parallel_loop3A_180 : vector<16xf32>
      } {sc.loop_unroll_factor = 8 : i64, sc.parallel_access}
      %scan3A_80 = arith.constant 0 : i32
      %scan3A_81 = arith.constant 0 : i32
      %scan3A_82 = arith.constant 0 : i32
      %scan3A_83 = arith.constant 0 : i32
      %scan3A_84 = arith.constant 256 : i32
      %scan3A_85 = arith.addi %scan3A_83, %scan3A_84 : i32
      %scan3A_86 = arith.constant 1 : i32
      %scan3A_87:3 = scf.for %scan3A_179 = %scan3A_83 to %scan3A_85 step %scan3A_86 iter_args(%scan3A_180 = %scan3A_80, %scan3A_181 = %scan3A_81, %scan3A_182 = %scan3A_82) -> (i32, i32, i32)  : i32 {
        %sub3A_183 = arith.constant 255 : i32
        %sub3A_184 = arith.subi %sub3A_183, %scan3A_179 : i32
        %mul3A_185 = arith.constant 16 : i32
        %mul3A_186 = arith.muli %sub3A_184, %mul3A_185 : i32
        %add3A_187 = vector.broadcast %mul3A_186 : i32 to vector<16xi32>
        %add3A_188 = arith.addi %add3A_187, %iota3A : vector<16xi32>
        %gather3A_189 = tpu.vector_load_idx %arg6[%add3A_188] : memref<4096xi32, #tpu.memory_space<vmem>>[vector<16xi32>], vector<16xi32>,
        %reduce_sum3A_190 = arith.constant true
        %reduce_sum3A_191 = vector.broadcast %reduce_sum3A_190 : i1 to vector<16xi1>
        %reduce_sum3A_192 = tpu.scan <sum>, %gather3A_189 masked %reduce_sum3A_191 : vector<16xi32>, vector<16xi1> -> vector<16xi32>
        %reduce_sum3A_193 = vector.extract %reduce_sum3A_192[15] : i32 from vector<16xi32>
        %mul3A_194 = arith.constant 16 : i32
        %mul3A_195 = arith.muli %sub3A_184, %mul3A_194 : i32
        %add3A_196 = vector.broadcast %mul3A_195 : i32 to vector<16xi32>
        %add3A_197 = arith.addi %add3A_196, %iota3A : vector<16xi32>
        tpu.vector_store_idx %arg6[%add3A_197], %broadcast_in_dim3A_3 : memref<4096xi32, #tpu.memory_space<vmem>>[vector<16xi32>], vector<16xi32>,
        %add3A_198 = arith.addi %scan3A_180, %reduce_sum3A_193 : i32
        %lt3A_199 = arith.cmpi slt, %scan3A_180, %sub3A_70 : i32
        %ge3A = arith.cmpi sge, %add3A_198, %sub3A_70 : i32
        %and3A_200 = arith.andi %lt3A_199, %ge3A : i1
        %select_n3A_201 = arith.select %and3A_200, %sub3A_184, %scan3A_181 : i32
        %select_n3A_202 = arith.select %and3A_200, %scan3A_180, %scan3A_182 : i32
        scf.yield %add3A_198, %select_n3A_201, %select_n3A_202 : i32, i32, i32
      }
      %scan3A_88 = arith.constant 256 : i32
      %sub3A_89 = arith.subi %sub3A_70, %scan3A_87#2 : i32
      %shift_left3A_90 = arith.constant 8 : i32
      %shift_left3A_91 = arith.shli %or3A_73, %shift_left3A_90 : i32
      %or3A_92 = arith.ori %shift_left3A_91, %scan3A_87#1 : i32
      %sub3A_93 = arith.constant 39935 : i32
      %sub3A_94 = arith.subi %sub3A_93, %sub3A_89 : i32
      %reduce_max3A = arith.constant true
      %reduce_max3A_95 = vector.broadcast %reduce_max3A : i1 to vector<16xi1>
      %reduce_max3A_96 = tpu.scan <max>, %parallel_loop3A_79 masked %reduce_max3A_95 : vector<16xf32>, vector<16xi1> -> vector<16xf32>
      %reduce_max3A_97 = vector.extract %reduce_max3A_96[15] : f32 from vector<16xf32>
      %xor3A = arith.constant -2147483648 : i32
      %xor3A_98 = arith.xori %or3A_92, %xor3A : i32
      %broadcast_in_dim3A_99 = arith.constant 0.000000e+00 : f32
      %broadcast_in_dim3A_100 = vector.broadcast %broadcast_in_dim3A_99 : f32 to vector<16xf32>
      %parallel_loop3A_101 = arith.constant 0 : i32
      %parallel_loop3A_102 = arith.constant 6250 : i32
      %parallel_loop3A_103 = arith.constant 1 : i32
      %parallel_loop3A_104:5 = scf.for %parallel_loop3A_179 = %parallel_loop3A_101 to %parallel_loop3A_102 step %parallel_loop3A_103 iter_args(%parallel_loop3A_180 = %broadcast_in_dim3A_100, %parallel_loop3A_181 = %broadcast_in_dim3A_100, %parallel_loop3A_182 = %broadcast_in_dim3A_100, %parallel_loop3A_183 = %broadcast_in_dim3A_3, %parallel_loop3A_184 = %broadcast_in_dim3A_3) -> (vector<16xf32>, vector<16xf32>, vector<16xf32>, vector<16xi32>, vector<16xi32>)  : i32 {
        %parallel_loop3A_185 = arith.constant 16 : i32
        %parallel_loop3A_186 = arith.muli %parallel_loop3A_179, %parallel_loop3A_185 : i32
        %parallel_loop3A_187 = arith.index_cast %parallel_loop3A_186 : i32 to index
        %parallel_loop3A_188 = tpu.vector_load %arg5[%parallel_loop3A_187] {strides = array<i32>} : memref<100000xf32, #tpu.memory_space<vmem>>, vector<16xf32>,
        %parallel_loop3A_189 = vector.bitcast %parallel_loop3A_188 : vector<16xf32> to vector<16xi32>
        %parallel_loop3A_190 = arith.constant 0 : i32
        %parallel_loop3A_191 = vector.broadcast %parallel_loop3A_190 : i32 to vector<16xi32>
        %parallel_loop3A_192 = arith.cmpi slt, %parallel_loop3A_189, %parallel_loop3A_191 : vector<16xi32>
        %parallel_loop3A_193 = arith.constant dense<-1> : vector<16xi32>
        %parallel_loop3A_194 = arith.xori %parallel_loop3A_189, %parallel_loop3A_193 : vector<16xi32>
        %parallel_loop3A_195 = arith.constant -2147483648 : i32
        %parallel_loop3A_196 = vector.broadcast %parallel_loop3A_195 : i32 to vector<16xi32>
        %parallel_loop3A_197 = arith.xori %parallel_loop3A_189, %parallel_loop3A_196 : vector<16xi32>
        %parallel_loop3A_198 = arith.select %parallel_loop3A_192, %parallel_loop3A_194, %parallel_loop3A_197 : vector<16xi1>, vector<16xi32>
        %parallel_loop3A_199 = vector.broadcast %reduce_max3A_97 : f32 to vector<16xf32>
        %parallel_loop3A_200 = arith.subf %parallel_loop3A_188, %parallel_loop3A_199 : vector<16xf32>
        %parallel_loop3A_201 = math.exp %parallel_loop3A_200 : vector<16xf32>
        %parallel_loop3A_202 = arith.addf %parallel_loop3A_180, %parallel_loop3A_201 : vector<16xf32>
        %parallel_loop3A_203 = arith.constant -2147483648 : i32
        %parallel_loop3A_204 = vector.broadcast %parallel_loop3A_203 : i32 to vector<16xi32>
        %parallel_loop3A_205 = arith.xori %parallel_loop3A_198, %parallel_loop3A_204 : vector<16xi32>
        %parallel_loop3A_206 = vector.broadcast %xor3A_98 : i32 to vector<16xi32>
        %parallel_loop3A_207 = arith.cmpi sgt, %parallel_loop3A_205, %parallel_loop3A_206 : vector<16xi32>
        %parallel_loop3A_208 = arith.constant 0.000000e+00 : f32
        %parallel_loop3A_209 = vector.broadcast %parallel_loop3A_208 : f32 to vector<16xf32>
        %parallel_loop3A_210 = arith.select %parallel_loop3A_207, %parallel_loop3A_188, %parallel_loop3A_209 : vector<16xi1>, vector<16xf32>
        %parallel_loop3A_211 = arith.addf %parallel_loop3A_181, %parallel_loop3A_210 : vector<16xf32>
        %parallel_loop3A_212 = arith.constant 16 : i32
        %parallel_loop3A_213 = arith.muli %parallel_loop3A_179, %parallel_loop3A_212 : i32
        %parallel_loop3A_214 = vector.broadcast %parallel_loop3A_213 : i32 to vector<16xi32>
        %parallel_loop3A_215 = arith.addi %parallel_loop3A_214, %iota3A : vector<16xi32>
        %parallel_loop3A_216 = arith.cmpi eq, %parallel_loop3A_215, %gather3A : vector<16xi32>
        %parallel_loop3A_217 = arith.constant 0.000000e+00 : f32
        %parallel_loop3A_218 = vector.broadcast %parallel_loop3A_217 : f32 to vector<16xf32>
        %parallel_loop3A_219 = arith.select %parallel_loop3A_216, %parallel_loop3A_188, %parallel_loop3A_218 : vector<16xi1>, vector<16xf32>
        %parallel_loop3A_220 = arith.addf %parallel_loop3A_182, %parallel_loop3A_219 : vector<16xf32>
        %parallel_loop3A_221 = arith.constant 0 : i32
        %parallel_loop3A_222 = vector.broadcast %parallel_loop3A_221 : i32 to vector<16xi32>
        %parallel_loop3A_223 = arith.select %parallel_loop3A_216, %parallel_loop3A_198, %parallel_loop3A_222 : vector<16xi1>, vector<16xi32>
        %parallel_loop3A_224 = arith.addi %parallel_loop3A_183, %parallel_loop3A_223 : vector<16xi32>
        %parallel_loop3A_225 = vector.broadcast %or3A_92 : i32 to vector<16xi32>
        %parallel_loop3A_226 = arith.cmpi eq, %parallel_loop3A_198, %parallel_loop3A_225 : vector<16xi32>
        %parallel_loop3A_227 = arith.cmpi slt, %parallel_loop3A_215, %gather3A : vector<16xi32>
        %parallel_loop3A_228 = arith.andi %parallel_loop3A_226, %parallel_loop3A_227 : vector<16xi1>
        %parallel_loop3A_229 = arith.constant 1 : i32
        %parallel_loop3A_230 = arith.constant 0 : i32
        %parallel_loop3A_231 = vector.broadcast %parallel_loop3A_229 : i32 to vector<16xi32>
        %parallel_loop3A_232 = vector.broadcast %parallel_loop3A_230 : i32 to vector<16xi32>
        %parallel_loop3A_233 = arith.select %parallel_loop3A_228, %parallel_loop3A_231, %parallel_loop3A_232 : vector<16xi1>, vector<16xi32>
        %parallel_loop3A_234 = arith.addi %parallel_loop3A_184, %parallel_loop3A_233 : vector<16xi32>
        scf.yield %parallel_loop3A_202, %parallel_loop3A_211, %parallel_loop3A_220, %parallel_loop3A_224, %parallel_loop3A_234 : vector<16xf32>, vector<16xf32>, vector<16xf32>, vector<16xi32>, vector<16xi32>
      } {sc.loop_unroll_factor = 8 : i64, sc.parallel_access}
      %reduce_sum3A = arith.constant true
      %reduce_sum3A_105 = vector.broadcast %reduce_sum3A : i1 to vector<16xi1>
      %reduce_sum3A_106 = tpu.scan <sum>, %parallel_loop3A_104#0 masked %reduce_sum3A_105 : vector<16xf32>, vector<16xi1> -> vector<16xf32>
      %reduce_sum3A_107 = vector.extract %reduce_sum3A_106[15] : f32 from vector<16xf32>
      %reduce_sum3A_108 = arith.constant true
      %reduce_sum3A_109 = vector.broadcast %reduce_sum3A_108 : i1 to vector<16xi1>
      %reduce_sum3A_110 = tpu.scan <sum>, %parallel_loop3A_104#1 masked %reduce_sum3A_109 : vector<16xf32>, vector<16xi1> -> vector<16xf32>
      %reduce_sum3A_111 = vector.extract %reduce_sum3A_110[15] : f32 from vector<16xf32>
      %reduce_sum3A_112 = arith.constant true
      %reduce_sum3A_113 = vector.broadcast %reduce_sum3A_112 : i1 to vector<16xi1>
      %reduce_sum3A_114 = tpu.scan <sum>, %parallel_loop3A_104#2 masked %reduce_sum3A_113 : vector<16xf32>, vector<16xi1> -> vector<16xf32>
      %reduce_sum3A_115 = vector.extract %reduce_sum3A_114[15] : f32 from vector<16xf32>
      %reduce_sum3A_116 = arith.constant true
      %reduce_sum3A_117 = vector.broadcast %reduce_sum3A_116 : i1 to vector<16xi1>
      %reduce_sum3A_118 = tpu.scan <sum>, %parallel_loop3A_104#3 masked %reduce_sum3A_117 : vector<16xi32>, vector<16xi1> -> vector<16xi32>
      %reduce_sum3A_119 = vector.extract %reduce_sum3A_118[15] : i32 from vector<16xi32>
      %reduce_sum3A_120 = arith.constant true
      %reduce_sum3A_121 = vector.broadcast %reduce_sum3A_120 : i1 to vector<16xi1>
      %reduce_sum3A_122 = tpu.scan <sum>, %parallel_loop3A_104#4 masked %reduce_sum3A_121 : vector<16xi32>, vector<16xi1> -> vector<16xi32>
      %reduce_sum3A_123 = vector.extract %reduce_sum3A_122[15] : i32 from vector<16xi32>
      %broadcast_in_dim3A_124 = vector.broadcast %or3A_92 : i32 to vector<16xi32>
      %lt3A = arith.constant 0 : i32
      %lt3A_125 = vector.broadcast %lt3A : i32 to vector<16xi32>
      %lt3A_126 = arith.cmpi slt, %broadcast_in_dim3A_124, %lt3A_125 : vector<16xi32>
      %xor3A_127 = arith.constant -2147483648 : i32
      %xor3A_128 = vector.broadcast %xor3A_127 : i32 to vector<16xi32>
      %xor3A_129 = arith.xori %broadcast_in_dim3A_124, %xor3A_128 : vector<16xi32>
      %not3A = arith.constant dense<-1> : vector<16xi32>
      %not3A_130 = arith.xori %broadcast_in_dim3A_124, %not3A : vector<16xi32>
      %select_n3A = arith.select %lt3A_126, %xor3A_129, %not3A_130 : vector<16xi1>, vector<16xi32>
      %bitcast3A = vector.bitcast %select_n3A : vector<16xi32> to vector<16xf32>
      %xor3A_131 = arith.constant -2147483648 : i32
      %xor3A_132 = arith.xori %reduce_sum3A_119, %xor3A_131 : i32
      %gt3A = arith.cmpi sgt, %xor3A_132, %xor3A_98 : i32
      %eq3A = arith.cmpi eq, %reduce_sum3A_119, %or3A_92 : i32
      %add3A_133 = arith.addi %sub3A_94, %reduce_sum3A_123 : i32
      %lt3A_134 = arith.constant 39935 : i32
      %lt3A_135 = arith.cmpi slt, %add3A_133, %lt3A_134 : i32
      %and3A = arith.andi %eq3A, %lt3A_135 : i1
      %or3A_136 = arith.ori %gt3A, %and3A : i1
      %jit3A = arith.constant 1.000000e+00 : f32
      %jit3A_137 = arith.constant 0.000000e+00 : f32
      %select_n3A_138 = arith.select %or3A_136, %jit3A, %jit3A_137 : f32
      %eq3A_139 = arith.constant 0 : i32
      %eq3A_140 = vector.broadcast %eq3A_139 : i32 to vector<16xi32>
      %eq3A_141 = arith.cmpi eq, %iota3A, %eq3A_140 : vector<16xi32>
      %jit3A_142 = arith.constant 0.000000e+00 : f32
      %broadcast_in_dim3A_143 = vector.broadcast %reduce_max3A_97 : f32 to vector<16xf32>
      %broadcast_in_dim3A_144 = vector.broadcast %jit3A_142 : f32 to vector<16xf32>
      %select_n3A_145 = arith.select %eq3A_141, %broadcast_in_dim3A_143, %broadcast_in_dim3A_144 : vector<16xi1>, vector<16xf32>
      %eq3A_146 = arith.constant 1 : i32
      %eq3A_147 = vector.broadcast %eq3A_146 : i32 to vector<16xi32>
      %eq3A_148 = arith.cmpi eq, %iota3A, %eq3A_147 : vector<16xi32>
      %broadcast_in_dim3A_149 = vector.broadcast %reduce_sum3A_107 : f32 to vector<16xf32>
      %select_n3A_150 = arith.select %eq3A_148, %broadcast_in_dim3A_149, %select_n3A_145 : vector<16xi1>, vector<16xf32>
      %eq3A_151 = arith.constant 2 : i32
      %eq3A_152 = vector.broadcast %eq3A_151 : i32 to vector<16xi32>
      %eq3A_153 = arith.cmpi eq, %iota3A, %eq3A_152 : vector<16xi32>
      %broadcast_in_dim3A_154 = vector.broadcast %reduce_sum3A_111 : f32 to vector<16xf32>
      %select_n3A_155 = arith.select %eq3A_153, %broadcast_in_dim3A_154, %select_n3A_150 : vector<16xi1>, vector<16xf32>
      %eq3A_156 = arith.constant 3 : i32
      %eq3A_157 = vector.broadcast %eq3A_156 : i32 to vector<16xi32>
      %eq3A_158 = arith.cmpi eq, %iota3A, %eq3A_157 : vector<16xi32>
      %convert_element_type3A = arith.sitofp %sub3A_94 : i32 to f32
      %broadcast_in_dim3A_159 = vector.broadcast %convert_element_type3A : f32 to vector<16xf32>
      %select_n3A_160 = arith.select %eq3A_158, %broadcast_in_dim3A_159, %select_n3A_155 : vector<16xi1>, vector<16xf32>
      %eq3A_161 = arith.constant 4 : i32
      %eq3A_162 = vector.broadcast %eq3A_161 : i32 to vector<16xi32>
      %eq3A_163 = arith.cmpi eq, %iota3A, %eq3A_162 : vector<16xi32>
      %select_n3A_164 = arith.select %eq3A_163, %bitcast3A, %select_n3A_160 : vector<16xi1>, vector<16xf32>
      %eq3A_165 = arith.constant 5 : i32
      %eq3A_166 = vector.broadcast %eq3A_165 : i32 to vector<16xi32>
      %eq3A_167 = arith.cmpi eq, %iota3A, %eq3A_166 : vector<16xi32>
      %broadcast_in_dim3A_168 = vector.broadcast %reduce_sum3A_115 : f32 to vector<16xf32>
      %select_n3A_169 = arith.select %eq3A_167, %broadcast_in_dim3A_168, %select_n3A_164 : vector<16xi1>, vector<16xf32>
      %eq3A_170 = arith.constant 6 : i32
      %eq3A_171 = vector.broadcast %eq3A_170 : i32 to vector<16xi32>
      %eq3A_172 = arith.cmpi eq, %iota3A, %eq3A_171 : vector<16xi32>
      %broadcast_in_dim3A_173 = vector.broadcast %select_n3A_138 : f32 to vector<16xf32>
      %select_n3A_174 = arith.select %eq3A_172, %broadcast_in_dim3A_173, %select_n3A_169 : vector<16xi1>, vector<16xf32>
      %mul3A_175 = arith.constant 16 : i32
      %mul3A_176 = arith.muli %scan3A_11, %mul3A_175 : i32
      %add3A_177 = vector.broadcast %mul3A_176 : i32 to vector<16xi32>
      %add3A_178 = arith.addi %add3A_177, %iota3A : vector<16xi32>
      tpu.vector_store_idx %arg8[%add3A_178], %select_n3A_174 : memref<32xf32, #tpu.memory_space<vmem>>[vector<16xi32>], vector<16xf32>,
    }
    %scan3A_10 = arith.constant 2 : i32
    "tpu.region"() ({
      %run_scoped3A = tpu.sem_alloc : memref<!tpu.dma_semaphore, #tpu.memory_space<semaphore_mem>>
      %dma_start3A = arith.constant 0 : i32
      %dma_start3A_11 = tpu.memref_slice %arg4[%add3A, %dma_start3A] : memref<32x32xf32, #tpu.memory_space<hbm>> -> memref<1x32xf32, #tpu.memory_space<hbm>>
      %dma_start3A_12 = tpu.memref_squeeze %dma_start3A_11 : memref<1x32xf32, #tpu.memory_space<hbm>> -> memref<32xf32, #tpu.memory_space<hbm>>
      %dma_start3A_13 = arith.constant 0 : i32
      %dma_start3A_14 = tpu.memref_slice %arg4[%add3A, %dma_start3A_13] : memref<32x32xf32, #tpu.memory_space<hbm>> -> memref<1x32xf32, #tpu.memory_space<hbm>>
      %dma_start3A_15 = tpu.memref_squeeze %dma_start3A_14 : memref<1x32xf32, #tpu.memory_space<hbm>> -> memref<32xf32, #tpu.memory_space<hbm>>
      tpu.enqueue_dma source(%arg8 : memref<32xf32, #tpu.memory_space<vmem>>) target(%dma_start3A_15 : memref<32xf32, #tpu.memory_space<hbm>>) target_semaphore(%run_scoped3A : memref<!tpu.dma_semaphore, #tpu.memory_space<semaphore_mem>>)
      %dma_wait3A = arith.constant 0 : i32
      %dma_wait3A_16 = tpu.memref_slice %arg4[%add3A, %dma_wait3A] : memref<32x32xf32, #tpu.memory_space<hbm>> -> memref<1x32xf32, #tpu.memory_space<hbm>>
      %dma_wait3A_17 = tpu.memref_squeeze %dma_wait3A_16 : memref<1x32xf32, #tpu.memory_space<hbm>> -> memref<32xf32, #tpu.memory_space<hbm>>
      %dma_wait3A_18 = arith.constant 0 : i32
      %dma_wait3A_19 = tpu.memref_slice %arg4[%add3A, %dma_wait3A_18] : memref<32x32xf32, #tpu.memory_space<hbm>> -> memref<1x32xf32, #tpu.memory_space<hbm>>
      %dma_wait3A_20 = tpu.memref_squeeze %dma_wait3A_19 : memref<1x32xf32, #tpu.memory_space<hbm>> -> memref<32xf32, #tpu.memory_space<hbm>>
      tpu.wait_dma2 semaphore(%run_scoped3A : memref<!tpu.dma_semaphore, #tpu.memory_space<semaphore_mem>>) src(%arg8 : memref<32xf32, #tpu.memory_space<vmem>>) dst(%dma_wait3A_20 : memref<32xf32, #tpu.memory_space<hbm>>)
      tpu.yield
    }) : () -> ()
    return
  }
}

module attributes {stable_mosaic.version = 14 : i64} {
  func.func @_epi_body(%arg0: memref<64x16xf32, #tpu.memory_space<vmem>>, %arg1: memref<1x1xf32, #tpu.memory_space<smem>>, %arg2: memref<1x1xf32, #tpu.memory_space<smem>>) attributes {dimension_semantics = [], scalar_prefetch = 0 : i64, scratch_operands = 0 : i64, tpu.core_type = #tpu.core_type<tc>} {
    %get3A = arith.constant 0 : index
    %get3A_0 = arith.constant 0 : index
    %get3A_1 = vector.load %arg0[%get3A, %get3A_0] : memref<64x16xf32, #tpu.memory_space<vmem>>, vector<64x16xf32>
    %slice3A = vector.extract_strided_slice %get3A_1 {offsets = [0, 0], sizes = [64, 1], strides = [1, 1]} : vector<64x16xf32> to vector<64x1xf32>
    %slice3A_2 = vector.extract_strided_slice %get3A_1 {offsets = [0, 1], sizes = [64, 1], strides = [1, 1]} : vector<64x16xf32> to vector<64x1xf32>
    %slice3A_3 = vector.extract_strided_slice %get3A_1 {offsets = [0, 2], sizes = [64, 1], strides = [1, 1]} : vector<64x16xf32> to vector<64x1xf32>
    %slice3A_4 = vector.extract_strided_slice %get3A_1 {offsets = [0, 3], sizes = [64, 1], strides = [1, 1]} : vector<64x16xf32> to vector<64x1xf32>
    %slice3A_5 = vector.extract_strided_slice %get3A_1 {offsets = [0, 4], sizes = [64, 1], strides = [1, 1]} : vector<64x16xf32> to vector<64x1xf32>
    %slice3A_6 = vector.extract_strided_slice %get3A_1 {offsets = [0, 5], sizes = [64, 1], strides = [1, 1]} : vector<64x16xf32> to vector<64x1xf32>
    %slice3A_7 = vector.extract_strided_slice %get3A_1 {offsets = [0, 6], sizes = [64, 1], strides = [1, 1]} : vector<64x16xf32> to vector<64x1xf32>
    %log3A = math.log %slice3A_2 : vector<64x1xf32>
    %add3A = arith.addf %slice3A, %log3A : vector<64x1xf32>
    %sub3A = arith.constant 3.993500e+04 : f32
    %sub3A_8 = vector.broadcast %sub3A : f32 to vector<64x1xf32>
    %sub3A_9 = arith.subf %sub3A_8, %slice3A_4 : vector<64x1xf32>
    %mul3A = arith.mulf %sub3A_9, %slice3A_5 : vector<64x1xf32>
    %add3A_10 = arith.addf %slice3A_3, %mul3A : vector<64x1xf32>
    %mul3A_11 = arith.constant 3.993500e+04 : f32
    %mul3A_12 = vector.broadcast %mul3A_11 : f32 to vector<64x1xf32>
    %mul3A_13 = arith.mulf %mul3A_12, %add3A : vector<64x1xf32>
    %sub3A_14 = arith.subf %mul3A_13, %add3A_10 : vector<64x1xf32>
    %sub3A_15 = arith.subf %add3A, %slice3A_6 : vector<64x1xf32>
    %mul3A_16 = arith.mulf %slice3A_7, %sub3A_15 : vector<64x1xf32>
    %sub3A_17 = arith.subf %sub3A_14, %mul3A_16 : vector<64x1xf32>
    %mul3A_18 = arith.constant 2.50406902E-6 : f32
    %mul3A_19 = vector.broadcast %mul3A_18 : f32 to vector<64x1xf32>
    %mul3A_20 = arith.mulf %mul3A_19, %sub3A_17 : vector<64x1xf32>
    %mul3A_21 = arith.constant 0.899999976 : f32
    %mul3A_22 = vector.broadcast %mul3A_21 : f32 to vector<64x1xf32>
    %mul3A_23 = arith.mulf %mul3A_22, %sub3A_15 : vector<64x1xf32>
    %add3A_24 = arith.addf %mul3A_20, %mul3A_23 : vector<64x1xf32>
    %reduce_sum3A = vector.shape_cast %add3A_24 : vector<64x1xf32> to vector<1x64x1xf32>
    %reduce_sum3A_25 = arith.constant dense<0.000000e+00> : vector<1xf32>
    %reduce_sum3A_26 = vector.multi_reduction <add>, %reduce_sum3A, %reduce_sum3A_25 [1, 2] : vector<1x64x1xf32> to vector<1xf32>
    %reduce_sum3A_27 = vector.shape_cast %reduce_sum3A_26 : vector<1xf32> to vector<1x1x1xf32>
    %reduce_sum3A_28 = vector.extract %reduce_sum3A_27[0, 0, 0] : f32 from vector<1x1x1xf32>
    %div3A = arith.constant 1.280000e+02 : f32
    %div3A_29 = arith.divf %reduce_sum3A_28, %div3A : f32
    %get3A_30 = arith.constant 0 : index
    %get3A_31 = arith.constant 0 : index
    %get3A_32 = memref.load %arg1[%get3A_30, %get3A_31] : memref<1x1xf32, #tpu.memory_space<smem>>
    %add3A_33 = arith.addf %div3A_29, %get3A_32 : f32
    %swap3A = arith.constant 0 : index
    %swap3A_34 = arith.constant 0 : index
    %swap3A_35 = memref.load %arg2[%swap3A, %swap3A_34] : memref<1x1xf32, #tpu.memory_space<smem>>
    memref.store %add3A_33, %arg2[%swap3A, %swap3A_34] : memref<1x1xf32, #tpu.memory_space<smem>>
    return
  }
}

module attributes {stable_mosaic.version = 14 : i64} {
  func.func @_tc_body(%arg0: i32, %arg1: memref<128xi32, #tpu.memory_space<smem>>, %arg2: memref<8x100000xf32, #tpu.memory_space<vmem>>, %arg3: memref<1x1xf32, #tpu.memory_space<smem>>, %arg4: memref<8x100000xi32, #tpu.memory_space<vmem>>) attributes {dimension_semantics = [#tpu.dimension_semantics<arbitrary>], iteration_bounds = array<i64: 8>, scalar_prefetch = 1 : i64, scratch_operands = 1 : i64, tpu.core_type = #tpu.core_type<tc>, window_params = [{transform_indices = @transform_0, window_bounds = array<i64: 8, 100000>}, {transform_indices = @transform_1, window_bounds = array<i64: 1, 1>}]} {
    %get3A = arith.constant 0 : index
    %get3A_0 = arith.constant 0 : index
    %get3A_1 = vector.load %arg2[%get3A, %get3A_0] : memref<8x100000xf32, #tpu.memory_space<vmem>>, vector<8x12416xf32>
    %bitcast_convert_type3A = tpu.bitcast %get3A_1 : vector<8x12416xf32> -> vector<8x12416xi32>
    %lt3A = arith.constant 0 : i32
    %lt3A_2 = vector.broadcast %lt3A : i32 to vector<8x12416xi32>
    %lt3A_3 = arith.cmpi slt, %bitcast_convert_type3A, %lt3A_2 : vector<8x12416xi32>
    %jit3A = arith.constant 2147483647 : i32
    %jit3A_4 = arith.constant 0 : i32
    %broadcast_in_dim3A = vector.broadcast %jit3A : i32 to vector<8x12416xi32>
    %broadcast_in_dim3A_5 = vector.broadcast %jit3A_4 : i32 to vector<8x12416xi32>
    %select_n3A = arith.select %lt3A_3, %broadcast_in_dim3A, %broadcast_in_dim3A_5 : vector<8x12416xi1>, vector<8x12416xi32>
    %xor3A = arith.xori %bitcast_convert_type3A, %select_n3A : vector<8x12416xi32>
    %swap3A = arith.constant 0 : index
    %swap3A_6 = arith.constant 0 : index
    %swap3A_7 = vector.load %arg4[%swap3A, %swap3A_6] : memref<8x100000xi32, #tpu.memory_space<vmem>>, vector<8x12416xi32>
    tpu.vector_store %arg4[%swap3A, %swap3A_6], %xor3A {strides = array<i32>} : memref<8x100000xi32, #tpu.memory_space<vmem>>, vector<8x12416xi32>,
    %reduce_max3A = arith.constant dense<0xFF800000> : vector<8xf32>
    %reduce_max3A_8 = vector.multi_reduction <maximumf>, %get3A_1, %reduce_max3A [1] : vector<8x12416xf32> to vector<8xf32>
    %broadcast_in_dim3A_9 = vector.shape_cast %reduce_max3A_8 : vector<8xf32> to vector<8x1xf32>
    %reduce_min3A = arith.constant dense<2147483647> : vector<8xi32>
    %reduce_min3A_10 = vector.multi_reduction <minsi>, %xor3A, %reduce_min3A [1] : vector<8x12416xi32> to vector<8xi32>
    %broadcast_in_dim3A_11 = vector.shape_cast %reduce_min3A_10 : vector<8xi32> to vector<8x1xi32>
    %reduce_max3A_12 = arith.constant dense<-2147483648> : vector<8xi32>
    %reduce_max3A_13 = vector.multi_reduction <maxsi>, %xor3A, %reduce_max3A_12 [1] : vector<8x12416xi32> to vector<8xi32>
    %broadcast_in_dim3A_14 = vector.shape_cast %reduce_max3A_13 : vector<8xi32> to vector<8x1xi32>
    %get3A_15 = arith.constant 0 : index
    %get3A_16 = arith.constant 12416 : index
    %get3A_17 = vector.load %arg2[%get3A_15, %get3A_16] : memref<8x100000xf32, #tpu.memory_space<vmem>>, vector<8x12416xf32>
    %bitcast_convert_type3A_18 = tpu.bitcast %get3A_17 : vector<8x12416xf32> -> vector<8x12416xi32>
    %lt3A_19 = arith.constant 0 : i32
    %lt3A_20 = vector.broadcast %lt3A_19 : i32 to vector<8x12416xi32>
    %lt3A_21 = arith.cmpi slt, %bitcast_convert_type3A_18, %lt3A_20 : vector<8x12416xi32>
    %jit3A_22 = arith.constant 2147483647 : i32
    %jit3A_23 = arith.constant 0 : i32
    %broadcast_in_dim3A_24 = vector.broadcast %jit3A_22 : i32 to vector<8x12416xi32>
    %broadcast_in_dim3A_25 = vector.broadcast %jit3A_23 : i32 to vector<8x12416xi32>
    %select_n3A_26 = arith.select %lt3A_21, %broadcast_in_dim3A_24, %broadcast_in_dim3A_25 : vector<8x12416xi1>, vector<8x12416xi32>
    %xor3A_27 = arith.xori %bitcast_convert_type3A_18, %select_n3A_26 : vector<8x12416xi32>
    %swap3A_28 = arith.constant 0 : index
    %swap3A_29 = arith.constant 12416 : index
    %swap3A_30 = vector.load %arg4[%swap3A_28, %swap3A_29] : memref<8x100000xi32, #tpu.memory_space<vmem>>, vector<8x12416xi32>
    tpu.vector_store %arg4[%swap3A_28, %swap3A_29], %xor3A_27 {strides = array<i32>} : memref<8x100000xi32, #tpu.memory_space<vmem>>, vector<8x12416xi32>,
    %reduce_max3A_31 = arith.constant dense<0xFF800000> : vector<8xf32>
    %reduce_max3A_32 = vector.multi_reduction <maximumf>, %get3A_17, %reduce_max3A_31 [1] : vector<8x12416xf32> to vector<8xf32>
    %broadcast_in_dim3A_33 = vector.shape_cast %reduce_max3A_32 : vector<8xf32> to vector<8x1xf32>
    %reduce_min3A_34 = arith.constant dense<2147483647> : vector<8xi32>
    %reduce_min3A_35 = vector.multi_reduction <minsi>, %xor3A_27, %reduce_min3A_34 [1] : vector<8x12416xi32> to vector<8xi32>
    %broadcast_in_dim3A_36 = vector.shape_cast %reduce_min3A_35 : vector<8xi32> to vector<8x1xi32>
    %reduce_max3A_37 = arith.constant dense<-2147483648> : vector<8xi32>
    %reduce_max3A_38 = vector.multi_reduction <maxsi>, %xor3A_27, %reduce_max3A_37 [1] : vector<8x12416xi32> to vector<8xi32>
    %broadcast_in_dim3A_39 = vector.shape_cast %reduce_max3A_38 : vector<8xi32> to vector<8x1xi32>
    %get3A_40 = arith.constant 0 : index
    %get3A_41 = arith.constant 24832 : index
    %get3A_42 = vector.load %arg2[%get3A_40, %get3A_41] : memref<8x100000xf32, #tpu.memory_space<vmem>>, vector<8x12416xf32>
    %bitcast_convert_type3A_43 = tpu.bitcast %get3A_42 : vector<8x12416xf32> -> vector<8x12416xi32>
    %lt3A_44 = arith.constant 0 : i32
    %lt3A_45 = vector.broadcast %lt3A_44 : i32 to vector<8x12416xi32>
    %lt3A_46 = arith.cmpi slt, %bitcast_convert_type3A_43, %lt3A_45 : vector<8x12416xi32>
    %jit3A_47 = arith.constant 2147483647 : i32
    %jit3A_48 = arith.constant 0 : i32
    %broadcast_in_dim3A_49 = vector.broadcast %jit3A_47 : i32 to vector<8x12416xi32>
    %broadcast_in_dim3A_50 = vector.broadcast %jit3A_48 : i32 to vector<8x12416xi32>
    %select_n3A_51 = arith.select %lt3A_46, %broadcast_in_dim3A_49, %broadcast_in_dim3A_50 : vector<8x12416xi1>, vector<8x12416xi32>
    %xor3A_52 = arith.xori %bitcast_convert_type3A_43, %select_n3A_51 : vector<8x12416xi32>
    %swap3A_53 = arith.constant 0 : index
    %swap3A_54 = arith.constant 24832 : index
    %swap3A_55 = vector.load %arg4[%swap3A_53, %swap3A_54] : memref<8x100000xi32, #tpu.memory_space<vmem>>, vector<8x12416xi32>
    tpu.vector_store %arg4[%swap3A_53, %swap3A_54], %xor3A_52 {strides = array<i32>} : memref<8x100000xi32, #tpu.memory_space<vmem>>, vector<8x12416xi32>,
    %reduce_max3A_56 = arith.constant dense<0xFF800000> : vector<8xf32>
    %reduce_max3A_57 = vector.multi_reduction <maximumf>, %get3A_42, %reduce_max3A_56 [1] : vector<8x12416xf32> to vector<8xf32>
    %broadcast_in_dim3A_58 = vector.shape_cast %reduce_max3A_57 : vector<8xf32> to vector<8x1xf32>
    %reduce_min3A_59 = arith.constant dense<2147483647> : vector<8xi32>
    %reduce_min3A_60 = vector.multi_reduction <minsi>, %xor3A_52, %reduce_min3A_59 [1] : vector<8x12416xi32> to vector<8xi32>
    %broadcast_in_dim3A_61 = vector.shape_cast %reduce_min3A_60 : vector<8xi32> to vector<8x1xi32>
    %reduce_max3A_62 = arith.constant dense<-2147483648> : vector<8xi32>
    %reduce_max3A_63 = vector.multi_reduction <maxsi>, %xor3A_52, %reduce_max3A_62 [1] : vector<8x12416xi32> to vector<8xi32>
    %broadcast_in_dim3A_64 = vector.shape_cast %reduce_max3A_63 : vector<8xi32> to vector<8x1xi32>
    %get3A_65 = arith.constant 0 : index
    %get3A_66 = arith.constant 37248 : index
    %get3A_67 = vector.load %arg2[%get3A_65, %get3A_66] : memref<8x100000xf32, #tpu.memory_space<vmem>>, vector<8x12416xf32>
    %bitcast_convert_type3A_68 = tpu.bitcast %get3A_67 : vector<8x12416xf32> -> vector<8x12416xi32>
    %lt3A_69 = arith.constant 0 : i32
    %lt3A_70 = vector.broadcast %lt3A_69 : i32 to vector<8x12416xi32>
    %lt3A_71 = arith.cmpi slt, %bitcast_convert_type3A_68, %lt3A_70 : vector<8x12416xi32>
    %jit3A_72 = arith.constant 2147483647 : i32
    %jit3A_73 = arith.constant 0 : i32
    %broadcast_in_dim3A_74 = vector.broadcast %jit3A_72 : i32 to vector<8x12416xi32>
    %broadcast_in_dim3A_75 = vector.broadcast %jit3A_73 : i32 to vector<8x12416xi32>
    %select_n3A_76 = arith.select %lt3A_71, %broadcast_in_dim3A_74, %broadcast_in_dim3A_75 : vector<8x12416xi1>, vector<8x12416xi32>
    %xor3A_77 = arith.xori %bitcast_convert_type3A_68, %select_n3A_76 : vector<8x12416xi32>
    %swap3A_78 = arith.constant 0 : index
    %swap3A_79 = arith.constant 37248 : index
    %swap3A_80 = vector.load %arg4[%swap3A_78, %swap3A_79] : memref<8x100000xi32, #tpu.memory_space<vmem>>, vector<8x12416xi32>
    tpu.vector_store %arg4[%swap3A_78, %swap3A_79], %xor3A_77 {strides = array<i32>} : memref<8x100000xi32, #tpu.memory_space<vmem>>, vector<8x12416xi32>,
    %reduce_max3A_81 = arith.constant dense<0xFF800000> : vector<8xf32>
    %reduce_max3A_82 = vector.multi_reduction <maximumf>, %get3A_67, %reduce_max3A_81 [1] : vector<8x12416xf32> to vector<8xf32>
    %broadcast_in_dim3A_83 = vector.shape_cast %reduce_max3A_82 : vector<8xf32> to vector<8x1xf32>
    %reduce_min3A_84 = arith.constant dense<2147483647> : vector<8xi32>
    %reduce_min3A_85 = vector.multi_reduction <minsi>, %xor3A_77, %reduce_min3A_84 [1] : vector<8x12416xi32> to vector<8xi32>
    %broadcast_in_dim3A_86 = vector.shape_cast %reduce_min3A_85 : vector<8xi32> to vector<8x1xi32>
    %reduce_max3A_87 = arith.constant dense<-2147483648> : vector<8xi32>
    %reduce_max3A_88 = vector.multi_reduction <maxsi>, %xor3A_77, %reduce_max3A_87 [1] : vector<8x12416xi32> to vector<8xi32>
    %broadcast_in_dim3A_89 = vector.shape_cast %reduce_max3A_88 : vector<8xi32> to vector<8x1xi32>
    %get3A_90 = arith.constant 0 : index
    %get3A_91 = arith.constant 49664 : index
    %get3A_92 = vector.load %arg2[%get3A_90, %get3A_91] : memref<8x100000xf32, #tpu.memory_space<vmem>>, vector<8x12416xf32>
    %bitcast_convert_type3A_93 = tpu.bitcast %get3A_92 : vector<8x12416xf32> -> vector<8x12416xi32>
    %lt3A_94 = arith.constant 0 : i32
    %lt3A_95 = vector.broadcast %lt3A_94 : i32 to vector<8x12416xi32>
    %lt3A_96 = arith.cmpi slt, %bitcast_convert_type3A_93, %lt3A_95 : vector<8x12416xi32>
    %jit3A_97 = arith.constant 2147483647 : i32
    %jit3A_98 = arith.constant 0 : i32
    %broadcast_in_dim3A_99 = vector.broadcast %jit3A_97 : i32 to vector<8x12416xi32>
    %broadcast_in_dim3A_100 = vector.broadcast %jit3A_98 : i32 to vector<8x12416xi32>
    %select_n3A_101 = arith.select %lt3A_96, %broadcast_in_dim3A_99, %broadcast_in_dim3A_100 : vector<8x12416xi1>, vector<8x12416xi32>
    %xor3A_102 = arith.xori %bitcast_convert_type3A_93, %select_n3A_101 : vector<8x12416xi32>
    %swap3A_103 = arith.constant 0 : index
    %swap3A_104 = arith.constant 49664 : index
    %swap3A_105 = vector.load %arg4[%swap3A_103, %swap3A_104] : memref<8x100000xi32, #tpu.memory_space<vmem>>, vector<8x12416xi32>
    tpu.vector_store %arg4[%swap3A_103, %swap3A_104], %xor3A_102 {strides = array<i32>} : memref<8x100000xi32, #tpu.memory_space<vmem>>, vector<8x12416xi32>,
    %reduce_max3A_106 = arith.constant dense<0xFF800000> : vector<8xf32>
    %reduce_max3A_107 = vector.multi_reduction <maximumf>, %get3A_92, %reduce_max3A_106 [1] : vector<8x12416xf32> to vector<8xf32>
    %broadcast_in_dim3A_108 = vector.shape_cast %reduce_max3A_107 : vector<8xf32> to vector<8x1xf32>
    %reduce_min3A_109 = arith.constant dense<2147483647> : vector<8xi32>
    %reduce_min3A_110 = vector.multi_reduction <minsi>, %xor3A_102, %reduce_min3A_109 [1] : vector<8x12416xi32> to vector<8xi32>
    %broadcast_in_dim3A_111 = vector.shape_cast %reduce_min3A_110 : vector<8xi32> to vector<8x1xi32>
    %reduce_max3A_112 = arith.constant dense<-2147483648> : vector<8xi32>
    %reduce_max3A_113 = vector.multi_reduction <maxsi>, %xor3A_102, %reduce_max3A_112 [1] : vector<8x12416xi32> to vector<8xi32>
    %broadcast_in_dim3A_114 = vector.shape_cast %reduce_max3A_113 : vector<8xi32> to vector<8x1xi32>
    %get3A_115 = arith.constant 0 : index
    %get3A_116 = arith.constant 62080 : index
    %get3A_117 = vector.load %arg2[%get3A_115, %get3A_116] : memref<8x100000xf32, #tpu.memory_space<vmem>>, vector<8x12416xf32>
    %bitcast_convert_type3A_118 = tpu.bitcast %get3A_117 : vector<8x12416xf32> -> vector<8x12416xi32>
    %lt3A_119 = arith.constant 0 : i32
    %lt3A_120 = vector.broadcast %lt3A_119 : i32 to vector<8x12416xi32>
    %lt3A_121 = arith.cmpi slt, %bitcast_convert_type3A_118, %lt3A_120 : vector<8x12416xi32>
    %jit3A_122 = arith.constant 2147483647 : i32
    %jit3A_123 = arith.constant 0 : i32
    %broadcast_in_dim3A_124 = vector.broadcast %jit3A_122 : i32 to vector<8x12416xi32>
    %broadcast_in_dim3A_125 = vector.broadcast %jit3A_123 : i32 to vector<8x12416xi32>
    %select_n3A_126 = arith.select %lt3A_121, %broadcast_in_dim3A_124, %broadcast_in_dim3A_125 : vector<8x12416xi1>, vector<8x12416xi32>
    %xor3A_127 = arith.xori %bitcast_convert_type3A_118, %select_n3A_126 : vector<8x12416xi32>
    %swap3A_128 = arith.constant 0 : index
    %swap3A_129 = arith.constant 62080 : index
    %swap3A_130 = vector.load %arg4[%swap3A_128, %swap3A_129] : memref<8x100000xi32, #tpu.memory_space<vmem>>, vector<8x12416xi32>
    tpu.vector_store %arg4[%swap3A_128, %swap3A_129], %xor3A_127 {strides = array<i32>} : memref<8x100000xi32, #tpu.memory_space<vmem>>, vector<8x12416xi32>,
    %reduce_max3A_131 = arith.constant dense<0xFF800000> : vector<8xf32>
    %reduce_max3A_132 = vector.multi_reduction <maximumf>, %get3A_117, %reduce_max3A_131 [1] : vector<8x12416xf32> to vector<8xf32>
    %broadcast_in_dim3A_133 = vector.shape_cast %reduce_max3A_132 : vector<8xf32> to vector<8x1xf32>
    %reduce_min3A_134 = arith.constant dense<2147483647> : vector<8xi32>
    %reduce_min3A_135 = vector.multi_reduction <minsi>, %xor3A_127, %reduce_min3A_134 [1] : vector<8x12416xi32> to vector<8xi32>
    %broadcast_in_dim3A_136 = vector.shape_cast %reduce_min3A_135 : vector<8xi32> to vector<8x1xi32>
    %reduce_max3A_137 = arith.constant dense<-2147483648> : vector<8xi32>
    %reduce_max3A_138 = vector.multi_reduction <maxsi>, %xor3A_127, %reduce_max3A_137 [1] : vector<8x12416xi32> to vector<8xi32>
    %broadcast_in_dim3A_139 = vector.shape_cast %reduce_max3A_138 : vector<8xi32> to vector<8x1xi32>
    %get3A_140 = arith.constant 0 : index
    %get3A_141 = arith.constant 74496 : index
    %get3A_142 = vector.load %arg2[%get3A_140, %get3A_141] : memref<8x100000xf32, #tpu.memory_space<vmem>>, vector<8x12416xf32>
    %bitcast_convert_type3A_143 = tpu.bitcast %get3A_142 : vector<8x12416xf32> -> vector<8x12416xi32>
    %lt3A_144 = arith.constant 0 : i32
    %lt3A_145 = vector.broadcast %lt3A_144 : i32 to vector<8x12416xi32>
    %lt3A_146 = arith.cmpi slt, %bitcast_convert_type3A_143, %lt3A_145 : vector<8x12416xi32>
    %jit3A_147 = arith.constant 2147483647 : i32
    %jit3A_148 = arith.constant 0 : i32
    %broadcast_in_dim3A_149 = vector.broadcast %jit3A_147 : i32 to vector<8x12416xi32>
    %broadcast_in_dim3A_150 = vector.broadcast %jit3A_148 : i32 to vector<8x12416xi32>
    %select_n3A_151 = arith.select %lt3A_146, %broadcast_in_dim3A_149, %broadcast_in_dim3A_150 : vector<8x12416xi1>, vector<8x12416xi32>
    %xor3A_152 = arith.xori %bitcast_convert_type3A_143, %select_n3A_151 : vector<8x12416xi32>
    %swap3A_153 = arith.constant 0 : index
    %swap3A_154 = arith.constant 74496 : index
    %swap3A_155 = vector.load %arg4[%swap3A_153, %swap3A_154] : memref<8x100000xi32, #tpu.memory_space<vmem>>, vector<8x12416xi32>
    tpu.vector_store %arg4[%swap3A_153, %swap3A_154], %xor3A_152 {strides = array<i32>} : memref<8x100000xi32, #tpu.memory_space<vmem>>, vector<8x12416xi32>,
    %reduce_max3A_156 = arith.constant dense<0xFF800000> : vector<8xf32>
    %reduce_max3A_157 = vector.multi_reduction <maximumf>, %get3A_142, %reduce_max3A_156 [1] : vector<8x12416xf32> to vector<8xf32>
    %broadcast_in_dim3A_158 = vector.shape_cast %reduce_max3A_157 : vector<8xf32> to vector<8x1xf32>
    %reduce_min3A_159 = arith.constant dense<2147483647> : vector<8xi32>
    %reduce_min3A_160 = vector.multi_reduction <minsi>, %xor3A_152, %reduce_min3A_159 [1] : vector<8x12416xi32> to vector<8xi32>
    %broadcast_in_dim3A_161 = vector.shape_cast %reduce_min3A_160 : vector<8xi32> to vector<8x1xi32>
    %reduce_max3A_162 = arith.constant dense<-2147483648> : vector<8xi32>
    %reduce_max3A_163 = vector.multi_reduction <maxsi>, %xor3A_152, %reduce_max3A_162 [1] : vector<8x12416xi32> to vector<8xi32>
    %broadcast_in_dim3A_164 = vector.shape_cast %reduce_max3A_163 : vector<8xi32> to vector<8x1xi32>
    %get3A_165 = arith.constant 0 : index
    %get3A_166 = arith.constant 86912 : index
    %get3A_167 = vector.load %arg2[%get3A_165, %get3A_166] : memref<8x100000xf32, #tpu.memory_space<vmem>>, vector<8x13088xf32>
    %bitcast_convert_type3A_168 = tpu.bitcast %get3A_167 : vector<8x13088xf32> -> vector<8x13088xi32>
    %lt3A_169 = arith.constant 0 : i32
    %lt3A_170 = vector.broadcast %lt3A_169 : i32 to vector<8x13088xi32>
    %lt3A_171 = arith.cmpi slt, %bitcast_convert_type3A_168, %lt3A_170 : vector<8x13088xi32>
    %jit3A_172 = arith.constant 2147483647 : i32
    %jit3A_173 = arith.constant 0 : i32
    %broadcast_in_dim3A_174 = vector.broadcast %jit3A_172 : i32 to vector<8x13088xi32>
    %broadcast_in_dim3A_175 = vector.broadcast %jit3A_173 : i32 to vector<8x13088xi32>
    %select_n3A_176 = arith.select %lt3A_171, %broadcast_in_dim3A_174, %broadcast_in_dim3A_175 : vector<8x13088xi1>, vector<8x13088xi32>
    %xor3A_177 = arith.xori %bitcast_convert_type3A_168, %select_n3A_176 : vector<8x13088xi32>
    %swap3A_178 = arith.constant 0 : index
    %swap3A_179 = arith.constant 86912 : index
    %swap3A_180 = vector.load %arg4[%swap3A_178, %swap3A_179] : memref<8x100000xi32, #tpu.memory_space<vmem>>, vector<8x13088xi32>
    tpu.vector_store %arg4[%swap3A_178, %swap3A_179], %xor3A_177 {strides = array<i32>} : memref<8x100000xi32, #tpu.memory_space<vmem>>, vector<8x13088xi32>,
    %reduce_max3A_181 = arith.constant dense<0xFF800000> : vector<8xf32>
    %reduce_max3A_182 = vector.multi_reduction <maximumf>, %get3A_167, %reduce_max3A_181 [1] : vector<8x13088xf32> to vector<8xf32>
    %broadcast_in_dim3A_183 = vector.shape_cast %reduce_max3A_182 : vector<8xf32> to vector<8x1xf32>
    %reduce_min3A_184 = arith.constant dense<2147483647> : vector<8xi32>
    %reduce_min3A_185 = vector.multi_reduction <minsi>, %xor3A_177, %reduce_min3A_184 [1] : vector<8x13088xi32> to vector<8xi32>
    %broadcast_in_dim3A_186 = vector.shape_cast %reduce_min3A_185 : vector<8xi32> to vector<8x1xi32>
    %reduce_max3A_187 = arith.constant dense<-2147483648> : vector<8xi32>
    %reduce_max3A_188 = vector.multi_reduction <maxsi>, %xor3A_177, %reduce_max3A_187 [1] : vector<8x13088xi32> to vector<8xi32>
    %broadcast_in_dim3A_189 = vector.shape_cast %reduce_max3A_188 : vector<8xi32> to vector<8x1xi32>
    %max3A = arith.maximumf %broadcast_in_dim3A_9, %broadcast_in_dim3A_33 : vector<8x1xf32>
    %max3A_190 = arith.maximumf %max3A, %broadcast_in_dim3A_58 : vector<8x1xf32>
    %max3A_191 = arith.maximumf %max3A_190, %broadcast_in_dim3A_83 : vector<8x1xf32>
    %max3A_192 = arith.maximumf %max3A_191, %broadcast_in_dim3A_108 : vector<8x1xf32>
    %max3A_193 = arith.maximumf %max3A_192, %broadcast_in_dim3A_133 : vector<8x1xf32>
    %max3A_194 = arith.maximumf %max3A_193, %broadcast_in_dim3A_158 : vector<8x1xf32>
    %max3A_195 = arith.maximumf %max3A_194, %broadcast_in_dim3A_183 : vector<8x1xf32>
    %min3A = arith.minsi %broadcast_in_dim3A_11, %broadcast_in_dim3A_36 : vector<8x1xi32>
    %min3A_196 = arith.minsi %min3A, %broadcast_in_dim3A_61 : vector<8x1xi32>
    %min3A_197 = arith.minsi %min3A_196, %broadcast_in_dim3A_86 : vector<8x1xi32>
    %min3A_198 = arith.minsi %min3A_197, %broadcast_in_dim3A_111 : vector<8x1xi32>
    %min3A_199 = arith.minsi %min3A_198, %broadcast_in_dim3A_136 : vector<8x1xi32>
    %min3A_200 = arith.minsi %min3A_199, %broadcast_in_dim3A_161 : vector<8x1xi32>
    %min3A_201 = arith.minsi %min3A_200, %broadcast_in_dim3A_186 : vector<8x1xi32>
    %max3A_202 = arith.maxsi %broadcast_in_dim3A_14, %broadcast_in_dim3A_39 : vector<8x1xi32>
    %max3A_203 = arith.maxsi %max3A_202, %broadcast_in_dim3A_64 : vector<8x1xi32>
    %max3A_204 = arith.maxsi %max3A_203, %broadcast_in_dim3A_89 : vector<8x1xi32>
    %max3A_205 = arith.maxsi %max3A_204, %broadcast_in_dim3A_114 : vector<8x1xi32>
    %max3A_206 = arith.maxsi %max3A_205, %broadcast_in_dim3A_139 : vector<8x1xi32>
    %max3A_207 = arith.maxsi %max3A_206, %broadcast_in_dim3A_164 : vector<8x1xi32>
    %max3A_208 = arith.maxsi %max3A_207, %broadcast_in_dim3A_189 : vector<8x1xi32>
    %get3A_209 = arith.constant 0 : index
    %get3A_210 = arith.constant 0 : index
    %get3A_211 = vector.load %arg2[%get3A_209, %get3A_210] : memref<8x100000xf32, #tpu.memory_space<vmem>>, vector<8x12416xf32>
    %sub3A = vector.broadcast %max3A_195 : vector<8x1xf32> to vector<8x12416xf32>
    %sub3A_212 = arith.subf %get3A_211, %sub3A : vector<8x12416xf32>
    %exp3A = math.exp %sub3A_212 : vector<8x12416xf32>
    %reduce_sum3A = arith.constant dense<0.000000e+00> : vector<8xf32>
    %reduce_sum3A_213 = vector.multi_reduction <add>, %exp3A, %reduce_sum3A [1] : vector<8x12416xf32> to vector<8xf32>
    %broadcast_in_dim3A_214 = vector.shape_cast %reduce_sum3A_213 : vector<8xf32> to vector<8x1xf32>
    %get3A_215 = arith.constant 0 : index
    %get3A_216 = arith.constant 12416 : index
    %get3A_217 = vector.load %arg2[%get3A_215, %get3A_216] : memref<8x100000xf32, #tpu.memory_space<vmem>>, vector<8x12416xf32>
    %sub3A_218 = vector.broadcast %max3A_195 : vector<8x1xf32> to vector<8x12416xf32>
    %sub3A_219 = arith.subf %get3A_217, %sub3A_218 : vector<8x12416xf32>
    %exp3A_220 = math.exp %sub3A_219 : vector<8x12416xf32>
    %reduce_sum3A_221 = arith.constant dense<0.000000e+00> : vector<8xf32>
    %reduce_sum3A_222 = vector.multi_reduction <add>, %exp3A_220, %reduce_sum3A_221 [1] : vector<8x12416xf32> to vector<8xf32>
    %broadcast_in_dim3A_223 = vector.shape_cast %reduce_sum3A_222 : vector<8xf32> to vector<8x1xf32>
    %add3A = arith.addf %broadcast_in_dim3A_214, %broadcast_in_dim3A_223 : vector<8x1xf32>
    %get3A_224 = arith.constant 0 : index
    %get3A_225 = arith.constant 24832 : index
    %get3A_226 = vector.load %arg2[%get3A_224, %get3A_225] : memref<8x100000xf32, #tpu.memory_space<vmem>>, vector<8x12416xf32>
    %sub3A_227 = vector.broadcast %max3A_195 : vector<8x1xf32> to vector<8x12416xf32>
    %sub3A_228 = arith.subf %get3A_226, %sub3A_227 : vector<8x12416xf32>
    %exp3A_229 = math.exp %sub3A_228 : vector<8x12416xf32>
    %reduce_sum3A_230 = arith.constant dense<0.000000e+00> : vector<8xf32>
    %reduce_sum3A_231 = vector.multi_reduction <add>, %exp3A_229, %reduce_sum3A_230 [1] : vector<8x12416xf32> to vector<8xf32>
    %broadcast_in_dim3A_232 = vector.shape_cast %reduce_sum3A_231 : vector<8xf32> to vector<8x1xf32>
    %add3A_233 = arith.addf %add3A, %broadcast_in_dim3A_232 : vector<8x1xf32>
    %get3A_234 = arith.constant 0 : index
    %get3A_235 = arith.constant 37248 : index
    %get3A_236 = vector.load %arg2[%get3A_234, %get3A_235] : memref<8x100000xf32, #tpu.memory_space<vmem>>, vector<8x12416xf32>
    %sub3A_237 = vector.broadcast %max3A_195 : vector<8x1xf32> to vector<8x12416xf32>
    %sub3A_238 = arith.subf %get3A_236, %sub3A_237 : vector<8x12416xf32>
    %exp3A_239 = math.exp %sub3A_238 : vector<8x12416xf32>
    %reduce_sum3A_240 = arith.constant dense<0.000000e+00> : vector<8xf32>
    %reduce_sum3A_241 = vector.multi_reduction <add>, %exp3A_239, %reduce_sum3A_240 [1] : vector<8x12416xf32> to vector<8xf32>
    %broadcast_in_dim3A_242 = vector.shape_cast %reduce_sum3A_241 : vector<8xf32> to vector<8x1xf32>
    %add3A_243 = arith.addf %add3A_233, %broadcast_in_dim3A_242 : vector<8x1xf32>
    %get3A_244 = arith.constant 0 : index
    %get3A_245 = arith.constant 49664 : index
    %get3A_246 = vector.load %arg2[%get3A_244, %get3A_245] : memref<8x100000xf32, #tpu.memory_space<vmem>>, vector<8x12416xf32>
    %sub3A_247 = vector.broadcast %max3A_195 : vector<8x1xf32> to vector<8x12416xf32>
    %sub3A_248 = arith.subf %get3A_246, %sub3A_247 : vector<8x12416xf32>
    %exp3A_249 = math.exp %sub3A_248 : vector<8x12416xf32>
    %reduce_sum3A_250 = arith.constant dense<0.000000e+00> : vector<8xf32>
    %reduce_sum3A_251 = vector.multi_reduction <add>, %exp3A_249, %reduce_sum3A_250 [1] : vector<8x12416xf32> to vector<8xf32>
    %broadcast_in_dim3A_252 = vector.shape_cast %reduce_sum3A_251 : vector<8xf32> to vector<8x1xf32>
    %add3A_253 = arith.addf %add3A_243, %broadcast_in_dim3A_252 : vector<8x1xf32>
    %get3A_254 = arith.constant 0 : index
    %get3A_255 = arith.constant 62080 : index
    %get3A_256 = vector.load %arg2[%get3A_254, %get3A_255] : memref<8x100000xf32, #tpu.memory_space<vmem>>, vector<8x12416xf32>
    %sub3A_257 = vector.broadcast %max3A_195 : vector<8x1xf32> to vector<8x12416xf32>
    %sub3A_258 = arith.subf %get3A_256, %sub3A_257 : vector<8x12416xf32>
    %exp3A_259 = math.exp %sub3A_258 : vector<8x12416xf32>
    %reduce_sum3A_260 = arith.constant dense<0.000000e+00> : vector<8xf32>
    %reduce_sum3A_261 = vector.multi_reduction <add>, %exp3A_259, %reduce_sum3A_260 [1] : vector<8x12416xf32> to vector<8xf32>
    %broadcast_in_dim3A_262 = vector.shape_cast %reduce_sum3A_261 : vector<8xf32> to vector<8x1xf32>
    %add3A_263 = arith.addf %add3A_253, %broadcast_in_dim3A_262 : vector<8x1xf32>
    %get3A_264 = arith.constant 0 : index
    %get3A_265 = arith.constant 74496 : index
    %get3A_266 = vector.load %arg2[%get3A_264, %get3A_265] : memref<8x100000xf32, #tpu.memory_space<vmem>>, vector<8x12416xf32>
    %sub3A_267 = vector.broadcast %max3A_195 : vector<8x1xf32> to vector<8x12416xf32>
    %sub3A_268 = arith.subf %get3A_266, %sub3A_267 : vector<8x12416xf32>
    %exp3A_269 = math.exp %sub3A_268 : vector<8x12416xf32>
    %reduce_sum3A_270 = arith.constant dense<0.000000e+00> : vector<8xf32>
    %reduce_sum3A_271 = vector.multi_reduction <add>, %exp3A_269, %reduce_sum3A_270 [1] : vector<8x12416xf32> to vector<8xf32>
    %broadcast_in_dim3A_272 = vector.shape_cast %reduce_sum3A_271 : vector<8xf32> to vector<8x1xf32>
    %add3A_273 = arith.addf %add3A_263, %broadcast_in_dim3A_272 : vector<8x1xf32>
    %get3A_274 = arith.constant 0 : index
    %get3A_275 = arith.constant 86912 : index
    %get3A_276 = vector.load %arg2[%get3A_274, %get3A_275] : memref<8x100000xf32, #tpu.memory_space<vmem>>, vector<8x13088xf32>
    %sub3A_277 = vector.broadcast %max3A_195 : vector<8x1xf32> to vector<8x13088xf32>
    %sub3A_278 = arith.subf %get3A_276, %sub3A_277 : vector<8x13088xf32>
    %exp3A_279 = math.exp %sub3A_278 : vector<8x13088xf32>
    %reduce_sum3A_280 = arith.constant dense<0.000000e+00> : vector<8xf32>
    %reduce_sum3A_281 = vector.multi_reduction <add>, %exp3A_279, %reduce_sum3A_280 [1] : vector<8x13088xf32> to vector<8xf32>
    %broadcast_in_dim3A_282 = vector.shape_cast %reduce_sum3A_281 : vector<8xf32> to vector<8x1xf32>
    %add3A_283 = arith.addf %add3A_273, %broadcast_in_dim3A_282 : vector<8x1xf32>
    %log3A = math.log %add3A_283 : vector<8x1xf32>
    %add3A_284 = arith.addf %max3A_195, %log3A : vector<8x1xf32>
    %scan3A = arith.constant 0 : i32
    %scan3A_285 = arith.constant 32 : i32
    %scan3A_286 = arith.addi %scan3A, %scan3A_285 : i32
    %scan3A_287 = arith.constant 1 : i32
    %scan3A_288:2 = scf.for %scan3A_869 = %scan3A to %scan3A_286 step %scan3A_287 iter_args(%scan3A_870 = %min3A_201, %scan3A_871 = %max3A_208) -> (vector<8x1xi32>, vector<8x1xi32>)  : i32 {
      %shift_right_arithmetic3A = arith.constant 1 : i32
      %shift_right_arithmetic3A_872 = vector.broadcast %shift_right_arithmetic3A : i32 to vector<8x1xi32>
      %shift_right_arithmetic3A_873 = arith.shrsi %scan3A_870, %shift_right_arithmetic3A_872 : vector<8x1xi32>
      %shift_right_arithmetic3A_874 = arith.constant 1 : i32
      %shift_right_arithmetic3A_875 = vector.broadcast %shift_right_arithmetic3A_874 : i32 to vector<8x1xi32>
      %shift_right_arithmetic3A_876 = arith.shrsi %scan3A_871, %shift_right_arithmetic3A_875 : vector<8x1xi32>
      %add3A_877 = arith.addi %shift_right_arithmetic3A_873, %shift_right_arithmetic3A_876 : vector<8x1xi32>
      %and3A_878 = arith.andi %scan3A_870, %scan3A_871 : vector<8x1xi32>
      %and3A_879 = arith.constant 1 : i32
      %and3A_880 = vector.broadcast %and3A_879 : i32 to vector<8x1xi32>
      %and3A_881 = arith.andi %and3A_878, %and3A_880 : vector<8x1xi32>
      %add3A_882 = arith.addi %add3A_877, %and3A_881 : vector<8x1xi32>
      %xor3A_883 = arith.xori %scan3A_870, %scan3A_871 : vector<8x1xi32>
      %and3A_884 = arith.constant 1 : i32
      %and3A_885 = vector.broadcast %and3A_884 : i32 to vector<8x1xi32>
      %and3A_886 = arith.andi %xor3A_883, %and3A_885 : vector<8x1xi32>
      %add3A_887 = arith.addi %add3A_882, %and3A_886 : vector<8x1xi32>
      %get3A_888 = arith.constant 0 : index
      %get3A_889 = arith.constant 0 : index
      %get3A_890 = vector.load %arg4[%get3A_888, %get3A_889] : memref<8x100000xi32, #tpu.memory_space<vmem>>, vector<8x12416xi32>
      %ge3A = vector.broadcast %add3A_887 : vector<8x1xi32> to vector<8x12416xi32>
      %ge3A_891 = arith.cmpi sge, %get3A_890, %ge3A : vector<8x12416xi32>
      %jit3A_892 = arith.constant 1.000000e+00 : f32
      %jit3A_893 = arith.constant 0.000000e+00 : f32
      %broadcast_in_dim3A_894 = vector.broadcast %jit3A_892 : f32 to vector<8x12416xf32>
      %broadcast_in_dim3A_895 = vector.broadcast %jit3A_893 : f32 to vector<8x12416xf32>
      %select_n3A_896 = arith.select %ge3A_891, %broadcast_in_dim3A_894, %broadcast_in_dim3A_895 : vector<8x12416xi1>, vector<8x12416xf32>
      %reduce_sum3A_897 = arith.constant dense<0.000000e+00> : vector<8xf32>
      %reduce_sum3A_898 = vector.multi_reduction <add>, %select_n3A_896, %reduce_sum3A_897 [1] : vector<8x12416xf32> to vector<8xf32>
      %broadcast_in_dim3A_899 = vector.shape_cast %reduce_sum3A_898 : vector<8xf32> to vector<8x1xf32>
      %get3A_900 = arith.constant 0 : index
      %get3A_901 = arith.constant 12416 : index
      %get3A_902 = vector.load %arg4[%get3A_900, %get3A_901] : memref<8x100000xi32, #tpu.memory_space<vmem>>, vector<8x12416xi32>
      %ge3A_903 = vector.broadcast %add3A_887 : vector<8x1xi32> to vector<8x12416xi32>
      %ge3A_904 = arith.cmpi sge, %get3A_902, %ge3A_903 : vector<8x12416xi32>
      %jit3A_905 = arith.constant 1.000000e+00 : f32
      %jit3A_906 = arith.constant 0.000000e+00 : f32
      %broadcast_in_dim3A_907 = vector.broadcast %jit3A_905 : f32 to vector<8x12416xf32>
      %broadcast_in_dim3A_908 = vector.broadcast %jit3A_906 : f32 to vector<8x12416xf32>
      %select_n3A_909 = arith.select %ge3A_904, %broadcast_in_dim3A_907, %broadcast_in_dim3A_908 : vector<8x12416xi1>, vector<8x12416xf32>
      %reduce_sum3A_910 = arith.constant dense<0.000000e+00> : vector<8xf32>
      %reduce_sum3A_911 = vector.multi_reduction <add>, %select_n3A_909, %reduce_sum3A_910 [1] : vector<8x12416xf32> to vector<8xf32>
      %broadcast_in_dim3A_912 = vector.shape_cast %reduce_sum3A_911 : vector<8xf32> to vector<8x1xf32>
      %add3A_913 = arith.addf %broadcast_in_dim3A_899, %broadcast_in_dim3A_912 : vector<8x1xf32>
      %get3A_914 = arith.constant 0 : index
      %get3A_915 = arith.constant 24832 : index
      %get3A_916 = vector.load %arg4[%get3A_914, %get3A_915] : memref<8x100000xi32, #tpu.memory_space<vmem>>, vector<8x12416xi32>
      %ge3A_917 = vector.broadcast %add3A_887 : vector<8x1xi32> to vector<8x12416xi32>
      %ge3A_918 = arith.cmpi sge, %get3A_916, %ge3A_917 : vector<8x12416xi32>
      %jit3A_919 = arith.constant 1.000000e+00 : f32
      %jit3A_920 = arith.constant 0.000000e+00 : f32
      %broadcast_in_dim3A_921 = vector.broadcast %jit3A_919 : f32 to vector<8x12416xf32>
      %broadcast_in_dim3A_922 = vector.broadcast %jit3A_920 : f32 to vector<8x12416xf32>
      %select_n3A_923 = arith.select %ge3A_918, %broadcast_in_dim3A_921, %broadcast_in_dim3A_922 : vector<8x12416xi1>, vector<8x12416xf32>
      %reduce_sum3A_924 = arith.constant dense<0.000000e+00> : vector<8xf32>
      %reduce_sum3A_925 = vector.multi_reduction <add>, %select_n3A_923, %reduce_sum3A_924 [1] : vector<8x12416xf32> to vector<8xf32>
      %broadcast_in_dim3A_926 = vector.shape_cast %reduce_sum3A_925 : vector<8xf32> to vector<8x1xf32>
      %add3A_927 = arith.addf %add3A_913, %broadcast_in_dim3A_926 : vector<8x1xf32>
      %get3A_928 = arith.constant 0 : index
      %get3A_929 = arith.constant 37248 : index
      %get3A_930 = vector.load %arg4[%get3A_928, %get3A_929] : memref<8x100000xi32, #tpu.memory_space<vmem>>, vector<8x12416xi32>
      %ge3A_931 = vector.broadcast %add3A_887 : vector<8x1xi32> to vector<8x12416xi32>
      %ge3A_932 = arith.cmpi sge, %get3A_930, %ge3A_931 : vector<8x12416xi32>
      %jit3A_933 = arith.constant 1.000000e+00 : f32
      %jit3A_934 = arith.constant 0.000000e+00 : f32
      %broadcast_in_dim3A_935 = vector.broadcast %jit3A_933 : f32 to vector<8x12416xf32>
      %broadcast_in_dim3A_936 = vector.broadcast %jit3A_934 : f32 to vector<8x12416xf32>
      %select_n3A_937 = arith.select %ge3A_932, %broadcast_in_dim3A_935, %broadcast_in_dim3A_936 : vector<8x12416xi1>, vector<8x12416xf32>
      %reduce_sum3A_938 = arith.constant dense<0.000000e+00> : vector<8xf32>
      %reduce_sum3A_939 = vector.multi_reduction <add>, %select_n3A_937, %reduce_sum3A_938 [1] : vector<8x12416xf32> to vector<8xf32>
      %broadcast_in_dim3A_940 = vector.shape_cast %reduce_sum3A_939 : vector<8xf32> to vector<8x1xf32>
      %add3A_941 = arith.addf %add3A_927, %broadcast_in_dim3A_940 : vector<8x1xf32>
      %get3A_942 = arith.constant 0 : index
      %get3A_943 = arith.constant 49664 : index
      %get3A_944 = vector.load %arg4[%get3A_942, %get3A_943] : memref<8x100000xi32, #tpu.memory_space<vmem>>, vector<8x12416xi32>
      %ge3A_945 = vector.broadcast %add3A_887 : vector<8x1xi32> to vector<8x12416xi32>
      %ge3A_946 = arith.cmpi sge, %get3A_944, %ge3A_945 : vector<8x12416xi32>
      %jit3A_947 = arith.constant 1.000000e+00 : f32
      %jit3A_948 = arith.constant 0.000000e+00 : f32
      %broadcast_in_dim3A_949 = vector.broadcast %jit3A_947 : f32 to vector<8x12416xf32>
      %broadcast_in_dim3A_950 = vector.broadcast %jit3A_948 : f32 to vector<8x12416xf32>
      %select_n3A_951 = arith.select %ge3A_946, %broadcast_in_dim3A_949, %broadcast_in_dim3A_950 : vector<8x12416xi1>, vector<8x12416xf32>
      %reduce_sum3A_952 = arith.constant dense<0.000000e+00> : vector<8xf32>
      %reduce_sum3A_953 = vector.multi_reduction <add>, %select_n3A_951, %reduce_sum3A_952 [1] : vector<8x12416xf32> to vector<8xf32>
      %broadcast_in_dim3A_954 = vector.shape_cast %reduce_sum3A_953 : vector<8xf32> to vector<8x1xf32>
      %add3A_955 = arith.addf %add3A_941, %broadcast_in_dim3A_954 : vector<8x1xf32>
      %get3A_956 = arith.constant 0 : index
      %get3A_957 = arith.constant 62080 : index
      %get3A_958 = vector.load %arg4[%get3A_956, %get3A_957] : memref<8x100000xi32, #tpu.memory_space<vmem>>, vector<8x12416xi32>
      %ge3A_959 = vector.broadcast %add3A_887 : vector<8x1xi32> to vector<8x12416xi32>
      %ge3A_960 = arith.cmpi sge, %get3A_958, %ge3A_959 : vector<8x12416xi32>
      %jit3A_961 = arith.constant 1.000000e+00 : f32
      %jit3A_962 = arith.constant 0.000000e+00 : f32
      %broadcast_in_dim3A_963 = vector.broadcast %jit3A_961 : f32 to vector<8x12416xf32>
      %broadcast_in_dim3A_964 = vector.broadcast %jit3A_962 : f32 to vector<8x12416xf32>
      %select_n3A_965 = arith.select %ge3A_960, %broadcast_in_dim3A_963, %broadcast_in_dim3A_964 : vector<8x12416xi1>, vector<8x12416xf32>
      %reduce_sum3A_966 = arith.constant dense<0.000000e+00> : vector<8xf32>
      %reduce_sum3A_967 = vector.multi_reduction <add>, %select_n3A_965, %reduce_sum3A_966 [1] : vector<8x12416xf32> to vector<8xf32>
      %broadcast_in_dim3A_968 = vector.shape_cast %reduce_sum3A_967 : vector<8xf32> to vector<8x1xf32>
      %add3A_969 = arith.addf %add3A_955, %broadcast_in_dim3A_968 : vector<8x1xf32>
      %get3A_970 = arith.constant 0 : index
      %get3A_971 = arith.constant 74496 : index
      %get3A_972 = vector.load %arg4[%get3A_970, %get3A_971] : memref<8x100000xi32, #tpu.memory_space<vmem>>, vector<8x12416xi32>
      %ge3A_973 = vector.broadcast %add3A_887 : vector<8x1xi32> to vector<8x12416xi32>
      %ge3A_974 = arith.cmpi sge, %get3A_972, %ge3A_973 : vector<8x12416xi32>
      %jit3A_975 = arith.constant 1.000000e+00 : f32
      %jit3A_976 = arith.constant 0.000000e+00 : f32
      %broadcast_in_dim3A_977 = vector.broadcast %jit3A_975 : f32 to vector<8x12416xf32>
      %broadcast_in_dim3A_978 = vector.broadcast %jit3A_976 : f32 to vector<8x12416xf32>
      %select_n3A_979 = arith.select %ge3A_974, %broadcast_in_dim3A_977, %broadcast_in_dim3A_978 : vector<8x12416xi1>, vector<8x12416xf32>
      %reduce_sum3A_980 = arith.constant dense<0.000000e+00> : vector<8xf32>
      %reduce_sum3A_981 = vector.multi_reduction <add>, %select_n3A_979, %reduce_sum3A_980 [1] : vector<8x12416xf32> to vector<8xf32>
      %broadcast_in_dim3A_982 = vector.shape_cast %reduce_sum3A_981 : vector<8xf32> to vector<8x1xf32>
      %add3A_983 = arith.addf %add3A_969, %broadcast_in_dim3A_982 : vector<8x1xf32>
      %get3A_984 = arith.constant 0 : index
      %get3A_985 = arith.constant 86912 : index
      %get3A_986 = vector.load %arg4[%get3A_984, %get3A_985] : memref<8x100000xi32, #tpu.memory_space<vmem>>, vector<8x13088xi32>
      %ge3A_987 = vector.broadcast %add3A_887 : vector<8x1xi32> to vector<8x13088xi32>
      %ge3A_988 = arith.cmpi sge, %get3A_986, %ge3A_987 : vector<8x13088xi32>
      %jit3A_989 = arith.constant 1.000000e+00 : f32
      %jit3A_990 = arith.constant 0.000000e+00 : f32
      %broadcast_in_dim3A_991 = vector.broadcast %jit3A_989 : f32 to vector<8x13088xf32>
      %broadcast_in_dim3A_992 = vector.broadcast %jit3A_990 : f32 to vector<8x13088xf32>
      %select_n3A_993 = arith.select %ge3A_988, %broadcast_in_dim3A_991, %broadcast_in_dim3A_992 : vector<8x13088xi1>, vector<8x13088xf32>
      %reduce_sum3A_994 = arith.constant dense<0.000000e+00> : vector<8xf32>
      %reduce_sum3A_995 = vector.multi_reduction <add>, %select_n3A_993, %reduce_sum3A_994 [1] : vector<8x13088xf32> to vector<8xf32>
      %broadcast_in_dim3A_996 = vector.shape_cast %reduce_sum3A_995 : vector<8xf32> to vector<8x1xf32>
      %add3A_997 = arith.addf %add3A_983, %broadcast_in_dim3A_996 : vector<8x1xf32>
      %ge3A_998 = arith.constant 3.993500e+04 : f32
      %ge3A_999 = vector.broadcast %ge3A_998 : f32 to vector<8x1xf32>
      %ge3A_1000 = arith.cmpf oge, %add3A_997, %ge3A_999 : vector<8x1xf32>
      %select_n3A_1001 = arith.select %ge3A_1000, %add3A_887, %scan3A_870 : vector<8x1xi1>, vector<8x1xi32>
      %sub3A_1002 = arith.constant 1 : i32
      %sub3A_1003 = vector.broadcast %sub3A_1002 : i32 to vector<8x1xi32>
      %sub3A_1004 = arith.subi %add3A_887, %sub3A_1003 : vector<8x1xi32>
      %select_n3A_1005 = arith.select %ge3A_1000, %scan3A_871, %sub3A_1004 : vector<8x1xi1>, vector<8x1xi32>
      scf.yield %select_n3A_1001, %select_n3A_1005 : vector<8x1xi32>, vector<8x1xi32>
    }
    %lt3A_289 = arith.constant 0 : i32
    %lt3A_290 = vector.broadcast %lt3A_289 : i32 to vector<8x1xi32>
    %lt3A_291 = arith.cmpi slt, %scan3A_288#0, %lt3A_290 : vector<8x1xi32>
    %jit3A_292 = arith.constant 2147483647 : i32
    %jit3A_293 = arith.constant 0 : i32
    %broadcast_in_dim3A_294 = vector.broadcast %jit3A_292 : i32 to vector<8x1xi32>
    %broadcast_in_dim3A_295 = vector.broadcast %jit3A_293 : i32 to vector<8x1xi32>
    %select_n3A_296 = arith.select %lt3A_291, %broadcast_in_dim3A_294, %broadcast_in_dim3A_295 : vector<8x1xi1>, vector<8x1xi32>
    %xor3A_297 = arith.xori %scan3A_288#0, %select_n3A_296 : vector<8x1xi32>
    %bitcast_convert_type3A_298 = tpu.bitcast %xor3A_297 : vector<8x1xi32> -> vector<8x1xf32>
    %mul3A = arith.constant 8 : i32
    %mul3A_299 = arith.muli %arg0, %mul3A : i32
    %add3A_300 = arith.constant 64 : i32
    %add3A_301 = arith.addi %add3A_300, %mul3A_299 : i32
    %add3A_302 = arith.constant 0 : i32
    %add3A_303 = arith.addi %add3A_301, %add3A_302 : i32
    %get3A_304 = arith.index_cast %add3A_303 : i32 to index
    %get3A_305 = memref.load %arg1[%get3A_304] : memref<128xi32, #tpu.memory_space<smem>>
    %mul3A_306 = arith.constant 8 : i32
    %mul3A_307 = arith.muli %arg0, %mul3A_306 : i32
    %add3A_308 = arith.constant 64 : i32
    %add3A_309 = arith.addi %add3A_308, %mul3A_307 : i32
    %add3A_310 = arith.constant 1 : i32
    %add3A_311 = arith.addi %add3A_309, %add3A_310 : i32
    %get3A_312 = arith.index_cast %add3A_311 : i32 to index
    %get3A_313 = memref.load %arg1[%get3A_312] : memref<128xi32, #tpu.memory_space<smem>>
    %mul3A_314 = arith.constant 8 : i32
    %mul3A_315 = arith.muli %arg0, %mul3A_314 : i32
    %add3A_316 = arith.constant 64 : i32
    %add3A_317 = arith.addi %add3A_316, %mul3A_315 : i32
    %add3A_318 = arith.constant 2 : i32
    %add3A_319 = arith.addi %add3A_317, %add3A_318 : i32
    %get3A_320 = arith.index_cast %add3A_319 : i32 to index
    %get3A_321 = memref.load %arg1[%get3A_320] : memref<128xi32, #tpu.memory_space<smem>>
    %mul3A_322 = arith.constant 8 : i32
    %mul3A_323 = arith.muli %arg0, %mul3A_322 : i32
    %add3A_324 = arith.constant 64 : i32
    %add3A_325 = arith.addi %add3A_324, %mul3A_323 : i32
    %add3A_326 = arith.constant 3 : i32
    %add3A_327 = arith.addi %add3A_325, %add3A_326 : i32
    %get3A_328 = arith.index_cast %add3A_327 : i32 to index
    %get3A_329 = memref.load %arg1[%get3A_328] : memref<128xi32, #tpu.memory_space<smem>>
    %mul3A_330 = arith.constant 8 : i32
    %mul3A_331 = arith.muli %arg0, %mul3A_330 : i32
    %add3A_332 = arith.constant 64 : i32
    %add3A_333 = arith.addi %add3A_332, %mul3A_331 : i32
    %add3A_334 = arith.constant 4 : i32
    %add3A_335 = arith.addi %add3A_333, %add3A_334 : i32
    %get3A_336 = arith.index_cast %add3A_335 : i32 to index
    %get3A_337 = memref.load %arg1[%get3A_336] : memref<128xi32, #tpu.memory_space<smem>>
    %mul3A_338 = arith.constant 8 : i32
    %mul3A_339 = arith.muli %arg0, %mul3A_338 : i32
    %add3A_340 = arith.constant 64 : i32
    %add3A_341 = arith.addi %add3A_340, %mul3A_339 : i32
    %add3A_342 = arith.constant 5 : i32
    %add3A_343 = arith.addi %add3A_341, %add3A_342 : i32
    %get3A_344 = arith.index_cast %add3A_343 : i32 to index
    %get3A_345 = memref.load %arg1[%get3A_344] : memref<128xi32, #tpu.memory_space<smem>>
    %mul3A_346 = arith.constant 8 : i32
    %mul3A_347 = arith.muli %arg0, %mul3A_346 : i32
    %add3A_348 = arith.constant 64 : i32
    %add3A_349 = arith.addi %add3A_348, %mul3A_347 : i32
    %add3A_350 = arith.constant 6 : i32
    %add3A_351 = arith.addi %add3A_349, %add3A_350 : i32
    %get3A_352 = arith.index_cast %add3A_351 : i32 to index
    %get3A_353 = memref.load %arg1[%get3A_352] : memref<128xi32, #tpu.memory_space<smem>>
    %mul3A_354 = arith.constant 8 : i32
    %mul3A_355 = arith.muli %arg0, %mul3A_354 : i32
    %add3A_356 = arith.constant 64 : i32
    %add3A_357 = arith.addi %add3A_356, %mul3A_355 : i32
    %add3A_358 = arith.constant 7 : i32
    %add3A_359 = arith.addi %add3A_357, %add3A_358 : i32
    %get3A_360 = arith.index_cast %add3A_359 : i32 to index
    %get3A_361 = memref.load %arg1[%get3A_360] : memref<128xi32, #tpu.memory_space<smem>>
    %stack3A = vector.broadcast %get3A_305 : i32 to vector<1xi32>
    %stack3A_362 = vector.broadcast %get3A_313 : i32 to vector<1xi32>
    %stack3A_363 = vector.broadcast %get3A_321 : i32 to vector<1xi32>
    %stack3A_364 = vector.broadcast %get3A_329 : i32 to vector<1xi32>
    %stack3A_365 = vector.broadcast %get3A_337 : i32 to vector<1xi32>
    %stack3A_366 = vector.broadcast %get3A_345 : i32 to vector<1xi32>
    %stack3A_367 = vector.broadcast %get3A_353 : i32 to vector<1xi32>
    %stack3A_368 = vector.broadcast %get3A_361 : i32 to vector<1xi32>
    %stack3A_369 = tpu.concatenate %stack3A, %stack3A_362, %stack3A_363, %stack3A_364, %stack3A_365, %stack3A_366, %stack3A_367, %stack3A_368 in 0 : vector<1xi32>, vector<1xi32>, vector<1xi32>, vector<1xi32>, vector<1xi32>, vector<1xi32>, vector<1xi32>, vector<1xi32> -> vector<8xi32>
    %reshape3A = vector.shape_cast %stack3A_369 : vector<8xi32> to vector<8x1xi32>
    %get3A_370 = arith.constant 0 : index
    %get3A_371 = arith.constant 0 : index
    %get3A_372 = vector.load %arg2[%get3A_370, %get3A_371] : memref<8x100000xf32, #tpu.memory_space<vmem>>, vector<8x12416xf32>
    %get3A_373 = arith.constant 0 : index
    %get3A_374 = arith.constant 0 : index
    %get3A_375 = vector.load %arg4[%get3A_373, %get3A_374] : memref<8x100000xi32, #tpu.memory_space<vmem>>, vector<8x12416xi32>
    %iota3A = tpu.iota {dimensions = array<i32: 1>} : vector<8x12416xi32>
    %add3A_376 = arith.constant 0 : i32
    %add3A_377 = vector.broadcast %add3A_376 : i32 to vector<8x12416xi32>
    %add3A_378 = arith.addi %iota3A, %add3A_377 : vector<8x12416xi32>
    %gt3A = vector.broadcast %scan3A_288#0 : vector<8x1xi32> to vector<8x12416xi32>
    %gt3A_379 = arith.cmpi sgt, %get3A_375, %gt3A : vector<8x12416xi32>
    %eq3A = vector.broadcast %reshape3A : vector<8x1xi32> to vector<8x12416xi32>
    %eq3A_380 = arith.cmpi eq, %add3A_378, %eq3A : vector<8x12416xi32>
    %jit3A_381 = arith.constant 1.000000e+00 : f32
    %jit3A_382 = arith.constant 0.000000e+00 : f32
    %broadcast_in_dim3A_383 = vector.broadcast %jit3A_381 : f32 to vector<8x12416xf32>
    %broadcast_in_dim3A_384 = vector.broadcast %jit3A_382 : f32 to vector<8x12416xf32>
    %select_n3A_385 = arith.select %gt3A_379, %broadcast_in_dim3A_383, %broadcast_in_dim3A_384 : vector<8x12416xi1>, vector<8x12416xf32>
    %reduce_sum3A_386 = arith.constant dense<0.000000e+00> : vector<8xf32>
    %reduce_sum3A_387 = vector.multi_reduction <add>, %select_n3A_385, %reduce_sum3A_386 [1] : vector<8x12416xf32> to vector<8xf32>
    %broadcast_in_dim3A_388 = vector.shape_cast %reduce_sum3A_387 : vector<8xf32> to vector<8x1xf32>
    %jit3A_389 = arith.constant 0.000000e+00 : f32
    %broadcast_in_dim3A_390 = vector.broadcast %jit3A_389 : f32 to vector<8x12416xf32>
    %select_n3A_391 = arith.select %gt3A_379, %get3A_372, %broadcast_in_dim3A_390 : vector<8x12416xi1>, vector<8x12416xf32>
    %reduce_sum3A_392 = arith.constant dense<0.000000e+00> : vector<8xf32>
    %reduce_sum3A_393 = vector.multi_reduction <add>, %select_n3A_391, %reduce_sum3A_392 [1] : vector<8x12416xf32> to vector<8xf32>
    %broadcast_in_dim3A_394 = vector.shape_cast %reduce_sum3A_393 : vector<8xf32> to vector<8x1xf32>
    %jit3A_395 = arith.constant 0.000000e+00 : f32
    %broadcast_in_dim3A_396 = vector.broadcast %jit3A_395 : f32 to vector<8x12416xf32>
    %select_n3A_397 = arith.select %eq3A_380, %get3A_372, %broadcast_in_dim3A_396 : vector<8x12416xi1>, vector<8x12416xf32>
    %reduce_sum3A_398 = arith.constant dense<0.000000e+00> : vector<8xf32>
    %reduce_sum3A_399 = vector.multi_reduction <add>, %select_n3A_397, %reduce_sum3A_398 [1] : vector<8x12416xf32> to vector<8xf32>
    %broadcast_in_dim3A_400 = vector.shape_cast %reduce_sum3A_399 : vector<8xf32> to vector<8x1xf32>
    %jit3A_401 = arith.constant 0 : i32
    %broadcast_in_dim3A_402 = vector.broadcast %jit3A_401 : i32 to vector<8x12416xi32>
    %select_n3A_403 = arith.select %eq3A_380, %get3A_375, %broadcast_in_dim3A_402 : vector<8x12416xi1>, vector<8x12416xi32>
    %reduce_sum3A_404 = arith.constant dense<0> : vector<8xi32>
    %reduce_sum3A_405 = vector.multi_reduction <add>, %select_n3A_403, %reduce_sum3A_404 [1] : vector<8x12416xi32> to vector<8xi32>
    %broadcast_in_dim3A_406 = vector.shape_cast %reduce_sum3A_405 : vector<8xi32> to vector<8x1xi32>
    %eq3A_407 = vector.broadcast %scan3A_288#0 : vector<8x1xi32> to vector<8x12416xi32>
    %eq3A_408 = arith.cmpi eq, %get3A_375, %eq3A_407 : vector<8x12416xi32>
    %lt3A_409 = vector.broadcast %reshape3A : vector<8x1xi32> to vector<8x12416xi32>
    %lt3A_410 = arith.cmpi slt, %add3A_378, %lt3A_409 : vector<8x12416xi32>
    %and3A = arith.andi %eq3A_408, %lt3A_410 : vector<8x12416xi1>
    %jit3A_411 = arith.constant 1.000000e+00 : f32
    %jit3A_412 = arith.constant 0.000000e+00 : f32
    %broadcast_in_dim3A_413 = vector.broadcast %jit3A_411 : f32 to vector<8x12416xf32>
    %broadcast_in_dim3A_414 = vector.broadcast %jit3A_412 : f32 to vector<8x12416xf32>
    %select_n3A_415 = arith.select %and3A, %broadcast_in_dim3A_413, %broadcast_in_dim3A_414 : vector<8x12416xi1>, vector<8x12416xf32>
    %reduce_sum3A_416 = arith.constant dense<0.000000e+00> : vector<8xf32>
    %reduce_sum3A_417 = vector.multi_reduction <add>, %select_n3A_415, %reduce_sum3A_416 [1] : vector<8x12416xf32> to vector<8xf32>
    %broadcast_in_dim3A_418 = vector.shape_cast %reduce_sum3A_417 : vector<8xf32> to vector<8x1xf32>
    %get3A_419 = arith.constant 0 : index
    %get3A_420 = arith.constant 12416 : index
    %get3A_421 = vector.load %arg2[%get3A_419, %get3A_420] : memref<8x100000xf32, #tpu.memory_space<vmem>>, vector<8x12416xf32>
    %get3A_422 = arith.constant 0 : index
    %get3A_423 = arith.constant 12416 : index
    %get3A_424 = vector.load %arg4[%get3A_422, %get3A_423] : memref<8x100000xi32, #tpu.memory_space<vmem>>, vector<8x12416xi32>
    %iota3A_425 = tpu.iota {dimensions = array<i32: 1>} : vector<8x12416xi32>
    %add3A_426 = arith.constant 12416 : i32
    %add3A_427 = vector.broadcast %add3A_426 : i32 to vector<8x12416xi32>
    %add3A_428 = arith.addi %iota3A_425, %add3A_427 : vector<8x12416xi32>
    %gt3A_429 = vector.broadcast %scan3A_288#0 : vector<8x1xi32> to vector<8x12416xi32>
    %gt3A_430 = arith.cmpi sgt, %get3A_424, %gt3A_429 : vector<8x12416xi32>
    %eq3A_431 = vector.broadcast %reshape3A : vector<8x1xi32> to vector<8x12416xi32>
    %eq3A_432 = arith.cmpi eq, %add3A_428, %eq3A_431 : vector<8x12416xi32>
    %jit3A_433 = arith.constant 1.000000e+00 : f32
    %jit3A_434 = arith.constant 0.000000e+00 : f32
    %broadcast_in_dim3A_435 = vector.broadcast %jit3A_433 : f32 to vector<8x12416xf32>
    %broadcast_in_dim3A_436 = vector.broadcast %jit3A_434 : f32 to vector<8x12416xf32>
    %select_n3A_437 = arith.select %gt3A_430, %broadcast_in_dim3A_435, %broadcast_in_dim3A_436 : vector<8x12416xi1>, vector<8x12416xf32>
    %reduce_sum3A_438 = arith.constant dense<0.000000e+00> : vector<8xf32>
    %reduce_sum3A_439 = vector.multi_reduction <add>, %select_n3A_437, %reduce_sum3A_438 [1] : vector<8x12416xf32> to vector<8xf32>
    %broadcast_in_dim3A_440 = vector.shape_cast %reduce_sum3A_439 : vector<8xf32> to vector<8x1xf32>
    %jit3A_441 = arith.constant 0.000000e+00 : f32
    %broadcast_in_dim3A_442 = vector.broadcast %jit3A_441 : f32 to vector<8x12416xf32>
    %select_n3A_443 = arith.select %gt3A_430, %get3A_421, %broadcast_in_dim3A_442 : vector<8x12416xi1>, vector<8x12416xf32>
    %reduce_sum3A_444 = arith.constant dense<0.000000e+00> : vector<8xf32>
    %reduce_sum3A_445 = vector.multi_reduction <add>, %select_n3A_443, %reduce_sum3A_444 [1] : vector<8x12416xf32> to vector<8xf32>
    %broadcast_in_dim3A_446 = vector.shape_cast %reduce_sum3A_445 : vector<8xf32> to vector<8x1xf32>
    %jit3A_447 = arith.constant 0.000000e+00 : f32
    %broadcast_in_dim3A_448 = vector.broadcast %jit3A_447 : f32 to vector<8x12416xf32>
    %select_n3A_449 = arith.select %eq3A_432, %get3A_421, %broadcast_in_dim3A_448 : vector<8x12416xi1>, vector<8x12416xf32>
    %reduce_sum3A_450 = arith.constant dense<0.000000e+00> : vector<8xf32>
    %reduce_sum3A_451 = vector.multi_reduction <add>, %select_n3A_449, %reduce_sum3A_450 [1] : vector<8x12416xf32> to vector<8xf32>
    %broadcast_in_dim3A_452 = vector.shape_cast %reduce_sum3A_451 : vector<8xf32> to vector<8x1xf32>
    %jit3A_453 = arith.constant 0 : i32
    %broadcast_in_dim3A_454 = vector.broadcast %jit3A_453 : i32 to vector<8x12416xi32>
    %select_n3A_455 = arith.select %eq3A_432, %get3A_424, %broadcast_in_dim3A_454 : vector<8x12416xi1>, vector<8x12416xi32>
    %reduce_sum3A_456 = arith.constant dense<0> : vector<8xi32>
    %reduce_sum3A_457 = vector.multi_reduction <add>, %select_n3A_455, %reduce_sum3A_456 [1] : vector<8x12416xi32> to vector<8xi32>
    %broadcast_in_dim3A_458 = vector.shape_cast %reduce_sum3A_457 : vector<8xi32> to vector<8x1xi32>
    %eq3A_459 = vector.broadcast %scan3A_288#0 : vector<8x1xi32> to vector<8x12416xi32>
    %eq3A_460 = arith.cmpi eq, %get3A_424, %eq3A_459 : vector<8x12416xi32>
    %lt3A_461 = vector.broadcast %reshape3A : vector<8x1xi32> to vector<8x12416xi32>
    %lt3A_462 = arith.cmpi slt, %add3A_428, %lt3A_461 : vector<8x12416xi32>
    %and3A_463 = arith.andi %eq3A_460, %lt3A_462 : vector<8x12416xi1>
    %jit3A_464 = arith.constant 1.000000e+00 : f32
    %jit3A_465 = arith.constant 0.000000e+00 : f32
    %broadcast_in_dim3A_466 = vector.broadcast %jit3A_464 : f32 to vector<8x12416xf32>
    %broadcast_in_dim3A_467 = vector.broadcast %jit3A_465 : f32 to vector<8x12416xf32>
    %select_n3A_468 = arith.select %and3A_463, %broadcast_in_dim3A_466, %broadcast_in_dim3A_467 : vector<8x12416xi1>, vector<8x12416xf32>
    %reduce_sum3A_469 = arith.constant dense<0.000000e+00> : vector<8xf32>
    %reduce_sum3A_470 = vector.multi_reduction <add>, %select_n3A_468, %reduce_sum3A_469 [1] : vector<8x12416xf32> to vector<8xf32>
    %broadcast_in_dim3A_471 = vector.shape_cast %reduce_sum3A_470 : vector<8xf32> to vector<8x1xf32>
    %add3A_472 = arith.addf %broadcast_in_dim3A_388, %broadcast_in_dim3A_440 : vector<8x1xf32>
    %add3A_473 = arith.addf %broadcast_in_dim3A_394, %broadcast_in_dim3A_446 : vector<8x1xf32>
    %add3A_474 = arith.addf %broadcast_in_dim3A_400, %broadcast_in_dim3A_452 : vector<8x1xf32>
    %add3A_475 = arith.addi %broadcast_in_dim3A_406, %broadcast_in_dim3A_458 : vector<8x1xi32>
    %add3A_476 = arith.addf %broadcast_in_dim3A_418, %broadcast_in_dim3A_471 : vector<8x1xf32>
    %get3A_477 = arith.constant 0 : index
    %get3A_478 = arith.constant 24832 : index
    %get3A_479 = vector.load %arg2[%get3A_477, %get3A_478] : memref<8x100000xf32, #tpu.memory_space<vmem>>, vector<8x12416xf32>
    %get3A_480 = arith.constant 0 : index
    %get3A_481 = arith.constant 24832 : index
    %get3A_482 = vector.load %arg4[%get3A_480, %get3A_481] : memref<8x100000xi32, #tpu.memory_space<vmem>>, vector<8x12416xi32>
    %iota3A_483 = tpu.iota {dimensions = array<i32: 1>} : vector<8x12416xi32>
    %add3A_484 = arith.constant 24832 : i32
    %add3A_485 = vector.broadcast %add3A_484 : i32 to vector<8x12416xi32>
    %add3A_486 = arith.addi %iota3A_483, %add3A_485 : vector<8x12416xi32>
    %gt3A_487 = vector.broadcast %scan3A_288#0 : vector<8x1xi32> to vector<8x12416xi32>
    %gt3A_488 = arith.cmpi sgt, %get3A_482, %gt3A_487 : vector<8x12416xi32>
    %eq3A_489 = vector.broadcast %reshape3A : vector<8x1xi32> to vector<8x12416xi32>
    %eq3A_490 = arith.cmpi eq, %add3A_486, %eq3A_489 : vector<8x12416xi32>
    %jit3A_491 = arith.constant 1.000000e+00 : f32
    %jit3A_492 = arith.constant 0.000000e+00 : f32
    %broadcast_in_dim3A_493 = vector.broadcast %jit3A_491 : f32 to vector<8x12416xf32>
    %broadcast_in_dim3A_494 = vector.broadcast %jit3A_492 : f32 to vector<8x12416xf32>
    %select_n3A_495 = arith.select %gt3A_488, %broadcast_in_dim3A_493, %broadcast_in_dim3A_494 : vector<8x12416xi1>, vector<8x12416xf32>
    %reduce_sum3A_496 = arith.constant dense<0.000000e+00> : vector<8xf32>
    %reduce_sum3A_497 = vector.multi_reduction <add>, %select_n3A_495, %reduce_sum3A_496 [1] : vector<8x12416xf32> to vector<8xf32>
    %broadcast_in_dim3A_498 = vector.shape_cast %reduce_sum3A_497 : vector<8xf32> to vector<8x1xf32>
    %jit3A_499 = arith.constant 0.000000e+00 : f32
    %broadcast_in_dim3A_500 = vector.broadcast %jit3A_499 : f32 to vector<8x12416xf32>
    %select_n3A_501 = arith.select %gt3A_488, %get3A_479, %broadcast_in_dim3A_500 : vector<8x12416xi1>, vector<8x12416xf32>
    %reduce_sum3A_502 = arith.constant dense<0.000000e+00> : vector<8xf32>
    %reduce_sum3A_503 = vector.multi_reduction <add>, %select_n3A_501, %reduce_sum3A_502 [1] : vector<8x12416xf32> to vector<8xf32>
    %broadcast_in_dim3A_504 = vector.shape_cast %reduce_sum3A_503 : vector<8xf32> to vector<8x1xf32>
    %jit3A_505 = arith.constant 0.000000e+00 : f32
    %broadcast_in_dim3A_506 = vector.broadcast %jit3A_505 : f32 to vector<8x12416xf32>
    %select_n3A_507 = arith.select %eq3A_490, %get3A_479, %broadcast_in_dim3A_506 : vector<8x12416xi1>, vector<8x12416xf32>
    %reduce_sum3A_508 = arith.constant dense<0.000000e+00> : vector<8xf32>
    %reduce_sum3A_509 = vector.multi_reduction <add>, %select_n3A_507, %reduce_sum3A_508 [1] : vector<8x12416xf32> to vector<8xf32>
    %broadcast_in_dim3A_510 = vector.shape_cast %reduce_sum3A_509 : vector<8xf32> to vector<8x1xf32>
    %jit3A_511 = arith.constant 0 : i32
    %broadcast_in_dim3A_512 = vector.broadcast %jit3A_511 : i32 to vector<8x12416xi32>
    %select_n3A_513 = arith.select %eq3A_490, %get3A_482, %broadcast_in_dim3A_512 : vector<8x12416xi1>, vector<8x12416xi32>
    %reduce_sum3A_514 = arith.constant dense<0> : vector<8xi32>
    %reduce_sum3A_515 = vector.multi_reduction <add>, %select_n3A_513, %reduce_sum3A_514 [1] : vector<8x12416xi32> to vector<8xi32>
    %broadcast_in_dim3A_516 = vector.shape_cast %reduce_sum3A_515 : vector<8xi32> to vector<8x1xi32>
    %eq3A_517 = vector.broadcast %scan3A_288#0 : vector<8x1xi32> to vector<8x12416xi32>
    %eq3A_518 = arith.cmpi eq, %get3A_482, %eq3A_517 : vector<8x12416xi32>
    %lt3A_519 = vector.broadcast %reshape3A : vector<8x1xi32> to vector<8x12416xi32>
    %lt3A_520 = arith.cmpi slt, %add3A_486, %lt3A_519 : vector<8x12416xi32>
    %and3A_521 = arith.andi %eq3A_518, %lt3A_520 : vector<8x12416xi1>
    %jit3A_522 = arith.constant 1.000000e+00 : f32
    %jit3A_523 = arith.constant 0.000000e+00 : f32
    %broadcast_in_dim3A_524 = vector.broadcast %jit3A_522 : f32 to vector<8x12416xf32>
    %broadcast_in_dim3A_525 = vector.broadcast %jit3A_523 : f32 to vector<8x12416xf32>
    %select_n3A_526 = arith.select %and3A_521, %broadcast_in_dim3A_524, %broadcast_in_dim3A_525 : vector<8x12416xi1>, vector<8x12416xf32>
    %reduce_sum3A_527 = arith.constant dense<0.000000e+00> : vector<8xf32>
    %reduce_sum3A_528 = vector.multi_reduction <add>, %select_n3A_526, %reduce_sum3A_527 [1] : vector<8x12416xf32> to vector<8xf32>
    %broadcast_in_dim3A_529 = vector.shape_cast %reduce_sum3A_528 : vector<8xf32> to vector<8x1xf32>
    %add3A_530 = arith.addf %add3A_472, %broadcast_in_dim3A_498 : vector<8x1xf32>
    %add3A_531 = arith.addf %add3A_473, %broadcast_in_dim3A_504 : vector<8x1xf32>
    %add3A_532 = arith.addf %add3A_474, %broadcast_in_dim3A_510 : vector<8x1xf32>
    %add3A_533 = arith.addi %add3A_475, %broadcast_in_dim3A_516 : vector<8x1xi32>
    %add3A_534 = arith.addf %add3A_476, %broadcast_in_dim3A_529 : vector<8x1xf32>
    %get3A_535 = arith.constant 0 : index
    %get3A_536 = arith.constant 37248 : index
    %get3A_537 = vector.load %arg2[%get3A_535, %get3A_536] : memref<8x100000xf32, #tpu.memory_space<vmem>>, vector<8x12416xf32>
    %get3A_538 = arith.constant 0 : index
    %get3A_539 = arith.constant 37248 : index
    %get3A_540 = vector.load %arg4[%get3A_538, %get3A_539] : memref<8x100000xi32, #tpu.memory_space<vmem>>, vector<8x12416xi32>
    %iota3A_541 = tpu.iota {dimensions = array<i32: 1>} : vector<8x12416xi32>
    %add3A_542 = arith.constant 37248 : i32
    %add3A_543 = vector.broadcast %add3A_542 : i32 to vector<8x12416xi32>
    %add3A_544 = arith.addi %iota3A_541, %add3A_543 : vector<8x12416xi32>
    %gt3A_545 = vector.broadcast %scan3A_288#0 : vector<8x1xi32> to vector<8x12416xi32>
    %gt3A_546 = arith.cmpi sgt, %get3A_540, %gt3A_545 : vector<8x12416xi32>
    %eq3A_547 = vector.broadcast %reshape3A : vector<8x1xi32> to vector<8x12416xi32>
    %eq3A_548 = arith.cmpi eq, %add3A_544, %eq3A_547 : vector<8x12416xi32>
    %jit3A_549 = arith.constant 1.000000e+00 : f32
    %jit3A_550 = arith.constant 0.000000e+00 : f32
    %broadcast_in_dim3A_551 = vector.broadcast %jit3A_549 : f32 to vector<8x12416xf32>
    %broadcast_in_dim3A_552 = vector.broadcast %jit3A_550 : f32 to vector<8x12416xf32>
    %select_n3A_553 = arith.select %gt3A_546, %broadcast_in_dim3A_551, %broadcast_in_dim3A_552 : vector<8x12416xi1>, vector<8x12416xf32>
    %reduce_sum3A_554 = arith.constant dense<0.000000e+00> : vector<8xf32>
    %reduce_sum3A_555 = vector.multi_reduction <add>, %select_n3A_553, %reduce_sum3A_554 [1] : vector<8x12416xf32> to vector<8xf32>
    %broadcast_in_dim3A_556 = vector.shape_cast %reduce_sum3A_555 : vector<8xf32> to vector<8x1xf32>
    %jit3A_557 = arith.constant 0.000000e+00 : f32
    %broadcast_in_dim3A_558 = vector.broadcast %jit3A_557 : f32 to vector<8x12416xf32>
    %select_n3A_559 = arith.select %gt3A_546, %get3A_537, %broadcast_in_dim3A_558 : vector<8x12416xi1>, vector<8x12416xf32>
    %reduce_sum3A_560 = arith.constant dense<0.000000e+00> : vector<8xf32>
    %reduce_sum3A_561 = vector.multi_reduction <add>, %select_n3A_559, %reduce_sum3A_560 [1] : vector<8x12416xf32> to vector<8xf32>
    %broadcast_in_dim3A_562 = vector.shape_cast %reduce_sum3A_561 : vector<8xf32> to vector<8x1xf32>
    %jit3A_563 = arith.constant 0.000000e+00 : f32
    %broadcast_in_dim3A_564 = vector.broadcast %jit3A_563 : f32 to vector<8x12416xf32>
    %select_n3A_565 = arith.select %eq3A_548, %get3A_537, %broadcast_in_dim3A_564 : vector<8x12416xi1>, vector<8x12416xf32>
    %reduce_sum3A_566 = arith.constant dense<0.000000e+00> : vector<8xf32>
    %reduce_sum3A_567 = vector.multi_reduction <add>, %select_n3A_565, %reduce_sum3A_566 [1] : vector<8x12416xf32> to vector<8xf32>
    %broadcast_in_dim3A_568 = vector.shape_cast %reduce_sum3A_567 : vector<8xf32> to vector<8x1xf32>
    %jit3A_569 = arith.constant 0 : i32
    %broadcast_in_dim3A_570 = vector.broadcast %jit3A_569 : i32 to vector<8x12416xi32>
    %select_n3A_571 = arith.select %eq3A_548, %get3A_540, %broadcast_in_dim3A_570 : vector<8x12416xi1>, vector<8x12416xi32>
    %reduce_sum3A_572 = arith.constant dense<0> : vector<8xi32>
    %reduce_sum3A_573 = vector.multi_reduction <add>, %select_n3A_571, %reduce_sum3A_572 [1] : vector<8x12416xi32> to vector<8xi32>
    %broadcast_in_dim3A_574 = vector.shape_cast %reduce_sum3A_573 : vector<8xi32> to vector<8x1xi32>
    %eq3A_575 = vector.broadcast %scan3A_288#0 : vector<8x1xi32> to vector<8x12416xi32>
    %eq3A_576 = arith.cmpi eq, %get3A_540, %eq3A_575 : vector<8x12416xi32>
    %lt3A_577 = vector.broadcast %reshape3A : vector<8x1xi32> to vector<8x12416xi32>
    %lt3A_578 = arith.cmpi slt, %add3A_544, %lt3A_577 : vector<8x12416xi32>
    %and3A_579 = arith.andi %eq3A_576, %lt3A_578 : vector<8x12416xi1>
    %jit3A_580 = arith.constant 1.000000e+00 : f32
    %jit3A_581 = arith.constant 0.000000e+00 : f32
    %broadcast_in_dim3A_582 = vector.broadcast %jit3A_580 : f32 to vector<8x12416xf32>
    %broadcast_in_dim3A_583 = vector.broadcast %jit3A_581 : f32 to vector<8x12416xf32>
    %select_n3A_584 = arith.select %and3A_579, %broadcast_in_dim3A_582, %broadcast_in_dim3A_583 : vector<8x12416xi1>, vector<8x12416xf32>
    %reduce_sum3A_585 = arith.constant dense<0.000000e+00> : vector<8xf32>
    %reduce_sum3A_586 = vector.multi_reduction <add>, %select_n3A_584, %reduce_sum3A_585 [1] : vector<8x12416xf32> to vector<8xf32>
    %broadcast_in_dim3A_587 = vector.shape_cast %reduce_sum3A_586 : vector<8xf32> to vector<8x1xf32>
    %add3A_588 = arith.addf %add3A_530, %broadcast_in_dim3A_556 : vector<8x1xf32>
    %add3A_589 = arith.addf %add3A_531, %broadcast_in_dim3A_562 : vector<8x1xf32>
    %add3A_590 = arith.addf %add3A_532, %broadcast_in_dim3A_568 : vector<8x1xf32>
    %add3A_591 = arith.addi %add3A_533, %broadcast_in_dim3A_574 : vector<8x1xi32>
    %add3A_592 = arith.addf %add3A_534, %broadcast_in_dim3A_587 : vector<8x1xf32>
    %get3A_593 = arith.constant 0 : index
    %get3A_594 = arith.constant 49664 : index
    %get3A_595 = vector.load %arg2[%get3A_593, %get3A_594] : memref<8x100000xf32, #tpu.memory_space<vmem>>, vector<8x12416xf32>
    %get3A_596 = arith.constant 0 : index
    %get3A_597 = arith.constant 49664 : index
    %get3A_598 = vector.load %arg4[%get3A_596, %get3A_597] : memref<8x100000xi32, #tpu.memory_space<vmem>>, vector<8x12416xi32>
    %iota3A_599 = tpu.iota {dimensions = array<i32: 1>} : vector<8x12416xi32>
    %add3A_600 = arith.constant 49664 : i32
    %add3A_601 = vector.broadcast %add3A_600 : i32 to vector<8x12416xi32>
    %add3A_602 = arith.addi %iota3A_599, %add3A_601 : vector<8x12416xi32>
    %gt3A_603 = vector.broadcast %scan3A_288#0 : vector<8x1xi32> to vector<8x12416xi32>
    %gt3A_604 = arith.cmpi sgt, %get3A_598, %gt3A_603 : vector<8x12416xi32>
    %eq3A_605 = vector.broadcast %reshape3A : vector<8x1xi32> to vector<8x12416xi32>
    %eq3A_606 = arith.cmpi eq, %add3A_602, %eq3A_605 : vector<8x12416xi32>
    %jit3A_607 = arith.constant 1.000000e+00 : f32
    %jit3A_608 = arith.constant 0.000000e+00 : f32
    %broadcast_in_dim3A_609 = vector.broadcast %jit3A_607 : f32 to vector<8x12416xf32>
    %broadcast_in_dim3A_610 = vector.broadcast %jit3A_608 : f32 to vector<8x12416xf32>
    %select_n3A_611 = arith.select %gt3A_604, %broadcast_in_dim3A_609, %broadcast_in_dim3A_610 : vector<8x12416xi1>, vector<8x12416xf32>
    %reduce_sum3A_612 = arith.constant dense<0.000000e+00> : vector<8xf32>
    %reduce_sum3A_613 = vector.multi_reduction <add>, %select_n3A_611, %reduce_sum3A_612 [1] : vector<8x12416xf32> to vector<8xf32>
    %broadcast_in_dim3A_614 = vector.shape_cast %reduce_sum3A_613 : vector<8xf32> to vector<8x1xf32>
    %jit3A_615 = arith.constant 0.000000e+00 : f32
    %broadcast_in_dim3A_616 = vector.broadcast %jit3A_615 : f32 to vector<8x12416xf32>
    %select_n3A_617 = arith.select %gt3A_604, %get3A_595, %broadcast_in_dim3A_616 : vector<8x12416xi1>, vector<8x12416xf32>
    %reduce_sum3A_618 = arith.constant dense<0.000000e+00> : vector<8xf32>
    %reduce_sum3A_619 = vector.multi_reduction <add>, %select_n3A_617, %reduce_sum3A_618 [1] : vector<8x12416xf32> to vector<8xf32>
    %broadcast_in_dim3A_620 = vector.shape_cast %reduce_sum3A_619 : vector<8xf32> to vector<8x1xf32>
    %jit3A_621 = arith.constant 0.000000e+00 : f32
    %broadcast_in_dim3A_622 = vector.broadcast %jit3A_621 : f32 to vector<8x12416xf32>
    %select_n3A_623 = arith.select %eq3A_606, %get3A_595, %broadcast_in_dim3A_622 : vector<8x12416xi1>, vector<8x12416xf32>
    %reduce_sum3A_624 = arith.constant dense<0.000000e+00> : vector<8xf32>
    %reduce_sum3A_625 = vector.multi_reduction <add>, %select_n3A_623, %reduce_sum3A_624 [1] : vector<8x12416xf32> to vector<8xf32>
    %broadcast_in_dim3A_626 = vector.shape_cast %reduce_sum3A_625 : vector<8xf32> to vector<8x1xf32>
    %jit3A_627 = arith.constant 0 : i32
    %broadcast_in_dim3A_628 = vector.broadcast %jit3A_627 : i32 to vector<8x12416xi32>
    %select_n3A_629 = arith.select %eq3A_606, %get3A_598, %broadcast_in_dim3A_628 : vector<8x12416xi1>, vector<8x12416xi32>
    %reduce_sum3A_630 = arith.constant dense<0> : vector<8xi32>
    %reduce_sum3A_631 = vector.multi_reduction <add>, %select_n3A_629, %reduce_sum3A_630 [1] : vector<8x12416xi32> to vector<8xi32>
    %broadcast_in_dim3A_632 = vector.shape_cast %reduce_sum3A_631 : vector<8xi32> to vector<8x1xi32>
    %eq3A_633 = vector.broadcast %scan3A_288#0 : vector<8x1xi32> to vector<8x12416xi32>
    %eq3A_634 = arith.cmpi eq, %get3A_598, %eq3A_633 : vector<8x12416xi32>
    %lt3A_635 = vector.broadcast %reshape3A : vector<8x1xi32> to vector<8x12416xi32>
    %lt3A_636 = arith.cmpi slt, %add3A_602, %lt3A_635 : vector<8x12416xi32>
    %and3A_637 = arith.andi %eq3A_634, %lt3A_636 : vector<8x12416xi1>
    %jit3A_638 = arith.constant 1.000000e+00 : f32
    %jit3A_639 = arith.constant 0.000000e+00 : f32
    %broadcast_in_dim3A_640 = vector.broadcast %jit3A_638 : f32 to vector<8x12416xf32>
    %broadcast_in_dim3A_641 = vector.broadcast %jit3A_639 : f32 to vector<8x12416xf32>
    %select_n3A_642 = arith.select %and3A_637, %broadcast_in_dim3A_640, %broadcast_in_dim3A_641 : vector<8x12416xi1>, vector<8x12416xf32>
    %reduce_sum3A_643 = arith.constant dense<0.000000e+00> : vector<8xf32>
    %reduce_sum3A_644 = vector.multi_reduction <add>, %select_n3A_642, %reduce_sum3A_643 [1] : vector<8x12416xf32> to vector<8xf32>
    %broadcast_in_dim3A_645 = vector.shape_cast %reduce_sum3A_644 : vector<8xf32> to vector<8x1xf32>
    %add3A_646 = arith.addf %add3A_588, %broadcast_in_dim3A_614 : vector<8x1xf32>
    %add3A_647 = arith.addf %add3A_589, %broadcast_in_dim3A_620 : vector<8x1xf32>
    %add3A_648 = arith.addf %add3A_590, %broadcast_in_dim3A_626 : vector<8x1xf32>
    %add3A_649 = arith.addi %add3A_591, %broadcast_in_dim3A_632 : vector<8x1xi32>
    %add3A_650 = arith.addf %add3A_592, %broadcast_in_dim3A_645 : vector<8x1xf32>
    %get3A_651 = arith.constant 0 : index
    %get3A_652 = arith.constant 62080 : index
    %get3A_653 = vector.load %arg2[%get3A_651, %get3A_652] : memref<8x100000xf32, #tpu.memory_space<vmem>>, vector<8x12416xf32>
    %get3A_654 = arith.constant 0 : index
    %get3A_655 = arith.constant 62080 : index
    %get3A_656 = vector.load %arg4[%get3A_654, %get3A_655] : memref<8x100000xi32, #tpu.memory_space<vmem>>, vector<8x12416xi32>
    %iota3A_657 = tpu.iota {dimensions = array<i32: 1>} : vector<8x12416xi32>
    %add3A_658 = arith.constant 62080 : i32
    %add3A_659 = vector.broadcast %add3A_658 : i32 to vector<8x12416xi32>
    %add3A_660 = arith.addi %iota3A_657, %add3A_659 : vector<8x12416xi32>
    %gt3A_661 = vector.broadcast %scan3A_288#0 : vector<8x1xi32> to vector<8x12416xi32>
    %gt3A_662 = arith.cmpi sgt, %get3A_656, %gt3A_661 : vector<8x12416xi32>
    %eq3A_663 = vector.broadcast %reshape3A : vector<8x1xi32> to vector<8x12416xi32>
    %eq3A_664 = arith.cmpi eq, %add3A_660, %eq3A_663 : vector<8x12416xi32>
    %jit3A_665 = arith.constant 1.000000e+00 : f32
    %jit3A_666 = arith.constant 0.000000e+00 : f32
    %broadcast_in_dim3A_667 = vector.broadcast %jit3A_665 : f32 to vector<8x12416xf32>
    %broadcast_in_dim3A_668 = vector.broadcast %jit3A_666 : f32 to vector<8x12416xf32>
    %select_n3A_669 = arith.select %gt3A_662, %broadcast_in_dim3A_667, %broadcast_in_dim3A_668 : vector<8x12416xi1>, vector<8x12416xf32>
    %reduce_sum3A_670 = arith.constant dense<0.000000e+00> : vector<8xf32>
    %reduce_sum3A_671 = vector.multi_reduction <add>, %select_n3A_669, %reduce_sum3A_670 [1] : vector<8x12416xf32> to vector<8xf32>
    %broadcast_in_dim3A_672 = vector.shape_cast %reduce_sum3A_671 : vector<8xf32> to vector<8x1xf32>
    %jit3A_673 = arith.constant 0.000000e+00 : f32
    %broadcast_in_dim3A_674 = vector.broadcast %jit3A_673 : f32 to vector<8x12416xf32>
    %select_n3A_675 = arith.select %gt3A_662, %get3A_653, %broadcast_in_dim3A_674 : vector<8x12416xi1>, vector<8x12416xf32>
    %reduce_sum3A_676 = arith.constant dense<0.000000e+00> : vector<8xf32>
    %reduce_sum3A_677 = vector.multi_reduction <add>, %select_n3A_675, %reduce_sum3A_676 [1] : vector<8x12416xf32> to vector<8xf32>
    %broadcast_in_dim3A_678 = vector.shape_cast %reduce_sum3A_677 : vector<8xf32> to vector<8x1xf32>
    %jit3A_679 = arith.constant 0.000000e+00 : f32
    %broadcast_in_dim3A_680 = vector.broadcast %jit3A_679 : f32 to vector<8x12416xf32>
    %select_n3A_681 = arith.select %eq3A_664, %get3A_653, %broadcast_in_dim3A_680 : vector<8x12416xi1>, vector<8x12416xf32>
    %reduce_sum3A_682 = arith.constant dense<0.000000e+00> : vector<8xf32>
    %reduce_sum3A_683 = vector.multi_reduction <add>, %select_n3A_681, %reduce_sum3A_682 [1] : vector<8x12416xf32> to vector<8xf32>
    %broadcast_in_dim3A_684 = vector.shape_cast %reduce_sum3A_683 : vector<8xf32> to vector<8x1xf32>
    %jit3A_685 = arith.constant 0 : i32
    %broadcast_in_dim3A_686 = vector.broadcast %jit3A_685 : i32 to vector<8x12416xi32>
    %select_n3A_687 = arith.select %eq3A_664, %get3A_656, %broadcast_in_dim3A_686 : vector<8x12416xi1>, vector<8x12416xi32>
    %reduce_sum3A_688 = arith.constant dense<0> : vector<8xi32>
    %reduce_sum3A_689 = vector.multi_reduction <add>, %select_n3A_687, %reduce_sum3A_688 [1] : vector<8x12416xi32> to vector<8xi32>
    %broadcast_in_dim3A_690 = vector.shape_cast %reduce_sum3A_689 : vector<8xi32> to vector<8x1xi32>
    %eq3A_691 = vector.broadcast %scan3A_288#0 : vector<8x1xi32> to vector<8x12416xi32>
    %eq3A_692 = arith.cmpi eq, %get3A_656, %eq3A_691 : vector<8x12416xi32>
    %lt3A_693 = vector.broadcast %reshape3A : vector<8x1xi32> to vector<8x12416xi32>
    %lt3A_694 = arith.cmpi slt, %add3A_660, %lt3A_693 : vector<8x12416xi32>
    %and3A_695 = arith.andi %eq3A_692, %lt3A_694 : vector<8x12416xi1>
    %jit3A_696 = arith.constant 1.000000e+00 : f32
    %jit3A_697 = arith.constant 0.000000e+00 : f32
    %broadcast_in_dim3A_698 = vector.broadcast %jit3A_696 : f32 to vector<8x12416xf32>
    %broadcast_in_dim3A_699 = vector.broadcast %jit3A_697 : f32 to vector<8x12416xf32>
    %select_n3A_700 = arith.select %and3A_695, %broadcast_in_dim3A_698, %broadcast_in_dim3A_699 : vector<8x12416xi1>, vector<8x12416xf32>
    %reduce_sum3A_701 = arith.constant dense<0.000000e+00> : vector<8xf32>
    %reduce_sum3A_702 = vector.multi_reduction <add>, %select_n3A_700, %reduce_sum3A_701 [1] : vector<8x12416xf32> to vector<8xf32>
    %broadcast_in_dim3A_703 = vector.shape_cast %reduce_sum3A_702 : vector<8xf32> to vector<8x1xf32>
    %add3A_704 = arith.addf %add3A_646, %broadcast_in_dim3A_672 : vector<8x1xf32>
    %add3A_705 = arith.addf %add3A_647, %broadcast_in_dim3A_678 : vector<8x1xf32>
    %add3A_706 = arith.addf %add3A_648, %broadcast_in_dim3A_684 : vector<8x1xf32>
    %add3A_707 = arith.addi %add3A_649, %broadcast_in_dim3A_690 : vector<8x1xi32>
    %add3A_708 = arith.addf %add3A_650, %broadcast_in_dim3A_703 : vector<8x1xf32>
    %get3A_709 = arith.constant 0 : index
    %get3A_710 = arith.constant 74496 : index
    %get3A_711 = vector.load %arg2[%get3A_709, %get3A_710] : memref<8x100000xf32, #tpu.memory_space<vmem>>, vector<8x12416xf32>
    %get3A_712 = arith.constant 0 : index
    %get3A_713 = arith.constant 74496 : index
    %get3A_714 = vector.load %arg4[%get3A_712, %get3A_713] : memref<8x100000xi32, #tpu.memory_space<vmem>>, vector<8x12416xi32>
    %iota3A_715 = tpu.iota {dimensions = array<i32: 1>} : vector<8x12416xi32>
    %add3A_716 = arith.constant 74496 : i32
    %add3A_717 = vector.broadcast %add3A_716 : i32 to vector<8x12416xi32>
    %add3A_718 = arith.addi %iota3A_715, %add3A_717 : vector<8x12416xi32>
    %gt3A_719 = vector.broadcast %scan3A_288#0 : vector<8x1xi32> to vector<8x12416xi32>
    %gt3A_720 = arith.cmpi sgt, %get3A_714, %gt3A_719 : vector<8x12416xi32>
    %eq3A_721 = vector.broadcast %reshape3A : vector<8x1xi32> to vector<8x12416xi32>
    %eq3A_722 = arith.cmpi eq, %add3A_718, %eq3A_721 : vector<8x12416xi32>
    %jit3A_723 = arith.constant 1.000000e+00 : f32
    %jit3A_724 = arith.constant 0.000000e+00 : f32
    %broadcast_in_dim3A_725 = vector.broadcast %jit3A_723 : f32 to vector<8x12416xf32>
    %broadcast_in_dim3A_726 = vector.broadcast %jit3A_724 : f32 to vector<8x12416xf32>
    %select_n3A_727 = arith.select %gt3A_720, %broadcast_in_dim3A_725, %broadcast_in_dim3A_726 : vector<8x12416xi1>, vector<8x12416xf32>
    %reduce_sum3A_728 = arith.constant dense<0.000000e+00> : vector<8xf32>
    %reduce_sum3A_729 = vector.multi_reduction <add>, %select_n3A_727, %reduce_sum3A_728 [1] : vector<8x12416xf32> to vector<8xf32>
    %broadcast_in_dim3A_730 = vector.shape_cast %reduce_sum3A_729 : vector<8xf32> to vector<8x1xf32>
    %jit3A_731 = arith.constant 0.000000e+00 : f32
    %broadcast_in_dim3A_732 = vector.broadcast %jit3A_731 : f32 to vector<8x12416xf32>
    %select_n3A_733 = arith.select %gt3A_720, %get3A_711, %broadcast_in_dim3A_732 : vector<8x12416xi1>, vector<8x12416xf32>
    %reduce_sum3A_734 = arith.constant dense<0.000000e+00> : vector<8xf32>
    %reduce_sum3A_735 = vector.multi_reduction <add>, %select_n3A_733, %reduce_sum3A_734 [1] : vector<8x12416xf32> to vector<8xf32>
    %broadcast_in_dim3A_736 = vector.shape_cast %reduce_sum3A_735 : vector<8xf32> to vector<8x1xf32>
    %jit3A_737 = arith.constant 0.000000e+00 : f32
    %broadcast_in_dim3A_738 = vector.broadcast %jit3A_737 : f32 to vector<8x12416xf32>
    %select_n3A_739 = arith.select %eq3A_722, %get3A_711, %broadcast_in_dim3A_738 : vector<8x12416xi1>, vector<8x12416xf32>
    %reduce_sum3A_740 = arith.constant dense<0.000000e+00> : vector<8xf32>
    %reduce_sum3A_741 = vector.multi_reduction <add>, %select_n3A_739, %reduce_sum3A_740 [1] : vector<8x12416xf32> to vector<8xf32>
    %broadcast_in_dim3A_742 = vector.shape_cast %reduce_sum3A_741 : vector<8xf32> to vector<8x1xf32>
    %jit3A_743 = arith.constant 0 : i32
    %broadcast_in_dim3A_744 = vector.broadcast %jit3A_743 : i32 to vector<8x12416xi32>
    %select_n3A_745 = arith.select %eq3A_722, %get3A_714, %broadcast_in_dim3A_744 : vector<8x12416xi1>, vector<8x12416xi32>
    %reduce_sum3A_746 = arith.constant dense<0> : vector<8xi32>
    %reduce_sum3A_747 = vector.multi_reduction <add>, %select_n3A_745, %reduce_sum3A_746 [1] : vector<8x12416xi32> to vector<8xi32>
    %broadcast_in_dim3A_748 = vector.shape_cast %reduce_sum3A_747 : vector<8xi32> to vector<8x1xi32>
    %eq3A_749 = vector.broadcast %scan3A_288#0 : vector<8x1xi32> to vector<8x12416xi32>
    %eq3A_750 = arith.cmpi eq, %get3A_714, %eq3A_749 : vector<8x12416xi32>
    %lt3A_751 = vector.broadcast %reshape3A : vector<8x1xi32> to vector<8x12416xi32>
    %lt3A_752 = arith.cmpi slt, %add3A_718, %lt3A_751 : vector<8x12416xi32>
    %and3A_753 = arith.andi %eq3A_750, %lt3A_752 : vector<8x12416xi1>
    %jit3A_754 = arith.constant 1.000000e+00 : f32
    %jit3A_755 = arith.constant 0.000000e+00 : f32
    %broadcast_in_dim3A_756 = vector.broadcast %jit3A_754 : f32 to vector<8x12416xf32>
    %broadcast_in_dim3A_757 = vector.broadcast %jit3A_755 : f32 to vector<8x12416xf32>
    %select_n3A_758 = arith.select %and3A_753, %broadcast_in_dim3A_756, %broadcast_in_dim3A_757 : vector<8x12416xi1>, vector<8x12416xf32>
    %reduce_sum3A_759 = arith.constant dense<0.000000e+00> : vector<8xf32>
    %reduce_sum3A_760 = vector.multi_reduction <add>, %select_n3A_758, %reduce_sum3A_759 [1] : vector<8x12416xf32> to vector<8xf32>
    %broadcast_in_dim3A_761 = vector.shape_cast %reduce_sum3A_760 : vector<8xf32> to vector<8x1xf32>
    %add3A_762 = arith.addf %add3A_704, %broadcast_in_dim3A_730 : vector<8x1xf32>
    %add3A_763 = arith.addf %add3A_705, %broadcast_in_dim3A_736 : vector<8x1xf32>
    %add3A_764 = arith.addf %add3A_706, %broadcast_in_dim3A_742 : vector<8x1xf32>
    %add3A_765 = arith.addi %add3A_707, %broadcast_in_dim3A_748 : vector<8x1xi32>
    %add3A_766 = arith.addf %add3A_708, %broadcast_in_dim3A_761 : vector<8x1xf32>
    %get3A_767 = arith.constant 0 : index
    %get3A_768 = arith.constant 86912 : index
    %get3A_769 = vector.load %arg2[%get3A_767, %get3A_768] : memref<8x100000xf32, #tpu.memory_space<vmem>>, vector<8x13088xf32>
    %get3A_770 = arith.constant 0 : index
    %get3A_771 = arith.constant 86912 : index
    %get3A_772 = vector.load %arg4[%get3A_770, %get3A_771] : memref<8x100000xi32, #tpu.memory_space<vmem>>, vector<8x13088xi32>
    %iota3A_773 = tpu.iota {dimensions = array<i32: 1>} : vector<8x13088xi32>
    %add3A_774 = arith.constant 86912 : i32
    %add3A_775 = vector.broadcast %add3A_774 : i32 to vector<8x13088xi32>
    %add3A_776 = arith.addi %iota3A_773, %add3A_775 : vector<8x13088xi32>
    %gt3A_777 = vector.broadcast %scan3A_288#0 : vector<8x1xi32> to vector<8x13088xi32>
    %gt3A_778 = arith.cmpi sgt, %get3A_772, %gt3A_777 : vector<8x13088xi32>
    %eq3A_779 = vector.broadcast %reshape3A : vector<8x1xi32> to vector<8x13088xi32>
    %eq3A_780 = arith.cmpi eq, %add3A_776, %eq3A_779 : vector<8x13088xi32>
    %jit3A_781 = arith.constant 1.000000e+00 : f32
    %jit3A_782 = arith.constant 0.000000e+00 : f32
    %broadcast_in_dim3A_783 = vector.broadcast %jit3A_781 : f32 to vector<8x13088xf32>
    %broadcast_in_dim3A_784 = vector.broadcast %jit3A_782 : f32 to vector<8x13088xf32>
    %select_n3A_785 = arith.select %gt3A_778, %broadcast_in_dim3A_783, %broadcast_in_dim3A_784 : vector<8x13088xi1>, vector<8x13088xf32>
    %reduce_sum3A_786 = arith.constant dense<0.000000e+00> : vector<8xf32>
    %reduce_sum3A_787 = vector.multi_reduction <add>, %select_n3A_785, %reduce_sum3A_786 [1] : vector<8x13088xf32> to vector<8xf32>
    %broadcast_in_dim3A_788 = vector.shape_cast %reduce_sum3A_787 : vector<8xf32> to vector<8x1xf32>
    %jit3A_789 = arith.constant 0.000000e+00 : f32
    %broadcast_in_dim3A_790 = vector.broadcast %jit3A_789 : f32 to vector<8x13088xf32>
    %select_n3A_791 = arith.select %gt3A_778, %get3A_769, %broadcast_in_dim3A_790 : vector<8x13088xi1>, vector<8x13088xf32>
    %reduce_sum3A_792 = arith.constant dense<0.000000e+00> : vector<8xf32>
    %reduce_sum3A_793 = vector.multi_reduction <add>, %select_n3A_791, %reduce_sum3A_792 [1] : vector<8x13088xf32> to vector<8xf32>
    %broadcast_in_dim3A_794 = vector.shape_cast %reduce_sum3A_793 : vector<8xf32> to vector<8x1xf32>
    %jit3A_795 = arith.constant 0.000000e+00 : f32
    %broadcast_in_dim3A_796 = vector.broadcast %jit3A_795 : f32 to vector<8x13088xf32>
    %select_n3A_797 = arith.select %eq3A_780, %get3A_769, %broadcast_in_dim3A_796 : vector<8x13088xi1>, vector<8x13088xf32>
    %reduce_sum3A_798 = arith.constant dense<0.000000e+00> : vector<8xf32>
    %reduce_sum3A_799 = vector.multi_reduction <add>, %select_n3A_797, %reduce_sum3A_798 [1] : vector<8x13088xf32> to vector<8xf32>
    %broadcast_in_dim3A_800 = vector.shape_cast %reduce_sum3A_799 : vector<8xf32> to vector<8x1xf32>
    %jit3A_801 = arith.constant 0 : i32
    %broadcast_in_dim3A_802 = vector.broadcast %jit3A_801 : i32 to vector<8x13088xi32>
    %select_n3A_803 = arith.select %eq3A_780, %get3A_772, %broadcast_in_dim3A_802 : vector<8x13088xi1>, vector<8x13088xi32>
    %reduce_sum3A_804 = arith.constant dense<0> : vector<8xi32>
    %reduce_sum3A_805 = vector.multi_reduction <add>, %select_n3A_803, %reduce_sum3A_804 [1] : vector<8x13088xi32> to vector<8xi32>
    %broadcast_in_dim3A_806 = vector.shape_cast %reduce_sum3A_805 : vector<8xi32> to vector<8x1xi32>
    %eq3A_807 = vector.broadcast %scan3A_288#0 : vector<8x1xi32> to vector<8x13088xi32>
    %eq3A_808 = arith.cmpi eq, %get3A_772, %eq3A_807 : vector<8x13088xi32>
    %lt3A_809 = vector.broadcast %reshape3A : vector<8x1xi32> to vector<8x13088xi32>
    %lt3A_810 = arith.cmpi slt, %add3A_776, %lt3A_809 : vector<8x13088xi32>
    %and3A_811 = arith.andi %eq3A_808, %lt3A_810 : vector<8x13088xi1>
    %jit3A_812 = arith.constant 1.000000e+00 : f32
    %jit3A_813 = arith.constant 0.000000e+00 : f32
    %broadcast_in_dim3A_814 = vector.broadcast %jit3A_812 : f32 to vector<8x13088xf32>
    %broadcast_in_dim3A_815 = vector.broadcast %jit3A_813 : f32 to vector<8x13088xf32>
    %select_n3A_816 = arith.select %and3A_811, %broadcast_in_dim3A_814, %broadcast_in_dim3A_815 : vector<8x13088xi1>, vector<8x13088xf32>
    %reduce_sum3A_817 = arith.constant dense<0.000000e+00> : vector<8xf32>
    %reduce_sum3A_818 = vector.multi_reduction <add>, %select_n3A_816, %reduce_sum3A_817 [1] : vector<8x13088xf32> to vector<8xf32>
    %broadcast_in_dim3A_819 = vector.shape_cast %reduce_sum3A_818 : vector<8xf32> to vector<8x1xf32>
    %add3A_820 = arith.addf %add3A_762, %broadcast_in_dim3A_788 : vector<8x1xf32>
    %add3A_821 = arith.addf %add3A_763, %broadcast_in_dim3A_794 : vector<8x1xf32>
    %add3A_822 = arith.addf %add3A_764, %broadcast_in_dim3A_800 : vector<8x1xf32>
    %add3A_823 = arith.addi %add3A_765, %broadcast_in_dim3A_806 : vector<8x1xi32>
    %add3A_824 = arith.addf %add3A_766, %broadcast_in_dim3A_819 : vector<8x1xf32>
    %gt3A_825 = arith.cmpi sgt, %add3A_823, %scan3A_288#0 : vector<8x1xi32>
    %eq3A_826 = arith.cmpi eq, %add3A_823, %scan3A_288#0 : vector<8x1xi32>
    %add3A_827 = arith.addf %add3A_820, %add3A_824 : vector<8x1xf32>
    %lt3A_828 = arith.constant 3.993500e+04 : f32
    %lt3A_829 = vector.broadcast %lt3A_828 : f32 to vector<8x1xf32>
    %lt3A_830 = arith.cmpf olt, %add3A_827, %lt3A_829 : vector<8x1xf32>
    %and3A_831 = arith.andi %eq3A_826, %lt3A_830 : vector<8x1xi1>
    %or3A = arith.ori %gt3A_825, %and3A_831 : vector<8x1xi1>
    %sub3A_832 = arith.constant 3.993500e+04 : f32
    %sub3A_833 = vector.broadcast %sub3A_832 : f32 to vector<8x1xf32>
    %sub3A_834 = arith.subf %sub3A_833, %add3A_820 : vector<8x1xf32>
    %mul3A_835 = arith.mulf %sub3A_834, %bitcast_convert_type3A_298 : vector<8x1xf32>
    %add3A_836 = arith.addf %add3A_821, %mul3A_835 : vector<8x1xf32>
    %mul3A_837 = arith.constant 3.993500e+04 : f32
    %mul3A_838 = vector.broadcast %mul3A_837 : f32 to vector<8x1xf32>
    %mul3A_839 = arith.mulf %mul3A_838, %add3A_284 : vector<8x1xf32>
    %sub3A_840 = arith.subf %mul3A_839, %add3A_836 : vector<8x1xf32>
    %sub3A_841 = arith.subf %add3A_284, %add3A_822 : vector<8x1xf32>
    %jit3A_842 = arith.constant 0.000000e+00 : f32
    %broadcast_in_dim3A_843 = vector.broadcast %jit3A_842 : f32 to vector<8x1xf32>
    %select_n3A_844 = arith.select %or3A, %sub3A_841, %broadcast_in_dim3A_843 : vector<8x1xi1>, vector<8x1xf32>
    %sub3A_845 = arith.subf %sub3A_840, %select_n3A_844 : vector<8x1xf32>
    %mul3A_846 = arith.constant 2.50406902E-6 : f32
    %mul3A_847 = vector.broadcast %mul3A_846 : f32 to vector<8x1xf32>
    %mul3A_848 = arith.mulf %mul3A_847, %sub3A_845 : vector<8x1xf32>
    %mul3A_849 = arith.constant 0.899999976 : f32
    %mul3A_850 = vector.broadcast %mul3A_849 : f32 to vector<8x1xf32>
    %mul3A_851 = arith.mulf %mul3A_850, %sub3A_841 : vector<8x1xf32>
    %add3A_852 = arith.addf %mul3A_848, %mul3A_851 : vector<8x1xf32>
    %reduce_sum3A_853 = vector.shape_cast %add3A_852 : vector<8x1xf32> to vector<1x8x1xf32>
    %reduce_sum3A_854 = arith.constant dense<0.000000e+00> : vector<1xf32>
    %reduce_sum3A_855 = vector.multi_reduction <add>, %reduce_sum3A_853, %reduce_sum3A_854 [1, 2] : vector<1x8x1xf32> to vector<1xf32>
    %reduce_sum3A_856 = vector.shape_cast %reduce_sum3A_855 : vector<1xf32> to vector<1x1x1xf32>
    %reduce_sum3A_857 = vector.extract %reduce_sum3A_856[0, 0, 0] : f32 from vector<1x1x1xf32>
    %div3A = arith.constant 1.280000e+02 : f32
    %div3A_858 = arith.divf %reduce_sum3A_857, %div3A : f32
    %eq3A_859 = arith.constant 0 : i32
    %eq3A_860 = arith.cmpi eq, %arg0, %eq3A_859 : i32
    %convert_element_type3A = arith.extui %eq3A_860 : i1 to i32
    %cond3A = arith.constant 0 : i32
    %cond3A_861 = arith.cmpi ne, %convert_element_type3A, %cond3A : i32
    scf.if %cond3A_861 {
      %swap3A_869 = arith.constant 0.000000e+00 : f32
      %swap3A_870 = arith.constant 0 : index
      %swap3A_871 = arith.constant 0 : index
      %swap3A_872 = memref.load %arg3[%swap3A_870, %swap3A_871] : memref<1x1xf32, #tpu.memory_space<smem>>
      memref.store %swap3A_869, %arg3[%swap3A_870, %swap3A_871] : memref<1x1xf32, #tpu.memory_space<smem>>
    } else {
    }
    %get3A_862 = arith.constant 0 : index
    %get3A_863 = arith.constant 0 : index
    %get3A_864 = memref.load %arg3[%get3A_862, %get3A_863] : memref<1x1xf32, #tpu.memory_space<smem>>
    %add3A_865 = arith.addf %get3A_864, %div3A_858 : f32
    %swap3A_866 = arith.constant 0 : index
    %swap3A_867 = arith.constant 0 : index
    %swap3A_868 = memref.load %arg3[%swap3A_866, %swap3A_867] : memref<1x1xf32, #tpu.memory_space<smem>>
    memref.store %add3A_865, %arg3[%swap3A_866, %swap3A_867] : memref<1x1xf32, #tpu.memory_space<smem>>
    return
  }
  func.func @transform_0(%arg0: i32, %arg1: memref<128xi32, #tpu.memory_space<smem>>) -> (i32, i32) {
    %add3A = arith.constant 8 : i32
    %add3A_0 = arith.addi %arg0, %add3A : i32
    %c0_i32 = arith.constant 0 : i32
    %c0_i32_1 = arith.constant 0 : i32
    return %add3A_0, %c0_i32 : i32, i32
  }
  func.func @transform_1(%arg0: i32, %arg1: memref<128xi32, #tpu.memory_space<smem>>) -> (i32, i32) {
    %c0_i32 = arith.constant 0 : i32
    %c0_i32_0 = arith.constant 0 : i32
    %c0_i32_1 = arith.constant 0 : i32
    return %c0_i32, %c0_i32_0 : i32, i32
  }
}

</mosaic_0001>

<sc_bundles>
// kernel: kernel.5.cloned.1.call-start
scs
__scs_entry_jumppad:
0x0: {  	(pc) =	sbr.rel $0x88, $3  }
0x1: {  	(tag) =	ssettag $0x0;
	lr =	simm.s32 $0x1  }
0x2: {  	[smem:$0x3F9F] =	sst lr;
	_ =	strace $0xD0000000  }
0x3: {  	_ = 	snop  }
0x4: {  	_ = 	snop  }
0x5: {  	_ = 	snop  }
0x6: {  	_ = 	snop  }
0x7: {  	_ = 	snop  }
__scs_overlays_trampoline_lowered:
0x8: {  	[smem:$0x3FAE] =	sst s0  }
0x9: {  	[smem:$0x3FAF] =	sst s1  }
0xa: {  	[smem:$0x3FB0] =	sst s2  }
0xb: {  	[smem:$0x3FB1] =	sst s3  }
0xc: {  	[smem:$0x3FB2] =	sst s4  }
0xd: {  	[smem:$0x3FB3] =	sst s5  }
0xe: {  	[smem:$0x3FB4] =	sst s6  }
0xf: {  	[smem:$0x3FB5] =	sst s7  }
0x10: {  	[smem:$0x3FB6] =	sst s8  }
0x11: {  	[smem:$0x3FB7] =	sst s9;
	s0 =	simm.s32 @!p0 $0x0  }
0x12: {  	s1 =	sld [smem:$0x3F9D];
	s0 =	simm.s32 @p0 $0x1  }
0x13: {  	[smem:$0x3FB8] =	sst s0;
	s0 =	simm.s32 @!p1 $0x0  }
0x14: {  	s2 =	sld [smem:$0x3F9C];
	s0 =	simm.s32 @p1 $0x1  }
0x15: {  	[smem:$0x3FB9] =	sst s0;
	s0 =	simm.s32 @!p2 $0x0  }
0x16: {  	s3 =	sld [smem:$0x3FDB];
	s0 =	simm.s32 @p2 $0x1  }
0x17: {  	s4 =	simm.s32 $0x1BF5;
	[smem:$0x3FBB] =	sst s0  }
0x18: {  	s0 =	sld [smem:$0x3F9E];
	_ =	swait.ge [sflag:s4], $0x0  }
0x19: {  	s7 =	sld [smem:$0x3F9F]  }
0x1a: {  	s8 =	sadd.s32 $0xFFFFE003, lr  }
0x1b: {  	s9 =	sadd.s32 $0xFFFFFEF7, lr;
	s5 =	simm.s32 $0xFFFFFFFF;
	p2 =	slt.u32 s8, $0xFFFFF086  }
0x1c: {  	p1 =	slt.u32 s9, $0xF7A;
	s5 =	simm.s32 @!p2 $0x0  }
0x1d: {  	s5 =	simm.s32 @p1 $0x1;
	p0 =	seq.s32 s7, s2  }
0x1e: {  	s7 =	smul.u32 @!p0 $0xF7A, s2;
	p2 =	seq.s32 @!p0 s5, $0x0  }
0x1f: {  	s9 =	smul.u32 $0xF7A, s1;
	s8 =	simm.s32 @!p0 $0x1BF5;
	p2 =	por !p2, p0  }
0x20: {  	[sflag:s8] =	ssyncset.s32 @!p0 $0xFFFFF086;
	s6 =	sadd.s32 @!p0 s3, s7;
	s7 =	simm.s32 @!p0 $0x108  }
0x21: {  	s3 =	sadd.s32 s3, s9;
	s6 =	sadd.s32 @!p0 $0x88, s6;
	s7 =	simm.s32 @p2 $0x1082  }
0x22: {  	[simem:s7], [sflag:s8] =	dma.local @!p0 [hbm:s6], $0xF7A  }
0x23: {  	s9 =	sor.u32 $0xD0000000, s2;
	s6 =	simm.s32 $0x108;
	_ =	swait.ge @!p0 [sflag:s8], $0x0  }
0x24: {  	s3 =	sadd.s32 $0x88, s3;
	s6 =	simm.s32 @!p1 $0x1082;
	[sflag:s4] =	ssyncset.s32 $0xFFFFF086  }
0x25: {  	[simem:s6], [sflag:s4] =	dma.local [hbm:s3], $0xF7A  }
0x26: {  	[smem:$0x3F9F] =	sst s1;
	(tag) =	ssettag s2;
	_ =	strace s9  }
0x27: {  	s1 =	sld [smem:$0x3FAF]  }
0x28: {  	s2 =	sld [smem:$0x3FB0]  }
0x29: {  	s4 =	sld [smem:$0x3FB2]  }
0x2a: {  	p0 =	seq.s32 s5, $0x0;
	s5 =	sld [smem:$0x3FB3]  }
0x2b: {  	s6 =	sld [smem:$0x3FB4]  }
0x2c: {  	s7 =	sld [smem:$0x3FB5]  }
0x2d: {  	s3 =	simm.s32 $0x108;
	s8 =	sld [smem:$0x3FB6]  }
0x2e: {  	s3 =	simm.s32 @!p0 $0x1082;
	s9 =	sld [smem:$0x3FB7]  }
0x2f: {  	lr =	sadd.s32 s0, s3;
	s0 =	sld [smem:$0x3FAE]  }
0x30: {  	s3 =	sld [smem:$0x3FB1]  }
0x31: {  	[smem:$0x3FBA] =	sst s10  }
0x32: {  	s10 =	sld [smem:$0x3FB8];
	_ =	sdelay $0x3  }
0x33: {  	p0 =	seq.s32 s10, $0x1;
	s10 =	sld [smem:$0x3FBA];
	_ =	sdelay $0x3  }
0x34: {  	[smem:$0x3FBA] =	sst s10  }
0x35: {  	s10 =	sld [smem:$0x3FB9];
	_ =	sdelay $0x3  }
0x36: {  	p1 =	seq.s32 s10, $0x1;
	s10 =	sld [smem:$0x3FBA];
	_ =	sdelay $0x3  }
0x37: {  	[smem:$0x3FBA] =	sst s10  }
0x38: {  	s10 =	sld [smem:$0x3FBB]  }
0x39: {  	_ = 	snop;
	(pc) =	sbr.ind lr, $3  }
0x3a: {  	_ = 	snop  }
0x3b: {  	_ = 	snop  }
0x3c: {  	p2 =	seq.s32 s10, $0x1;
	s10 =	sld [smem:$0x3FBA]  }
0x3d: {  	_ =	shalt  }
0x3e: {  	_ =	shalt  }
0x3f: {  	_ =	shalt  }
0x40: {  	_ =	shalt  }
0x41: {  	_ =	shalt  }
0x42: {  	_ =	shalt  }
0x43: {  	_ =	shalt  }
0x44: {  	_ =	shalt  }
0x45: {  	_ =	shalt  }
0x46: {  	_ =	shalt  }
0x47: {  	_ =	shalt  }
0x48: {  	_ =	shalt  }
0x49: {  	_ =	shalt  }
0x4a: {  	_ =	shalt  }
0x4b: {  	_ =	shalt  }
0x4c: {  	_ =	shalt  }
0x4d: {  	_ =	shalt  }
0x4e: {  	_ =	shalt  }
0x4f: {  	_ =	shalt  }
0x50: {  	_ =	shalt  }
0x51: {  	_ =	shalt  }
0x52: {  	_ =	shalt  }
0x53: {  	_ =	shalt  }
0x54: {  	_ =	shalt  }
0x55: {  	_ =	shalt  }
0x56: {  	_ =	shalt  }
0x57: {  	_ =	shalt  }
0x58: {  	_ =	shalt  }
0x59: {  	_ =	shalt  }
0x5a: {  	_ =	shalt  }
0x5b: {  	_ =	shalt  }
0x5c: {  	_ =	shalt  }
0x5d: {  	_ =	shalt  }
0x5e: {  	_ =	shalt  }
0x5f: {  	_ =	shalt  }
0x60: {  	_ =	shalt  }
0x61: {  	_ =	shalt  }
0x62: {  	_ =	shalt  }
0x63: {  	_ =	shalt  }
0x64: {  	_ =	shalt  }
0x65: {  	_ =	shalt  }
0x66: {  	_ =	shalt  }
0x67: {  	_ =	shalt  }
0x68: {  	_ =	shalt  }
0x69: {  	_ =	shalt  }
0x6a: {  	_ =	shalt  }
0x6b: {  	_ =	shalt  }
0x6c: {  	_ =	shalt  }
0x6d: {  	_ =	shalt  }
0x6e: {  	_ =	shalt  }
0x6f: {  	_ =	shalt  }
0x70: {  	_ =	shalt  }
0x71: {  	_ =	shalt  }
0x72: {  	_ =	shalt  }
0x73: {  	_ =	shalt  }
0x74: {  	_ =	shalt  }
0x75: {  	_ =	shalt  }
0x76: {  	_ =	shalt  }
0x77: {  	_ =	shalt  }
0x78: {  	_ =	shalt  }
0x79: {  	_ =	shalt  }
0x7a: {  	_ =	shalt  }
0x7b: {  	_ =	shalt  }
0x7c: {  	_ =	shalt  }
0x7d: {  	_ =	shalt  }
0x7e: {  	_ =	shalt  }
0x7f: {  	_ =	shalt  }
0x80: {  	_ =	shalt  }
0x81: {  	_ =	shalt  }
0x82: {  	_ =	shalt  }
0x83: {  	_ =	shalt  }
0x84: {  	_ =	shalt  }
0x85: {  	_ =	shalt  }
0x86: {  	_ =	shalt  }
0x87: {  	_ =	shalt  }
.Lfunc_end0:
.L_simem_size_0:
called_computation_lowered:
.L_overlay_start_0:
0x88: {  	s2 =	sld [smem:$0x3FD9]  }
0x89: {  	s3 =	sld [smem:$0x3FFE];
	_ =	sdelay $0x1  }
0x8a: {  	s1 =	srdreg.scid  }
0x8b: {  	s0 =	sand.u32 $0x1, s1  }
0x8c: {  	s17 =	sshll.u32 s0, $0xA;
	s2 =	sadd.s32 s3, s2  }
0x8d: {  	s2 =	sadd.s32 s2, s17  }
0x8e: {  	[smem:$0x3FC6] =	sst s2  }
0x8f: {  	_ = 	snop  }
0x90: {  	s2 =	sld [smem:$0x3FC8];
	(tm) =	ssettm $0x1  }
0x91: {  	s18 =	sld [smem:$0x3FFB];
	_ =	sdelay $0x3  }
0x92: {  	_ =	strace s18  }
0x93: {  	s3 =	sld [smem:$0x3FFC];
	_ =	sdelay $0x3  }
0x94: {  	_ =	strace s3  }
0x95: {  	s3 =	sld [smem:$0x3FFD];
	_ =	sdelay $0x3  }
0x96: {  	_ =	strace s3  }
0x97: {  	_ =	strace $0x8FFFFFFF  }
0x98: {  	s19 =	sld [smem:$0x3FDB];
	_ =	sdelay $0x1  }
0x99: {  	s4 =	simm.s32 $_scs_section_size  }
0x9a: {  	s5 =	simm.s32 $_size__tile_overlayer_lowered;
	s6 =	simm.s32 $_tile_overlayer_lowered  }
0x9b: {  	s22 =	simm.s32 $0x1BFF;
	s21 =	sshll.u32 s6, $0x1;
	s3 =	sadd.s32 s4, s19  }
0x9c: {  	s7 =	simm.s32 $0x0;
	s20 =	sshll.u32 s5, $0x1;
	s5 =	sadd.s32 s21, s3  }
0x9d: {  	[timem:s7], [sflag:s22] =	dma.local [hbm:s5], s20  }
0x9e: {  	_ =	swait.ge [sflag:s22], s20  }
0x9f: {  	s4 =	ssub.s32 $0x0, s20;
	[sflag:s22] =	ssyncset.done $0x0  }
0xa0: {  	[sflag:s22] =	ssyncadd.s32 s4;
	_ =	sdelay $0x1  }
0xa1: {  	s23 =	simm.s32 $0x1B8B  }
0xa2: {  	_ =	swait.ge [sflag:s23], $0x1  }
0xa3: {  	[sflag:s23] =	ssyncset.done $0x0  }
0xa4: {  	s25 =	simm.s32 $0x1B8E;
	s24 =	sld [smem:$0x3FFE];
	[sflag:s23] =	ssyncadd.s32 $0xFFFFFFFF  }
0xa5: {  	s26 =	simm.s32 $execute0_lowered;
	[smem:$0x3FD2] =	sst s25  }
0xa6: {  	s5 =	sshll.u32 s26, $0x1;
	_ =	strace $0x80000046;
	[dreg:$0x1] =	wrdreg $0xFFFFFFFF  }
0xa7: {  	s28 =	simm.s32 $_size_execute0_lowered;
	s3 =	sadd.s32 s3, s5;
	[dreg:$0x0] =	wrdreg $0x0  }
0xa8: {  	s5 =	sshll.u32 s28, $0x1;
	[dreg:$0x2] =	wrdreg s3  }
0xa9: {  	[dreg:$0x3] =	wrdreg s5  }
0xaa: {  	[dreg:$0x4] =	wrdreg $0xC0  }
0xab: {  	_ =	task [dreg:s7], $0x5FFFF  }
0xac: {  	[dreg:$0x1] =	wrdreg $0xFFFFFFFF  }
0xad: {  	[dreg:$0x0] =	wrdreg $0x60  }
0xae: {  	[dreg:$0x2] =	wrdreg s24  }
0xaf: {  	[dreg:$0x3] =	wrdreg s2  }
0xb0: {  	[dreg:$0x4] =	wrdreg $0x9  }
0xb1: {  	_ =	task.clear_ibuf [dreg:s7], $0x5FFFF;
	_ =	strace $0x90000046  }
0xb2: {  	s29 =	simm.s32 $0x9;
	_ =	strace $0x80000048  }
0xb3: {  	_ =	swait.ge [sflag:s29], $0x1  }
0xb4: {  	[sflag:s29] =	ssyncadd.s32 $0xFFFFFFFF  }
0xb5: {  	_ =	strace $0x90000048  }
0xb6: {  	_ =	sfence  }
0xb7: {  	s30 =	sld [smem:$0x0];
	_ =	sdelay $0x2  }
0xb8: {  	s31 =	sshll.u32 s1, $0xD;
	s1 =	sshrl.u32 s1, $0x2  }
0xb9: {  	s3 =	sand.u32 $0x4000, s31;
	s1 =	sadd.s32 s1, s30  }
0xba: {  	s0 =	sor.u32 s3, s0;
	s1 =	sshll.u32 s1, $0x11  }
0xbb: {  	s0 =	sor.u32 s1, s0  }
0xbc: {  	s0 =	sadd.s32 $0x8F2B, s0  }
0xbd: {  	[sflag:s0] =	ssyncadd.remote.s32 $0x1  }
0xbe: {  	_ =	sfence.sel $0xFFFF  }
0xbf: {  	[dreg:$0x0] =	wrdreg $0xFFFFFFFF;
	(pc) =	sbr.abs _section_cstart, $3  }
0xc0: {  	[dreg:$0x1] =	wrdreg $0xFFFFFFFF  }
0xc1: {  	_ =	task.clear_ibuf [dreg:s7], $0x2FFFF;
	_ =	strace $0x9FFFFFFF  }
0xc2: {  	(tm) =	ssettm $0x7FFFFFFF  }
0xc3: {  	_ =	shalt  }
tec
execute0_lowered:
.L_overlay_start_1:
0x0: {  	(tag) =	ssettag $0x1  }
0x1: {  	s0 =	rddreg [dreg:$0x0]  }
0x2: {  	s3 =	simm.s32 $0x0;
	s1 =	srdreg.scid;
	s2 =	stileid.u32  }
0x3: {  	s9 =	simm.s32 $0x19700;
	s10 =	simm.s32 $0x1;
	s11 =	simm.s32 $0x18700  }
0x4: {  	s12 =	simm.s32 $0x80;
	s13 =	simm.s32 $0x400;
	s14 =	simm.s32 $0x19780  }
0x5: {  	s15 =	simm.s32 $0x0;
	s1 =	sand.u32 $0x1, s1;
	s4 =	sshll.u32 s2, $0x1  }
0x6: {  	[smem:$0x7FF] =	sst s3;
	s7 =	sshrl.u32 s2, $0x1;
	s6 =	sor.u32 s1, s4  }
0x7: {  	_ =	strace $0x80000047;
	s1 =	ssub.s32 $0x2, s1;
	s5 =	sshll.u32 s6, $0x4  }
0x8: {  	s4 =	sadd.s32 $0x600, s0;
	s31 =	sshrl.u32 s1, $0x1;
	s0 =	sadd.s32 s5, s0  }
0x9: {  	v0 =	vlaneseq.u32;
	s6 =	sshll.u32 s6, $0x1;
	s1 =	ssub.s32 s1, s31;
	s0 =	sadd.s32 $0x187600, s0  }
0xa: {  	v1 =	vimm.s32 $0x0;
	v2 =	vimm.s32 $0x1;
	v3 =	vimm.s32 $0x80000000;
	s5 =	smul.u32 $0xC3800, s7;
	s8 =	smax.u32 s1, $0x1;
	[dreg:$0x3] =	wrdreg s0  }
.LBB2_1:
0xb: {  	s0 =	simm.s32 $0x30  }
0xc: {  	s1 =	rddreg [dreg:$0x1];
	s17 =	simm.s32 $0x20;
	v7 =	vor.u32 s0, v0  }
0xd: {  	[tilespmem:s9], [sflag:$0x1] =	stream.linear.gather [hbm4b:s1+s3], $0x80, $0x38;
	[tilespmem:$0x19800] =	vst v63  }
0xe: {  	s16 =	simm.s32 $0x10;
	v6 =	vor.u32 s17, v0;
	_ =	swait.ge [sflag:s10], $0x80  }
0xf: {  	s31 =	simm.s32 $0x0;
	v5 =	vor.u32 s16, v0;
	[sflag:s10] =	ssyncset.done $0x0  }
0x10: {  	v4 =	vor.u32 s31, v0;
	[sflag:s10] =	ssyncadd.s32 $0xFFFFFF80  }
0x11: {  	s1 =	simm.s32 $0x4;
	s0 =	simm.s32 $0x70;
	[tilespmem:v7+s11+$0x0] =	vst.idx.msk $0xffff, v1  }
.LBB2_2:
0x12: {  	s16 =	sadd.s32 $0xFFFFFFD0, s0;
	s1 =	sadd.s32 $0x4, s1  }
0x13: {  	s17 =	sadd.s32 $0xFFFFFFE0, s0;
	s18 =	sadd.s32 $0xFFFFFFF0, s0;
	v7 =	vor.u32 s0, v0;
	[tilespmem:v6+s11+$0x0] =	vst.idx.msk $0xffff, v1;
	p0 =	slt.u32 s1, $0xFC  }
.Ltmp0:
0x14: {  	v8 =	vor.u32 s16, v0;
	v6 =	vor.u32 s18, v0;
	[tilespmem:v5+s11+$0x0] =	vst.idx.msk $0xffff, v1;
	v5 =	vor.u32 s17, v0;
	(pc) =	sbr.rel @p0 .LBB2_2-.Ltmp0, $2  }
0x15: {  	[tilespmem:v4+s11+$0x0] =	vst.idx.msk $0xffff, v1;
	v4 =	vmov v8;
	_ =	sdelay $0x2  }
0x16: {  	s0 =	sadd.s32 $0x40, s0;
	[tilespmem:v7+s11+$0x0] =	vst.idx.msk $0xffff, v1  }
0x17: {  	_ =	sdelay $0x1  }
0x18: {  	s1 =	sadd.s32 $0xFFFFFFF0, s0;
	v7 =	vor.u32 s0, v0  }
0x19: {  	s16 =	sadd.s32 $0xFFFFFFE0, s0;
	v8 =	vor.u32 s1, v0  }
0x1a: {  	s31 =	sadd.s32 $0xFFFFFFD0, s0;
	[tilespmem:v6+s11+$0x0] =	vst.idx.msk $0xffff, v1;
	v63 =	vor.u32 s16, v0  }
0x1b: {  	[tilespmem:v5+s11+$0x0] =	vst.idx.msk $0xffff, v1;
	v9 =	vor.u32 s31, v0  }
0x1c: {  	[tilespmem:v4+s11+$0x0] =	vst.idx.msk $0xffff, v1  }
0x1d: {  	[tilespmem:v7+s11+$0x0] =	vst.idx.msk $0xffff, v1  }
0x1e: {  	[tilespmem:v8+s11+$0x0] =	vst.idx.msk $0xffff, v1  }
0x1f: {  	[tilespmem:v63+s11+$0x0] =	vst.idx.msk $0xffff, v1  }
0x20: {  	p0 =	por $0x1, $0x1;
	s16 =	simm.s32 $0x0;
	[tilespmem:v9+s11+$0x0] =	vst.idx.msk $0xffff, v1  }
.LBB2_4:
0x21: {  	s1 =	sor.u32 s6, s16  }
0x22: {  	s0 =	sshll.u32 s1, $0x7  }
0x23: {  	s0 =	sand.u32 $0x380, s0  }
0x24: {  	s0 =	sor.u32 s5, s0  }
0x25: {  	s0 =	sshrl.u32 s0, $0x3  }
0x26: {  	s0 =	sadd.s32 s4, s0  }
0x27: {  	[tilespmem:s3], [sflag:$0x1] =	stream.strided.gather [hbm4b:s0+s12], $0x18700, s13, s12, $0x38;
	[tilespmem:$0x19800] =	vst v63  }
0x28: {  	_ =	swait.ge [sflag:s10], $0x18700  }
0x29: {  	[sflag:s10] =	ssyncset.done $0x0  }
0x2a: {  	s0 =	simm.s32 $0x40;
	[sflag:s10] =	ssyncadd.s32 $0xFFFE7900  }
0x2b: {  	v4 =	vld [tilespmem:s0+$0xFFFFFFC0]  }
0x2c: {  	v5 =	vld [tilespmem:s0+$0xFFFFFFD0]  }
0x2d: {  	v6 =	vld [tilespmem:s0+$0xFFFFFFE0]  }
0x2e: {  	v7 =	vld [tilespmem:s0+$0xFFFFFFF0]  }
0x2f: {  	v10 =	vld [tilespmem:s0+$0x0]  }
0x30: {  	v8 =	vimm.f32 $-Inf;
	v9 =	vmov s1;
	v12 =	vld [tilespmem:s0+$0x10]  }
0x31: {  	v13 =	vld [tilespmem:s0+$0x20];
	vm0 =	vlt.s32 v4, $0x0;
	v11 =	vxor.u32 $0xFFFFFFFF, v4;
	v8 =	vmax.f32 v8, v4  }
0x32: {  	v4 =	vxor.u32 $0x80000000, v4;
	vm1 =	vlt.s32 v5, $0x0;
	v14 =	vxor.u32 $0xFFFFFFFF, v5  }
0x33: {  	v15 =	vxor.u32 $0x80000000, v5;
	vm2 =	vlt.s32 v6, $0x0;
	v16 =	vxor.u32 $0xFFFFFFFF, v6  }
0x34: {  	vm3 =	vlt.s32 v7, $0x0;
	v17 =	vxor.u32 $0xFFFFFFFF, v7;
	vm4 =	vlt.s32 v10, $0x0  }
0x35: {  	v18 =	vxor.u32 $0xFFFFFFFF, v10;
	vm5 =	vlt.s32 v12, $0x0;
	v19 =	vxor.u32 $0xFFFFFFFF, v12  }
0x36: {  	vm6 =	vlt.s32 v13, $0x0;
	v20 =	vxor.u32 $0xFFFFFFFF, v13;
	v8 =	vmax.f32 v8, v5  }
0x37: {  	v4 =	vsel vm0, v11, v4;
	v11 =	vsel vm1, v14, v15;
	v5 =	vmax.f32 v8, v6  }
0x38: {  	v8 =	vld [tilespmem:s0+$0x30];
	v6 =	vxor.u32 $0x80000000, v6;
	v11 =	vshrl.u32 v11, $0x14;
	v5 =	vmax.f32 v5, v7  }
0x39: {  	v7 =	vxor.u32 $0x80000000, v7;
	v14 =	vsel vm2, v16, v6;
	v5 =	vmax.f32 v5, v10  }
0x3a: {  	v10 =	vxor.u32 $0x80000000, v10;
	v15 =	vsel vm3, v17, v7;
	v5 =	vmax.f32 v5, v12  }
0x3b: {  	v12 =	vxor.u32 $0x80000000, v12;
	v63 =	vsel vm4, v18, v10;
	v10 =	vshrl.u32 v4, $0x14  }
0x3c: {  	v4 =	vld.idx.msk [tilespmem:v9+s9+$0x0], $0xffff;
	v5 =	vmax.f32 v5, v13;
	v13 =	vxor.u32 $0x80000000, v13;
	v7 =	vsel vm5, v19, v12  }
0x3d: {  	s1 =	simm.s32 @!p0 $0x0;
	v12 =	vshrl.u32 v15, $0x14;
	v9 =	vshrl.u32 v63, $0x14;
	v5 =	vmax.f32 v5, v8  }
0x3e: {  	s1 =	simm.s32 @p0 $0x1;
	vm7 =	vlt.s32 v8, $0x0;
	v21 =	vxor.u32 $0xFFFFFFFF, v8;
	v8 =	vxor.u32 $0x80000000, v8  }
0x3f: {  	[smem:$0x7FD] =	sst s1;
	s1 =	simm.s32 $0x0;
	v6 =	vsel vm6, v20, v13;
	v13 =	vshrl.u32 v14, $0x14;
	v8 =	vsel vm7, v21, v8  }
.LBB2_5:
0x40: {  	s1 =	sadd.s32 $0x8, s1;
	v7 =	vshrl.u32 v7, $0x14;
	v6 =	vshrl.u32 v6, $0x14;
	v8 =	vshrl.u32 v8, $0x14  }
0x41: {  	v10 =	vand.u32 $0xFF0, v10;
	v11 =	vand.u32 $0xFF0, v11;
	v13 =	vand.u32 $0xFF0, v13;
	s0 =	sadd.s32 $0x80, s0;
	p0 =	slt.u32 s1, $0x1860  }
0x42: {  	v12 =	vand.u32 $0xFF0, v12;
	v9 =	vand.u32 $0xFF0, v9;
	v7 =	vand.u32 $0xFF0, v7;
	v14 =	vld [tilespmem:s0+$0xFFFFFFC0]  }
0x43: {  	v10 =	vor.u32 v0, v10;
	v6 =	vand.u32 $0xFF0, v6;
	v8 =	vand.u32 $0xFF0, v8;
	v15 =	vld [tilespmem:s0+$0xFFFFFFD0]  }
0x44: {  	v11 =	vor.u32 v0, v11;
	v13 =	vor.u32 v0, v13;
	v12 =	vor.u32 v0, v12;
	v16 =	vld [tilespmem:s0+$0xFFFFFFE0]  }
0x45: {  	v9 =	vor.u32 v0, v9;
	v7 =	vor.u32 v0, v7;
	v6 =	vor.u32 v0, v6;
	v17 =	vld [tilespmem:s0+$0xFFFFFFF0]  }
0x46: {  	v8 =	vor.u32 v0, v8;
	v18 =	vld [tilespmem:s0+$0x0]  }
0x47: {  	vm0 =	vlt.s32 v14, $0x0;
	v19 =	vxor.u32 $0xFFFFFFFF, v14;
	v5 =	vmax.f32 v5, v14;
	v20 =	vld [tilespmem:s0+$0x10]  }
0x48: {  	v14 =	vxor.u32 $0x80000000, v14;
	vm1 =	vlt.s32 v15, $0x0;
	v5 =	vmax.f32 v5, v15;
	v21 =	vld [tilespmem:s0+$0x20]  }
0x49: {  	v22 =	vxor.u32 $0xFFFFFFFF, v15;
	v15 =	vxor.u32 $0x80000000, v15;
	v5 =	vmax.f32 v5, v16;
	v23 =	vld [tilespmem:s0+$0x30]  }
0x4a: {  	vm2 =	vlt.s32 v16, $0x0;
	v24 =	vxor.u32 $0xFFFFFFFF, v16;
	v5 =	vmax.f32 v5, v17;
	[tilespmem:v10+s11+$0x0] =	vst.idx.add.s32.msk $0xffff, v2  }
0x4b: {  	v10 =	vxor.u32 $0x80000000, v16;
	vm3 =	vlt.s32 v17, $0x0;
	v5 =	vmax.f32 v5, v18;
	[tilespmem:v11+s11+$0x0] =	vst.idx.add.s32.msk $0xffff, v2  }
0x4c: {  	v16 =	vxor.u32 $0x80000000, v17;
	v11 =	vxor.u32 $0xFFFFFFFF, v17;
	v5 =	vmax.f32 v5, v20;
	[tilespmem:v13+s11+$0x0] =	vst.idx.add.s32.msk $0xffff, v2  }
0x4d: {  	vm4 =	vlt.s32 v18, $0x0;
	v13 =	vxor.u32 $0xFFFFFFFF, v18;
	v5 =	vmax.f32 v5, v21;
	[tilespmem:v12+s11+$0x0] =	vst.idx.add.s32.msk $0xffff, v2  }
0x4e: {  	s18 =	simm.s32 $0x0;
	vm5 =	vlt.s32 v20, $0x0;
	v12 =	vxor.u32 $0x80000000, v18;
	v5 =	vmax.f32 v5, v23;
	[tilespmem:v9+s11+$0x0] =	vst.idx.add.s32.msk $0xffff, v2  }
0x4f: {  	v17 =	vxor.u32 $0x80000000, v20;
	vm6 =	vlt.s32 v21, $0x0;
	v9 =	vxor.u32 $0xFFFFFFFF, v20;
	[tilespmem:v7+s11+$0x0] =	vst.idx.add.s32.msk $0xffff, v2  }
0x50: {  	v18 =	vxor.u32 $0xFFFFFFFF, v21;
	v20 =	vxor.u32 $0x80000000, v21;
	vm7 =	vlt.s32 v23, $0x0;
	[tilespmem:v6+s11+$0x0] =	vst.idx.add.s32.msk $0xffff, v2  }
.Ltmp1:
0x51: {  	v14 =	vsel vm0, v19, v14;
	v19 =	vxor.u32 $0xFFFFFFFF, v23;
	v21 =	vxor.u32 $0x80000000, v23;
	[tilespmem:v8+s11+$0x0] =	vst.idx.add.s32.msk $0xffff, v2;
	(pc) =	sbr.rel @p0 .LBB2_5-.Ltmp1, $4  }
0x52: {  	v16 =	vsel vm3, v11, v16;
	v8 =	vsel vm1, v22, v15;
	v15 =	vsel vm2, v24, v10  }
0x53: {  	v7 =	vsel vm5, v9, v17;
	v6 =	vsel vm6, v18, v20;
	v22 =	vsel vm4, v13, v12  }
0x54: {  	v10 =	vshrl.u32 v14, $0x14;
	v11 =	vshrl.u32 v8, $0x14;
	v8 =	vsel vm7, v19, v21  }
0x55: {  	v12 =	vshrl.u32 v16, $0x14;
	v13 =	vshrl.u32 v15, $0x14;
	v9 =	vshrl.u32 v22, $0x14  }
0x56: {  	v10 =	vand.u32 $0xFF0, v10  }
0x57: {  	v11 =	vand.u32 $0xFF0, v11;
	v10 =	vor.u32 v0, v10  }
0x58: {  	v13 =	vand.u32 $0xFF0, v13;
	v11 =	vor.u32 v0, v11  }
0x59: {  	v12 =	vand.u32 $0xFF0, v12;
	v13 =	vor.u32 v0, v13  }
0x5a: {  	v7 =	vshrl.u32 v7, $0x14;
	v9 =	vand.u32 $0xFF0, v9;
	v12 =	vor.u32 v0, v12  }
0x5b: {  	v6 =	vshrl.u32 v6, $0x14;
	v7 =	vand.u32 $0xFF0, v7;
	v9 =	vor.u32 v0, v9  }
0x5c: {  	v8 =	vshrl.u32 v8, $0x14;
	v6 =	vand.u32 $0xFF0, v6;
	v7 =	vor.u32 v0, v7;
	[tilespmem:v10+s11+$0x0] =	vst.idx.add.s32.msk $0xffff, v2  }
0x5d: {  	v8 =	vand.u32 $0xFF0, v8;
	v6 =	vor.u32 v0, v6;
	[tilespmem:v11+s11+$0x0] =	vst.idx.add.s32.msk $0xffff, v2  }
0x5e: {  	v8 =	vor.u32 v0, v8;
	[tilespmem:v13+s11+$0x0] =	vst.idx.add.s32.msk $0xffff, v2  }
0x5f: {  	[tilespmem:v12+s11+$0x0] =	vst.idx.add.s32.msk $0xffff, v2  }
0x60: {  	[tilespmem:v9+s11+$0x0] =	vst.idx.add.s32.msk $0xffff, v2  }
0x61: {  	[tilespmem:v7+s11+$0x0] =	vst.idx.add.s32.msk $0xffff, v2  }
0x62: {  	[tilespmem:v6+s11+$0x0] =	vst.idx.add.s32.msk $0xffff, v2  }
0x63: {  	s0 =	simm.s32 $0x0;
	[tilespmem:v8+s11+$0x0] =	vst.idx.add.s32.msk $0xffff, v2  }
.LBB2_7:
0x64: {  	s1 =	sshra.s32 s0, $0x2  }
0x65: {  	v6 =	vld [tilespmem:s1+$0x18680];
	_ =	sdelay $0x4  }
0x66: {  	vm0 =	vlt.s32 v6, $0x0;
	v7 =	vxor.u32 $0xFFFFFFFF, v6;
	v8 =	vxor.u32 $0x80000000, v6  }
0x67: {  	v7 =	vsel vm0, v7, v8  }
0x68: {  	v7 =	vshrl.u32 v7, $0x14  }
0x69: {  	v7 =	vand.u32 $0xFF0, v7  }
0x6a: {  	p0 =	sne.s32 s0, $0x40;
	v7 =	vor.u32 v0, v7  }
.Ltmp2:
0x6b: {  	_ = 	snop;
	(pc) =	sbr.rel @p0 .LBB2_7-.Ltmp2, $2  }
0x6c: {  	_ =	sdelay $0x2  }
0x6d: {  	s0 =	sadd.s32 $0x40, s0;
	v5 =	vmax.f32 v5, v6;
	[tilespmem:v7+s11+$0x0] =	vst.idx.add.s32.msk $0xffff, v2  }
0x6e: {  	s0 =	simm.s32 $0xFF0  }
0x6f: {  	v6 =	vor.u32 s0, v0;
	_ =	sdelay $0x4  }
0x70: {  	v7 =	vld.idx.msk [tilespmem:v6+s11+$0x0], $0xffff;
	_ =	sdelay $0x4  }
0x71: {  	(xrf0) =	vadd.scan.msk.s32 $0xffff, v7;
	_ =	sdelay $0x3  }
0x72: {  	s25 =	simm.s32 $0xFE0  }
0x73: {  	v7 =	vor.u32 s25, v0  }
0x74: {  	v8, _, _ =	vpop (xrf0)  }
0x75: {  	(v2sf) =	vpush v8, $0xF;
	_ =	sdelay $0x1  }
0x76: {  	s26 =	simm.s32 $0xFD0;
	[tilespmem:v6+s11+$0x0] =	vst.idx.msk $0xffff, v1  }
0x77: {  	s28 =	simm.s32 $0xFC0;
	v9 =	vld.idx.msk [tilespmem:v7+s11+$0x0], $0xffff;
	v8 =	vor.u32 s26, v0  }
0x78: {  	v6 =	vor.u32 s28, v0;
	_ =	sdelay $0x2  }
0x79: {  	[tilespmem:v7+s11+$0x0] =	vst.idx.msk $0xffff, v1  }
0x7a: {  	(xrf0) =	vadd.scan.msk.s32 $0xffff, v9;
	v7 =	vld.idx.msk [tilespmem:v8+s11+$0x0], $0xffff;
	[tilespmem:v8+s11+$0x0] =	vst.idx.msk $0xffff, v1  }
0x7b: {  	v8 =	vld.idx.msk [tilespmem:v6+s11+$0x0], $0xffff;
	_ =	sdelay $0x3  }
0x7c: {  	(xrf0) =	vadd.scan.msk.s32 $0xffff, v7  }
0x7d: {  	[tilespmem:v6+s11+$0x0] =	vst.idx.msk $0xffff, v1;
	v6, _, _ =	vpop (xrf0);
	(xrf0) =	vadd.scan.msk.s32 $0xffff, v8  }
0x7e: {  	s31 =	spop (v2sf);
	(v2sf) =	vpush v6, $0xF  }
0x7f: {  	s29 =	simm.s32 $0xFB0  }
0x80: {  	v10 =	vor.u32 s29, v0;
	_ =	sdelay $0x1  }
0x81: {  	v6, _, _ =	vpop (xrf0)  }
0x82: {  	(v2sf) =	vpush v6, $0xF;
	v63, _, _ =	vpop (xrf0)  }
0x83: {  	(v2sf) =	vpush v63, $0xF  }
0x84: {  	s30 =	simm.s32 $0xFA0;
	v62 =	vld.idx.msk [tilespmem:v10+s11+$0x0], $0xffff  }
0x85: {  	s1 =	simm.s32 $0xFF;
	s23 =	simm.s32 $0xF80;
	s20 =	simm.s32 $0xF70;
	v8 =	vor.u32 s30, v0  }
0x86: {  	p0 =	por $0x1, $0x1;
	s22 =	simm.s32 $0xF60;
	s0 =	sadd.s32 $0x0, s31  }
0x87: {  	s21 =	simm.s32 $0xF50;
	p0 =	por p0, p0;
	p1 =	sgt.s32 s0, $0x9BFE  }
0x88: {  	s19 =	simm.s32 $0xF40;
	s24 =	simm.s32 $0xF30;
	p0 =	por !p0, !p1  }
0x89: {  	s17 =	simm.s32 $0x0;
	s25 =	simm.s32 $0xF90;
	[tilespmem:v10+s11+$0x0] =	vst.idx.msk $0xffff, v1;
	(xrf0) =	vadd.scan.msk.s32 $0xffff, v62;
	p1 =	por !p0, !p0  }
0x8a: {  	v7 =	vor.u32 s25, v0;
	v6 =	vld.idx.msk [tilespmem:v8+s11+$0x0], $0xffff;
	[tilespmem:v8+s11+$0x0] =	vst.idx.msk $0xffff, v1;
	p0 =	slt.s32 s0, $0x9BFF;
	s17 =	smov.u32 @p1 s1;
	s18 =	smov.u32 @p1 s18  }
.LBB2_9:
0x8b: {  	p1 =	sne.s32 s24, $0x0  }
0x8c: {  	s25 =	spop (v2sf);
	s26 =	smov.u32 s19;
	s19 =	smov.u32 s24  }
0x8d: {  	s24 =	sadd.s32 $0xFFFFFFF0, s24;
	s28 =	smov.u32 s0;
	p2 =	por p0, p0  }
.Ltmp3:
0x8e: {  	s0 =	sadd.s32 s0, s25;
	(pc) =	sbr.rel @p1 .LBB2_9-.Ltmp3, $4  }
0x8f: {  	[tilespmem:v7+s11+$0x0] =	vst.idx.msk $0xffff, v1;
	(xrf0) =	vadd.scan.msk.s32 $0xffff, v6;
	v6 =	vld.idx.msk [tilespmem:v7+s11+$0x0], $0xffff;
	v8, _, _ =	vpop (xrf0);
	p0 =	slt.s32 s0, $0x9BFF;
	p3 =	sgt.s32 s0, $0x9BFE  }
0x90: {  	v7 =	vor.u32 s23, v0;
	s23 =	smov.u32 s20;
	s20 =	smov.u32 s22;
	(v2sf) =	vpush v8, $0xF;
	p2 =	por !p2, !p3  }
0x91: {  	s1 =	sadd.s32 $0xFFFFFFFF, s1;
	s22 =	smov.u32 s21;
	p2 =	por !p2, !p2  }
0x92: {  	s21 =	smov.u32 s26;
	s17 =	smov.u32 @p2 s1;
	s18 =	smov.u32 @p2 s28  }
0x93: {  	_ =	sdelay $0x2  }
0x94: {  	v8 =	vor.u32 s23, v0  }
0x95: {  	v9 =	vld.idx.msk [tilespmem:v7+s11+$0x0], $0xffff  }
0x96: {  	[tilespmem:v7+s11+$0x0] =	vst.idx.msk $0xffff, v1;
	v7 =	vor.u32 s20, v0;
	_ =	sdelay $0x2  }
0x97: {  	(xrf0) =	vadd.scan.msk.s32 $0xffff, v6;
	v6 =	vld.idx.msk [tilespmem:v8+s11+$0x0], $0xffff  }
0x98: {  	v10, _, _ =	vpop (xrf0);
	(xrf0) =	vadd.scan.msk.s32 $0xffff, v9;
	[tilespmem:v8+s11+$0x0] =	vst.idx.msk $0xffff, v1  }
0x99: {  	v9 =	vld.idx.msk [tilespmem:v7+s11+$0x0], $0xffff;
	_ =	sdelay $0x2  }
0x9a: {  	(xrf0) =	vadd.scan.msk.s32 $0xffff, v6  }
0x9b: {  	(v2sf) =	vpush v10, $0xF;
	v8, _, _ =	vpop (xrf0)  }
0x9c: {  	[tilespmem:v7+s11+$0x0] =	vst.idx.msk $0xffff, v1;
	(v2sf) =	vpush v8, $0xF;
	v6 =	vor.u32 s22, v0;
	v7, _, _ =	vpop (xrf0);
	(xrf0) =	vadd.scan.msk.s32 $0xffff, v9  }
0x9d: {  	v8 =	vor.u32 s21, v0;
	(v2sf) =	vpush v7, $0xF;
	_ =	sdelay $0x2  }
0x9e: {  	s26 =	spop (v2sf);
	v7, _, _ =	vpop (xrf0)  }
0x9f: {  	v11 =	vor.u32 s19, v0;
	p0 =	por p0, p0;
	s28 =	spop (v2sf);
	s19 =	sadd.s32 s0, s26;
	v10 =	vld.idx.msk [tilespmem:v6+s11+$0x0], $0xffff;
	[tilespmem:v6+s11+$0x0] =	vst.idx.msk $0xffff, v1;
	(v2sf) =	vpush v7, $0xF  }
0xa0: {  	p1 =	slt.s32 s19, $0x9BFF;
	p2 =	sgt.s32 s19, $0x9BFE;
	s20 =	sadd.s32 s19, s28;
	v6 =	vld.idx.msk [tilespmem:v8+s11+$0x0], $0xffff;
	[tilespmem:v8+s11+$0x0] =	vst.idx.msk $0xffff, v1;
	v8, _, _ =	vpop (xrf0)  }
0xa1: {  	p0 =	por !p0, !p2;
	p6 =	por p1, p1;
	p2 =	slt.s32 s20, $0x9BFF;
	(v2sf) =	vpush v8, $0xF  }
0xa2: {  	p3 =	sgt.s32 s20, $0x9BFE;
	s2 =	simm.s32 @!p0 $0x0;
	p1 =	por p2, p2  }
0xa3: {  	s2 =	simm.s32 @p0 $0x1;
	p0 =	por !p6, !p3;
	s29 =	spop (v2sf)  }
0xa4: {  	[smem:$0x7F2] =	sst s2;
	s2 =	simm.s32 @!p0 $0x0;
	s21 =	sadd.s32 s20, s29  }
0xa5: {  	s2 =	simm.s32 @p0 $0x1;
	s7 =	sld [smem:$0x7F2];
	p5 =	sgt.s32 s21, $0x9BFE;
	v7 =	vld.idx.msk [tilespmem:v11+s11+$0x0], $0xffff  }
0xa6: {  	s1 =	sadd.s32 $0xFFFFFFFF, s1;
	[smem:$0x7F3] =	sst s2;
	p1 =	por !p1, !p5;
	(xrf0) =	vadd.scan.msk.s32 $0xffff, v10  }
0xa7: {  	s28 =	sld [smem:$0x7F3];
	p4 =	slt.s32 s21, $0x9BFF;
	s2 =	simm.s32 @!p1 $0x0  }
0xa8: {  	p0 =	por p4, p4;
	s2 =	simm.s32 @p1 $0x1;
	s30 =	spop (v2sf);
	(xrf0) =	vadd.scan.msk.s32 $0xffff, v6  }
0xa9: {  	[smem:$0x7F4] =	sst s2;
	s22 =	sadd.s32 s21, s30;
	s31 =	spop (v2sf)  }
0xaa: {  	p5 =	sgt.s32 s22, $0x9BFE;
	(xrf0) =	vadd.scan.msk.s32 $0xffff, v7;
	s23 =	sadd.s32 s22, s31;
	s24 =	spop (v2sf)  }
0xab: {  	p6 =	slt.s32 s22, $0x9BFF;
	p5 =	por !p0, !p5;
	s24 =	sadd.s32 s23, s24  }
0xac: {  	p4 =	por p6, p6;
	p6 =	slt.s32 s23, $0x9BFF;
	v6, _, _ =	vpop (xrf0);
	p0 =	slt.s32 s24, $0x9BFF  }
0xad: {  	p3 =	por p6, p6;
	(v2sf) =	vpush v6, $0xF;
	p6 =	por p0, p0;
	p0 =	sgt.s32 s23, $0x9BFE  }
0xae: {  	s29 =	sld [smem:$0x7F4];
	v6, _, _ =	vpop (xrf0);
	p0 =	por !p4, !p0;
	s25 =	spop (v2sf)  }
0xaf: {  	(v2sf) =	vpush v6, $0xF;
	p1 =	sgt.s32 s24, $0x9BFE;
	s2 =	simm.s32 @!p0 $0x0;
	s25 =	sadd.s32 s24, s25  }
0xb0: {  	v6, _, _ =	vpop (xrf0);
	s2 =	simm.s32 @p0 $0x1;
	p0 =	por !p3, !p1;
	s26 =	spop (v2sf)  }
0xb1: {  	(v2sf) =	vpush v6, $0xF;
	p1 =	seq.s32 s7, $0x1;
	p3 =	seq.s32 s29, $0x1;
	p2 =	sgt.s32 s25, $0x9BFE  }
0xb2: {  	[smem:$0x7F5] =	sst s2;
	s2 =	simm.s32 @!p0 $0x0;
	s26 =	sadd.s32 s25, s26  }
0xb3: {  	p4 =	slt.s32 s25, $0x9BFF;
	s2 =	simm.s32 @p0 $0x1;
	p0 =	por !p6, !p2  }
0xb4: {  	p2 =	seq.s32 s28, $0x1;
	[smem:$0x7F6] =	sst s2;
	s2 =	simm.s32 @!p0 $0x0  }
0xb5: {  	s31 =	sld [smem:$0x7F5];
	s2 =	simm.s32 @p0 $0x1;
	p0 =	por !p1, !p1  }
0xb6: {  	p6 =	sgt.s32 s26, $0x9BFE;
	[smem:$0x7F7] =	sst s2;
	s2 =	simm.s32 @!p0 $0x0  }
0xb7: {  	s17 =	smov.u32 @p0 s1;
	s1 =	sadd.s32 $0xFFFFFFFF, s1;
	s2 =	simm.s32 @p0 $0x1  }
0xb8: {  	p0 =	por !p2, !p2;
	p2 =	por p4, p4;
	[smem:$0x7F8] =	sst s2  }
0xb9: {  	s2 =	simm.s32 @!p0 $0x0;
	s17 =	smov.u32 @p0 s1;
	s1 =	sadd.s32 $0xFFFFFFFF, s1  }
0xba: {  	p6 =	por !p2, !p6;
	s2 =	simm.s32 @p0 $0x1;
	p0 =	por !p3, !p3  }
0xbb: {  	s28 =	sadd.s32 $0xFFFFFFFF, s1;
	[smem:$0x7F9] =	sst s2;
	s2 =	simm.s32 @!p0 $0x0  }
0xbc: {  	s17 =	smov.u32 @p0 s1;
	s30 =	spop (v2sf);
	s29 =	sadd.s32 $0xFFFFFFFF, s28  }
0xbd: {  	s2 =	simm.s32 @p0 $0x1;
	p0 =	por !p5, !p5;
	s1 =	sadd.s32 s26, s30  }
0xbe: {  	p5 =	slt.s32 s26, $0x9BFF;
	s7 =	spop (v2sf);
	[smem:$0x7FA] =	sst s2  }
0xbf: {  	s2 =	simm.s32 @!p0 $0x0;
	p3 =	por p5, p5;
	p1 =	sgt.s32 s1, $0x9BFE  }
0xc0: {  	s17 =	smov.u32 @p0 s28;
	s28 =	sadd.s32 s1, s7;
	s30 =	spop (v2sf)  }
0xc1: {  	s2 =	simm.s32 @p0 $0x1;
	p4 =	por !p3, !p1;
	p3 =	seq.s32 s31, $0x1  }
0xc2: {  	s30 =	sadd.s32 s28, s30;
	p0 =	slt.s32 s28, $0x9BFF;
	p1 =	por !p3, !p3  }
0xc3: {  	[smem:$0x7FB] =	sst s2;
	p2 =	por p0, p0;
	s2 =	simm.s32 @!p1 $0x0  }
0xc4: {  	p0 =	sgt.s32 s30, $0x9BFE;
	s30 =	sld [smem:$0x7F6];
	s2 =	simm.s32 @p1 $0x1  }
0xc5: {  	[tilespmem:v11+s11+$0x0] =	vst.idx.msk $0xffff, v1;
	p5 =	slt.s32 s1, $0x9BFF;
	s31 =	simm.s32 $0x40;
	[smem:$0x7FC] =	sst s2  }
0xc6: {  	s7 =	sld [smem:$0x7F7];
	p5 =	por p5, p5;
	p3 =	sgt.s32 s28, $0x9BFE;
	v7 =	vld [tilespmem:s31+$0x30]  }
0xc7: {  	p5 =	por !p5, !p3;
	v8 =	vld [tilespmem:s31+$0xFFFFFFD0]  }
0xc8: {  	p0 =	por !p2, !p0;
	s17 =	smov.u32 @p1 s29;
	p3 =	seq.s32 s30, $0x1;
	v9 =	vld [tilespmem:s31+$0xFFFFFFE0]  }
0xc9: {  	s29 =	sadd.s32 $0xFFFFFFFF, s29;
	p2 =	seq.s32 s7, $0x1;
	p3 =	por !p3, !p3;
	v11 =	vld [tilespmem:s31+$0x0]  }
0xca: {  	p2 =	por !p2, !p2;
	v16 =	vld [tilespmem:s31+$0xFFFFFFC0];
	s17 =	smov.u32 @p3 s29;
	s29 =	sadd.s32 $0xFFFFFFFF, s29  }
0xcb: {  	p1 =	por !p6, !p6;
	s17 =	smov.u32 @p2 s29;
	s29 =	sadd.s32 $0xFFFFFFFF, s29  }
0xcc: {  	p4 =	por !p4, !p4;
	v10 =	vld [tilespmem:s31+$0xFFFFFFF0];
	s17 =	smov.u32 @p1 s29;
	s29 =	sadd.s32 $0xFFFFFFFF, s29  }
0xcd: {  	p6 =	por !p5, !p5;
	s17 =	smov.u32 @p4 s29;
	s29 =	sadd.s32 $0xFFFFFFFF, s29;
	v13 =	vshra.s32 v7, $0x1F  }
0xce: {  	p5 =	por !p0, !p0;
	v12 =	vld [tilespmem:s31+$0x10];
	s17 =	smov.u32 @p6 s29;
	s29 =	sadd.s32 $0xFFFFFFFF, s29;
	v14 =	vshra.s32 v8, $0x1F;
	v17 =	vshra.s32 v9, $0x1F;
	v19 =	vshra.s32 v11, $0x1F  }
0xcf: {  	v15 =	vld [tilespmem:s31+$0x20];
	s31 =	sld [smem:$0x7F8];
	v20 =	vshra.s32 v16, $0x1F;
	s17 =	smov.u32 @p5 s29;
	v13 =	vor.u32 $0x80000000, v13;
	v14 =	vor.u32 $0x80000000, v14  }
0xd0: {  	s7 =	sld [smem:$0x7F9];
	v17 =	vor.u32 $0x80000000, v17;
	v20 =	vor.u32 $0x80000000, v20;
	v6 =	vmov s17  }
0xd1: {  	s29 =	sld [smem:$0x7FA];
	v7 =	vxor.u32 v7, v13;
	v13 =	vshra.s32 v10, $0x1F;
	v14 =	vxor.u32 v8, v14  }
0xd2: {  	s30 =	sld [smem:$0x7FB];
	p0 =	seq.s32 s31, $0x1;
	v22 =	vxor.u32 v9, v17;
	v18 =	vshrl.u32 v7, $0xC;
	v7 =	vshrl.u32 v7, $0x18  }
0xd3: {  	s31 =	sld [smem:$0x7FC];
	s18 =	smov.u32 @p0 s0;
	p0 =	seq.s32 s7, $0x1;
	v9 =	vxor.u32 v16, v20;
	vm0 =	veq.s32 v7, v6;
	v7 =	vand.u32 $0xFF0, v18  }
0xd4: {  	s18 =	smov.u32 @p0 s19;
	v20 =	vshrl.u32 v9, $0x18;
	v18 =	vshra.s32 v12, $0x1F;
	p0 =	seq.s32 s29, $0x1;
	v21 =	vor.u32 v0, v7  }
0xd5: {  	v7 =	vor.u32 $0x80000000, v13;
	v13 =	vor.u32 $0x80000000, v19;
	v19 =	vshra.s32 v15, $0x1F;
	s18 =	smov.u32 @p0 s20;
	p0 =	seq.s32 s30, $0x1  }
0xd6: {  	v18 =	vor.u32 $0x80000000, v18;
	v19 =	vor.u32 $0x80000000, v19;
	s18 =	smov.u32 @p0 s21;
	v16 =	vxor.u32 v10, v7;
	p0 =	seq.s32 s31, $0x1  }
0xd7: {  	v23 =	vxor.u32 v11, v13;
	v10 =	vshrl.u32 v9, $0xC;
	v24 =	vxor.u32 v12, v18;
	s18 =	smov.u32 @p0 s22  }
0xd8: {  	v11 =	vshrl.u32 v14, $0xC;
	v12 =	vshrl.u32 v22, $0xC;
	v7 =	vxor.u32 v15, v19;
	s18 =	smov.u32 @p3 s23  }
0xd9: {  	v13 =	vshrl.u32 v16, $0xC;
	v15 =	vshrl.u32 v23, $0xC;
	v25 =	vshrl.u32 v24, $0xC;
	s18 =	smov.u32 @p2 s24  }
0xda: {  	v9 =	vand.u32 $0xFF0, v10;
	v10 =	vshrl.u32 v14, $0x18;
	v17 =	vand.u32 $0xFF0, v11;
	s18 =	smov.u32 @p1 s25  }
0xdb: {  	v11 =	vshrl.u32 v22, $0x18;
	v12 =	vand.u32 $0xFF0, v12;
	v18 =	vshrl.u32 v16, $0x18;
	s18 =	smov.u32 @p4 s26  }
0xdc: {  	v14 =	vshrl.u32 v23, $0x18;
	v16 =	vshrl.u32 v24, $0x18;
	v8 =	vshrl.u32 v7, $0xC;
	s18 =	smov.u32 @p6 s1  }
0xdd: {  	s0 =	simm.s32 $0x0;
	v13 =	vand.u32 $0xFF0, v13;
	v19 =	vand.u32 $0xFF0, v15;
	v15 =	vand.u32 $0xFF0, v25;
	[tilespmem:v21+s11+$0x0] =	vst.idx.add.s32.msk vm0, v2;
	s1 =	simm.s32 $0xC0;
	s18 =	smov.u32 @p5 s28  }
.LBB2_11:
0xde: {  	v21 =	vld [tilespmem:s1+$0x30];
	s0 =	sadd.s32 $0x8, s0;
	vm4 =	veq.s32 v20, v6;
	v7 =	vshrl.u32 v7, $0x18;
	v8 =	vand.u32 $0xFF0, v8  }
0xdf: {  	v9 =	vor.u32 v0, v9;
	vm6 =	veq.s32 v10, v6;
	v10 =	vor.u32 v0, v17;
	v20 =	vld [tilespmem:s1+$0xFFFFFFD0];
	p0 =	slt.u32 s0, $0x1860  }
0xe0: {  	vm5 =	veq.s32 v11, v6;
	v11 =	vor.u32 v0, v12;
	vm3 =	veq.s32 v18, v6;
	v17 =	vld [tilespmem:s1+$0xFFFFFFE0]  }
0xe1: {  	v13 =	vor.u32 v0, v13;
	vm2 =	veq.s32 v14, v6;
	v14 =	vor.u32 v0, v19;
	v12 =	vld [tilespmem:s1+$0xFFFFFFF0]  }
0xe2: {  	vm1 =	veq.s32 v16, v6;
	v15 =	vor.u32 v0, v15;
	vm0 =	veq.s32 v7, v6;
	v18 =	vld [tilespmem:s1+$0x0]  }
0xe3: {  	v8 =	vor.u32 v0, v8;
	v7 =	vld [tilespmem:s1+$0x10];
	v16 =	vshra.s32 v21, $0x1F  }
0xe4: {  	v19 =	vshra.s32 v20, $0x1F;
	v22 =	vld [tilespmem:s1+$0x20];
	v16 =	vor.u32 $0x80000000, v16  }
0xe5: {  	v23 =	vld [tilespmem:s1+$0xFFFFFFC0];
	v19 =	vor.u32 $0x80000000, v19;
	v24 =	vshra.s32 v17, $0x1F;
	v16 =	vxor.u32 v21, v16  }
0xe6: {  	v21 =	vshra.s32 v12, $0x1F;
	v25 =	vshrl.u32 v16, $0xC;
	v16 =	vshrl.u32 v16, $0x18;
	[tilespmem:v9+s11+$0x0] =	vst.idx.add.s32.msk vm4, v2  }
0xe7: {  	v9 =	vshra.s32 v18, $0x1F;
	vm4 =	veq.s32 v16, v6;
	v16 =	vand.u32 $0xFF0, v25;
	[tilespmem:v10+s11+$0x0] =	vst.idx.add.s32.msk vm6, v2  }
0xe8: {  	v10 =	vor.u32 $0x80000000, v24;
	v24 =	vshra.s32 v7, $0x1F;
	v16 =	vor.u32 v0, v16;
	[tilespmem:v11+s11+$0x0] =	vst.idx.add.s32.msk vm5, v2  }
0xe9: {  	v11 =	vor.u32 $0x80000000, v21;
	v9 =	vor.u32 $0x80000000, v9;
	v21 =	vshra.s32 v22, $0x1F;
	[tilespmem:v13+s11+$0x0] =	vst.idx.add.s32.msk vm3, v2  }
0xea: {  	v24 =	vor.u32 $0x80000000, v24;
	v13 =	vshra.s32 v23, $0x1F;
	v21 =	vor.u32 $0x80000000, v21;
	[tilespmem:v14+s11+$0x0] =	vst.idx.add.s32.msk vm2, v2  }
0xeb: {  	v14 =	vxor.u32 v20, v19;
	v19 =	vxor.u32 v17, v10;
	v13 =	vor.u32 $0x80000000, v13;
	[tilespmem:v15+s11+$0x0] =	vst.idx.add.s32.msk vm1, v2  }
0xec: {  	v15 =	vxor.u32 v18, v9;
	v10 =	vxor.u32 v23, v13;
	v13 =	vxor.u32 v12, v11  }
0xed: {  	s19 =	simm.s32 $0x0;
	v23 =	vxor.u32 v7, v24;
	v7 =	vxor.u32 v22, v21;
	v9 =	vshrl.u32 v10, $0xC;
	[tilespmem:v16+s11+$0x0] =	vst.idx.add.s32.msk vm4, v2  }
0xee: {  	v11 =	vshrl.u32 v14, $0xC;
	v12 =	vshrl.u32 v19, $0xC;
	v16 =	vshrl.u32 v13, $0xC;
	[tilespmem:v8+s11+$0x0] =	vst.idx.add.s32.msk vm0, v2  }
.Ltmp4:
0xef: {  	v21 =	vshrl.u32 v15, $0xC;
	v22 =	vshrl.u32 v23, $0xC;
	v8 =	vshrl.u32 v7, $0xC;
	(pc) =	sbr.rel @p0 .LBB2_11-.Ltmp4, $4  }
0xf0: {  	v20 =	vshrl.u32 v10, $0x18;
	v10 =	vshrl.u32 v14, $0x18;
	v9 =	vand.u32 $0xFF0, v9  }
0xf1: {  	v17 =	vand.u32 $0xFF0, v11;
	v11 =	vshrl.u32 v19, $0x18;
	v12 =	vand.u32 $0xFF0, v12  }
0xf2: {  	v18 =	vshrl.u32 v13, $0x18;
	v14 =	vshrl.u32 v15, $0x18;
	v13 =	vand.u32 $0xFF0, v16  }
0xf3: {  	s1 =	sadd.s32 $0x80, s1;
	v19 =	vand.u32 $0xFF0, v21;
	v16 =	vshrl.u32 v23, $0x18;
	v15 =	vand.u32 $0xFF0, v22  }
0xf4: {  	vm0 =	veq.s32 v20, v6  }
0xf5: {  	v9 =	vor.u32 v0, v9;
	vm1 =	veq.s32 v10, v6  }
0xf6: {  	v59 =	vor.u32 v0, v17;
	vm2 =	veq.s32 v11, v6  }
0xf7: {  	v60 =	vor.u32 v0, v12;
	vm3 =	veq.s32 v18, v6  }
0xf8: {  	v61 =	vor.u32 v0, v13;
	vm4 =	veq.s32 v14, v6  }
0xf9: {  	v7 =	vshrl.u32 v7, $0x18;
	v62 =	vor.u32 v0, v19;
	vm5 =	veq.s32 v16, v6  }
0xfa: {  	v8 =	vand.u32 $0xFF0, v8;
	v63 =	vor.u32 v0, v15;
	vm6 =	veq.s32 v7, v6;
	[tilespmem:v9+s11+$0x0] =	vst.idx.add.s32.msk vm0, v2  }
0xfb: {  	v7 =	vor.u32 v0, v8;
	[tilespmem:v59+s11+$0x0] =	vst.idx.add.s32.msk vm1, v2  }
0xfc: {  	[tilespmem:v60+s11+$0x0] =	vst.idx.add.s32.msk vm2, v2  }
0xfd: {  	[tilespmem:v61+s11+$0x0] =	vst.idx.add.s32.msk vm3, v2  }
0xfe: {  	[tilespmem:v62+s11+$0x0] =	vst.idx.add.s32.msk vm4, v2  }
0xff: {  	[tilespmem:v63+s11+$0x0] =	vst.idx.add.s32.msk vm5, v2  }
0x100: {  	[tilespmem:v7+s11+$0x0] =	vst.idx.add.s32.msk vm6, v2  }
.LBB2_13:
0x101: {  	s0 =	sshra.s32 s19, $0x2  }
0x102: {  	v7 =	vld [tilespmem:s0+$0x18680];
	_ =	sdelay $0x4  }
0x103: {  	v8 =	vshra.s32 v7, $0x1F  }
0x104: {  	v8 =	vor.u32 $0x80000000, v8  }
0x105: {  	v7 =	vxor.u32 v7, v8  }
0x106: {  	v8 =	vshrl.u32 v7, $0xC;
	v7 =	vshrl.u32 v7, $0x18  }
0x107: {  	vm0 =	veq.s32 v7, v6;
	v7 =	vand.u32 $0xFF0, v8  }
0x108: {  	p0 =	sne.s32 s19, $0x40;
	v7 =	vor.u32 v0, v7  }
.Ltmp5:
0x109: {  	_ = 	snop;
	(pc) =	sbr.rel @p0 .LBB2_13-.Ltmp5, $2  }
0x10a: {  	_ =	sdelay $0x2  }
0x10b: {  	s19 =	sadd.s32 $0x40, s19;
	[tilespmem:v7+s11+$0x0] =	vst.idx.add.s32.msk vm0, v2  }
0x10c: {  	s0 =	simm.s32 $0xFF0  }
0x10d: {  	v6 =	vor.u32 s0, v0;
	_ =	sdelay $0x4  }
0x10e: {  	v7 =	vld.idx.msk [tilespmem:v6+s11+$0x0], $0xffff;
	_ =	sdelay $0x4  }
0x10f: {  	(xrf0) =	vadd.scan.msk.s32 $0xffff, v7;
	_ =	sdelay $0x3  }
0x110: {  	s25 =	simm.s32 $0xFE0  }
0x111: {  	v7 =	vor.u32 s25, v0  }
0x112: {  	v8, _, _ =	vpop (xrf0)  }
0x113: {  	(v2sf) =	vpush v8, $0xF;
	_ =	sdelay $0x1  }
0x114: {  	s26 =	simm.s32 $0xFD0;
	[tilespmem:v6+s11+$0x0] =	vst.idx.msk $0xffff, v1  }
0x115: {  	s28 =	simm.s32 $0xFC0;
	v9 =	vld.idx.msk [tilespmem:v7+s11+$0x0], $0xffff;
	v8 =	vor.u32 s26, v0  }
0x116: {  	v6 =	vor.u32 s28, v0;
	_ =	sdelay $0x2  }
0x117: {  	[tilespmem:v7+s11+$0x0] =	vst.idx.msk $0xffff, v1  }
0x118: {  	(xrf0) =	vadd.scan.msk.s32 $0xffff, v9;
	v7 =	vld.idx.msk [tilespmem:v8+s11+$0x0], $0xffff;
	[tilespmem:v8+s11+$0x0] =	vst.idx.msk $0xffff, v1  }
0x119: {  	v8 =	vld.idx.msk [tilespmem:v6+s11+$0x0], $0xffff;
	_ =	sdelay $0x3  }
0x11a: {  	(xrf0) =	vadd.scan.msk.s32 $0xffff, v7  }
0x11b: {  	[tilespmem:v6+s11+$0x0] =	vst.idx.msk $0xffff, v1;
	v6, _, _ =	vpop (xrf0);
	(xrf0) =	vadd.scan.msk.s32 $0xffff, v8  }
0x11c: {  	s31 =	spop (v2sf);
	(v2sf) =	vpush v6, $0xF  }
0x11d: {  	s29 =	simm.s32 $0xFB0  }
0x11e: {  	v10 =	vor.u32 s29, v0;
	_ =	sdelay $0x1  }
0x11f: {  	v6, _, _ =	vpop (xrf0)  }
0x120: {  	(v2sf) =	vpush v6, $0xF;
	v63, _, _ =	vpop (xrf0)  }
0x121: {  	(v2sf) =	vpush v63, $0xF  }
0x122: {  	s30 =	simm.s32 $0xFA0;
	s18 =	ssub.s32 $0x9BFF, s18;
	s19 =	simm.s32 $0x0;
	v62 =	vld.idx.msk [tilespmem:v10+s11+$0x0], $0xffff  }
0x123: {  	s1 =	simm.s32 $0xFF;
	s22 =	simm.s32 $0xF70;
	s23 =	simm.s32 $0xF60;
	v8 =	vor.u32 s30, v0  }
0x124: {  	s24 =	simm.s32 $0xF50;
	p0 =	sgt.s32 s18, $0x0;
	s0 =	sadd.s32 $0x0, s31  }
0x125: {  	s21 =	simm.s32 $0xF40;
	p0 =	por p0, p0;
	p1 =	sge.s32 s0, s18  }
0x126: {  	s20 =	simm.s32 $0x0;
	s28 =	simm.s32 $0xF90;
	p0 =	por !p0, !p1  }
0x127: {  	s25 =	simm.s32 $0xF80;
	s26 =	simm.s32 $0xF30;
	[tilespmem:v10+s11+$0x0] =	vst.idx.msk $0xffff, v1;
	(xrf0) =	vadd.scan.msk.s32 $0xffff, v62;
	p1 =	por !p0, !p0  }
0x128: {  	v7 =	vor.u32 s28, v0;
	v6 =	vld.idx.msk [tilespmem:v8+s11+$0x0], $0xffff;
	[tilespmem:v8+s11+$0x0] =	vst.idx.msk $0xffff, v1;
	p0 =	slt.s32 s0, s18;
	s20 =	smov.u32 @p1 s1;
	s19 =	smov.u32 @p1 s19  }
.LBB2_15:
0x129: {  	p1 =	sne.s32 s26, $0x0  }
0x12a: {  	s28 =	spop (v2sf);
	s29 =	smov.u32 s21;
	s21 =	smov.u32 s26  }
0x12b: {  	s26 =	sadd.s32 $0xFFFFFFF0, s26;
	s30 =	smov.u32 s0;
	p2 =	por p0, p0  }
.Ltmp6:
0x12c: {  	s0 =	sadd.s32 s0, s28;
	(pc) =	sbr.rel @p1 .LBB2_15-.Ltmp6, $4  }
0x12d: {  	[tilespmem:v7+s11+$0x0] =	vst.idx.msk $0xffff, v1;
	(xrf0) =	vadd.scan.msk.s32 $0xffff, v6;
	v6 =	vld.idx.msk [tilespmem:v7+s11+$0x0], $0xffff;
	v8, _, _ =	vpop (xrf0);
	p0 =	slt.s32 s0, s18;
	p3 =	sge.s32 s0, s18  }
0x12e: {  	v7 =	vor.u32 s25, v0;
	s25 =	smov.u32 s22;
	s22 =	smov.u32 s23;
	(v2sf) =	vpush v8, $0xF;
	p2 =	por !p2, !p3  }
0x12f: {  	s1 =	sadd.s32 $0xFFFFFFFF, s1;
	s23 =	smov.u32 s24;
	p2 =	por !p2, !p2  }
0x130: {  	s24 =	smov.u32 s29;
	s20 =	smov.u32 @p2 s1;
	s19 =	smov.u32 @p2 s30  }
0x131: {  	_ =	sdelay $0x2  }
0x132: {  	v8 =	vor.u32 s25, v0  }
0x133: {  	v9 =	vld.idx.msk [tilespmem:v7+s11+$0x0], $0xffff  }
0x134: {  	[tilespmem:v7+s11+$0x0] =	vst.idx.msk $0xffff, v1;
	v7 =	vor.u32 s22, v0;
	_ =	sdelay $0x2  }
0x135: {  	(xrf0) =	vadd.scan.msk.s32 $0xffff, v6;
	v6 =	vld.idx.msk [tilespmem:v8+s11+$0x0], $0xffff  }
0x136: {  	v10, _, _ =	vpop (xrf0);
	[tilespmem:v8+s11+$0x0] =	vst.idx.msk $0xffff, v1;
	(xrf0) =	vadd.scan.msk.s32 $0xffff, v9  }
0x137: {  	v8 =	vld.idx.msk [tilespmem:v7+s11+$0x0], $0xffff;
	_ =	sdelay $0x2  }
0x138: {  	(v2sf) =	vpush v10, $0xF;
	(xrf0) =	vadd.scan.msk.s32 $0xffff, v6  }
0x139: {  	v9, _, _ =	vpop (xrf0);
	v6 =	vor.u32 s23, v0  }
0x13a: {  	[tilespmem:v7+s11+$0x0] =	vst.idx.msk $0xffff, v1;
	(v2sf) =	vpush v9, $0xF;
	v7, _, _ =	vpop (xrf0);
	(xrf0) =	vadd.scan.msk.s32 $0xffff, v8  }
0x13b: {  	v9 =	vor.u32 s24, v0;
	_ =	sdelay $0x1  }
0x13c: {  	(v2sf) =	vpush v7, $0xF  }
0x13d: {  	s25 =	spop (v2sf);
	v10 =	vld.idx.msk [tilespmem:v6+s11+$0x0], $0xffff;
	v7, _, _ =	vpop (xrf0)  }
0x13e: {  	p0 =	por p0, p0;
	s26 =	spop (v2sf);
	[tilespmem:v6+s11+$0x0] =	vst.idx.msk $0xffff, v1;
	(v2sf) =	vpush v7, $0xF  }
0x13f: {  	s1 =	sadd.s32 $0xFFFFFFFF, s1;
	v8 =	vor.u32 s21, v0;
	s21 =	sadd.s32 s0, s25;
	s28 =	spop (v2sf);
	v6 =	vld.idx.msk [tilespmem:v9+s11+$0x0], $0xffff;
	[tilespmem:v9+s11+$0x0] =	vst.idx.msk $0xffff, v1;
	v9, _, _ =	vpop (xrf0)  }
0x140: {  	p2 =	slt.s32 s21, s18;
	p1 =	sge.s32 s21, s18;
	s22 =	sadd.s32 s21, s26;
	(v2sf) =	vpush v9, $0xF  }
0x141: {  	p0 =	por !p0, !p1;
	p4 =	por p2, p2;
	p3 =	slt.s32 s22, s18  }
0x142: {  	p5 =	sge.s32 s22, s18;
	s24 =	sadd.s32 s22, s28;
	s2 =	simm.s32 @!p0 $0x0;
	(xrf0) =	vadd.scan.msk.s32 $0xffff, v10  }
0x143: {  	p6 =	por p3, p3;
	s2 =	simm.s32 @p0 $0x1;
	p0 =	por !p4, !p5  }
0x144: {  	p4 =	slt.s32 s24, s18;
	[smem:$0x7E9] =	sst s2;
	s2 =	simm.s32 @!p0 $0x0  }
0x145: {  	p1 =	sge.s32 s24, s18;
	p2 =	por p4, p4;
	v7 =	vld.idx.msk [tilespmem:v8+s11+$0x0], $0xffff;
	s2 =	simm.s32 @p0 $0x1  }
0x146: {  	p0 =	por !p6, !p1;
	s31 =	sld [smem:$0x7E9];
	s29 =	spop (v2sf)  }
0x147: {  	[smem:$0x7EA] =	sst s2;
	s2 =	simm.s32 @!p0 $0x0;
	s23 =	sadd.s32 s24, s29  }
0x148: {  	s2 =	simm.s32 @p0 $0x1;
	s7 =	sld [smem:$0x7EA];
	(xrf0) =	vadd.scan.msk.s32 $0xffff, v6;
	s26 =	spop (v2sf);
	v6, _, _ =	vpop (xrf0)  }
0x149: {  	p3 =	slt.s32 s23, s18;
	p5 =	sge.s32 s23, s18;
	s25 =	sadd.s32 s23, s26;
	(v2sf) =	vpush v6, $0xF  }
0x14a: {  	p6 =	por !p2, !p5;
	p3 =	por p3, p3;
	(xrf0) =	vadd.scan.msk.s32 $0xffff, v7;
	p5 =	slt.s32 s25, s18  }
0x14b: {  	p4 =	por p5, p5;
	p5 =	sge.s32 s25, s18;
	s30 =	spop (v2sf)  }
0x14c: {  	[smem:$0x7EB] =	sst s2;
	p3 =	por !p3, !p5;
	s26 =	sadd.s32 s25, s30  }
0x14d: {  	s30 =	sld [smem:$0x7EB];
	p0 =	slt.s32 s26, s18;
	s28 =	spop (v2sf)  }
0x14e: {  	p2 =	por p0, p0;
	p0 =	sge.s32 s26, s18;
	s28 =	sadd.s32 s26, s28  }
0x14f: {  	v6, _, _ =	vpop (xrf0);
	p5 =	por !p4, !p0;
	s29 =	spop (v2sf);
	p1 =	sge.s32 s28, s18  }
0x150: {  	(v2sf) =	vpush v6, $0xF;
	v6, _, _ =	vpop (xrf0);
	p4 =	seq.s32 s30, $0x1;
	s29 =	sadd.s32 s28, s29;
	p0 =	por !p2, !p1  }
0x151: {  	(v2sf) =	vpush v6, $0xF;
	p1 =	seq.s32 s31, $0x1;
	p2 =	seq.s32 s7, $0x1;
	s2 =	simm.s32 @!p0 $0x0  }
0x152: {  	s2 =	simm.s32 @p0 $0x1;
	p0 =	por !p1, !p1;
	p1 =	slt.s32 s28, s18  }
0x153: {  	[smem:$0x7EC] =	sst s2;
	s2 =	simm.s32 @!p0 $0x0;
	s20 =	smov.u32 @p0 s1  }
0x154: {  	s1 =	sadd.s32 $0xFFFFFFFF, s1;
	s2 =	simm.s32 @p0 $0x1;
	p0 =	por !p2, !p2  }
0x155: {  	p2 =	slt.s32 s29, s18;
	[smem:$0x7ED] =	sst s2;
	s2 =	simm.s32 @!p0 $0x0  }
0x156: {  	s20 =	smov.u32 @p0 s1;
	s2 =	simm.s32 @p0 $0x1;
	p0 =	por !p4, !p4  }
0x157: {  	s1 =	sadd.s32 $0xFFFFFFFF, s1;
	[smem:$0x7EE] =	sst s2;
	s2 =	simm.s32 @!p0 $0x0  }
0x158: {  	s20 =	smov.u32 @p0 s1;
	s1 =	sadd.s32 $0xFFFFFFFF, s1;
	s31 =	spop (v2sf)  }
0x159: {  	s2 =	simm.s32 @p0 $0x1;
	p0 =	por !p6, !p6;
	p6 =	por !p3, !p3  }
0x15a: {  	s30 =	sadd.s32 $0xFFFFFFFF, s1;
	p3 =	sge.s32 s29, s18;
	[smem:$0x7EF] =	sst s2  }
0x15b: {  	s2 =	simm.s32 @!p0 $0x0;
	s20 =	smov.u32 @p0 s1;
	s1 =	sadd.s32 s29, s31  }
0x15c: {  	s31 =	sadd.s32 $0xFFFFFFFF, s30;
	s2 =	simm.s32 @p0 $0x1;
	p0 =	por p1, p1  }
0x15d: {  	p1 =	por p2, p2;
	[smem:$0x7F0] =	sst s2;
	s2 =	simm.s32 @!p6 $0x0  }
0x15e: {  	p4 =	sge.s32 s1, s18;
	s20 =	smov.u32 @p6 s30;
	s2 =	simm.s32 @p6 $0x1  }
0x15f: {  	p2 =	por !p0, !p3;
	[smem:$0x7F1] =	sst s2;
	s2 =	spop (v2sf)  }
0x160: {  	p4 =	por !p1, !p4;
	s30 =	sadd.s32 s1, s2;
	s7 =	spop (v2sf)  }
0x161: {  	p6 =	slt.s32 s1, s18;
	s2 =	sadd.s32 s30, s7;
	s7 =	sld [smem:$0x7EC]  }
0x162: {  	p1 =	por p6, p6;
	p0 =	slt.s32 s30, s18;
	p6 =	sge.s32 s30, s18  }
0x163: {  	p3 =	por p0, p0;
	p0 =	sge.s32 s2, s18;
	p1 =	por !p1, !p6  }
0x164: {  	[tilespmem:v8+s11+$0x0] =	vst.idx.msk $0xffff, v1;
	p6 =	por !p3, !p0;
	p3 =	seq.s32 s7, $0x1;
	s7 =	simm.s32 $0x40  }
0x165: {  	v7 =	vld [tilespmem:s7+$0x30]  }
0x166: {  	p5 =	por !p5, !p5;
	v8 =	vld [tilespmem:s7+$0xFFFFFFD0]  }
0x167: {  	s20 =	smov.u32 @p5 s31;
	s2 =	sadd.s32 $0xFFFFFFFF, s31;
	p3 =	por !p3, !p3;
	v9 =	vld [tilespmem:s7+$0xFFFFFFE0]  }
0x168: {  	p2 =	por !p2, !p2;
	v10 =	vld [tilespmem:s7+$0xFFFFFFF0];
	s20 =	smov.u32 @p3 s2;
	s2 =	sadd.s32 $0xFFFFFFFF, s2  }
0x169: {  	p4 =	por !p4, !p4;
	v11 =	vld [tilespmem:s7+$0x0];
	s20 =	smov.u32 @p2 s2;
	s2 =	sadd.s32 $0xFFFFFFFF, s2  }
0x16a: {  	p0 =	por !p1, !p1;
	v12 =	vld [tilespmem:s7+$0x10];
	s20 =	smov.u32 @p4 s2;
	s2 =	sadd.s32 $0xFFFFFFFF, s2  }
0x16b: {  	p6 =	por !p6, !p6;
	v15 =	vld [tilespmem:s7+$0x20];
	s20 =	smov.u32 @p0 s2;
	s2 =	sadd.s32 $0xFFFFFFFF, s2  }
0x16c: {  	s17 =	sshll.u32 s17, $0x8;
	v16 =	vld [tilespmem:s7+$0xFFFFFFC0];
	s7 =	sld [smem:$0x7ED];
	s20 =	smov.u32 @p6 s2  }
0x16d: {  	s20 =	sor.u32 s17, s20;
	s17 =	sld [smem:$0x7EE];
	_ =	sdelay $0x1  }
0x16e: {  	p1 =	seq.s32 s7, $0x1  }
0x16f: {  	s19 =	smov.u32 @p1 s0;
	v13 =	vshra.s32 v7, $0x1F;
	p1 =	seq.s32 s17, $0x1  }
0x170: {  	v14 =	vshra.s32 v8, $0x1F;
	v17 =	vshra.s32 v9, $0x1F;
	v19 =	vshra.s32 v11, $0x1F;
	s19 =	smov.u32 @p1 s21;
	s21 =	sld [smem:$0x7EF]  }
0x171: {  	v20 =	vshra.s32 v16, $0x1F;
	v13 =	vor.u32 $0x80000000, v13;
	v14 =	vor.u32 $0x80000000, v14  }
0x172: {  	v17 =	vor.u32 $0x80000000, v17;
	v20 =	vor.u32 $0x80000000, v20;
	v6 =	vmov s20  }
0x173: {  	v7 =	vxor.u32 v7, v13;
	v13 =	vshra.s32 v10, $0x1F;
	v14 =	vxor.u32 v8, v14;
	p1 =	seq.s32 s21, $0x1  }
0x174: {  	v22 =	vxor.u32 v9, v17;
	v18 =	vshrl.u32 v7, $0x4;
	v7 =	vshrl.u32 v7, $0x10;
	s19 =	smov.u32 @p1 s22;
	s22 =	sld [smem:$0x7F0]  }
0x175: {  	s31 =	sld [smem:$0x7F1];
	v9 =	vxor.u32 v16, v20;
	vm0 =	veq.s32 v7, v6;
	v7 =	vand.u32 $0xFF0, v18  }
0x176: {  	v20 =	vshrl.u32 v9, $0x10;
	v18 =	vshra.s32 v12, $0x1F;
	v21 =	vor.u32 v0, v7  }
0x177: {  	v7 =	vor.u32 $0x80000000, v13;
	v13 =	vor.u32 $0x80000000, v19;
	v19 =	vshra.s32 v15, $0x1F;
	p1 =	seq.s32 s22, $0x1  }
0x178: {  	v18 =	vor.u32 $0x80000000, v18;
	v19 =	vor.u32 $0x80000000, v19;
	v16 =	vxor.u32 v10, v7;
	s19 =	smov.u32 @p1 s24;
	p1 =	seq.s32 s31, $0x1  }
0x179: {  	v23 =	vxor.u32 v11, v13;
	v10 =	vshrl.u32 v9, $0x4;
	v24 =	vxor.u32 v12, v18;
	s19 =	smov.u32 @p1 s23  }
0x17a: {  	v11 =	vshrl.u32 v14, $0x4;
	v12 =	vshrl.u32 v22, $0x4;
	v7 =	vxor.u32 v15, v19;
	s19 =	smov.u32 @p5 s25  }
0x17b: {  	v13 =	vshrl.u32 v16, $0x4;
	v15 =	vshrl.u32 v23, $0x4;
	v25 =	vshrl.u32 v24, $0x4;
	s19 =	smov.u32 @p3 s26  }
0x17c: {  	v9 =	vand.u32 $0xFF0, v10;
	v10 =	vshrl.u32 v14, $0x10;
	v17 =	vand.u32 $0xFF0, v11;
	s19 =	smov.u32 @p2 s28  }
0x17d: {  	v11 =	vshrl.u32 v22, $0x10;
	v12 =	vand.u32 $0xFF0, v12;
	v18 =	vshrl.u32 v16, $0x10;
	s19 =	smov.u32 @p4 s29  }
0x17e: {  	v14 =	vshrl.u32 v23, $0x10;
	v16 =	vshrl.u32 v24, $0x10;
	v8 =	vshrl.u32 v7, $0x4;
	s19 =	smov.u32 @p0 s1  }
0x17f: {  	s0 =	simm.s32 $0x0;
	v13 =	vand.u32 $0xFF0, v13;
	v19 =	vand.u32 $0xFF0, v15;
	v15 =	vand.u32 $0xFF0, v25;
	[tilespmem:v21+s11+$0x0] =	vst.idx.add.s32.msk vm0, v2;
	s1 =	simm.s32 $0xC0;
	s19 =	smov.u32 @p6 s30  }
.LBB2_17:
0x180: {  	v21 =	vld [tilespmem:s1+$0x30];
	s0 =	sadd.s32 $0x8, s0;
	vm4 =	veq.s32 v20, v6;
	v7 =	vshrl.u32 v7, $0x10;
	v8 =	vand.u32 $0xFF0, v8  }
0x181: {  	v9 =	vor.u32 v0, v9;
	vm6 =	veq.s32 v10, v6;
	v10 =	vor.u32 v0, v17;
	v20 =	vld [tilespmem:s1+$0xFFFFFFD0];
	p0 =	slt.u32 s0, $0x1860  }
0x182: {  	vm5 =	veq.s32 v11, v6;
	v11 =	vor.u32 v0, v12;
	vm3 =	veq.s32 v18, v6;
	v17 =	vld [tilespmem:s1+$0xFFFFFFE0]  }
0x183: {  	v13 =	vor.u32 v0, v13;
	vm2 =	veq.s32 v14, v6;
	v14 =	vor.u32 v0, v19;
	v12 =	vld [tilespmem:s1+$0xFFFFFFF0]  }
0x184: {  	vm1 =	veq.s32 v16, v6;
	v15 =	vor.u32 v0, v15;
	vm0 =	veq.s32 v7, v6;
	v18 =	vld [tilespmem:s1+$0x0]  }
0x185: {  	v8 =	vor.u32 v0, v8;
	v7 =	vld [tilespmem:s1+$0x10];
	v16 =	vshra.s32 v21, $0x1F  }
0x186: {  	v19 =	vshra.s32 v20, $0x1F;
	v22 =	vld [tilespmem:s1+$0x20];
	v16 =	vor.u32 $0x80000000, v16  }
0x187: {  	v23 =	vld [tilespmem:s1+$0xFFFFFFC0];
	v19 =	vor.u32 $0x80000000, v19;
	v24 =	vshra.s32 v17, $0x1F;
	v16 =	vxor.u32 v21, v16  }
0x188: {  	v21 =	vshra.s32 v12, $0x1F;
	v25 =	vshrl.u32 v16, $0x4;
	v16 =	vshrl.u32 v16, $0x10;
	[tilespmem:v9+s11+$0x0] =	vst.idx.add.s32.msk vm4, v2  }
0x189: {  	v9 =	vshra.s32 v18, $0x1F;
	vm4 =	veq.s32 v16, v6;
	v16 =	vand.u32 $0xFF0, v25;
	[tilespmem:v10+s11+$0x0] =	vst.idx.add.s32.msk vm6, v2  }
0x18a: {  	v10 =	vor.u32 $0x80000000, v24;
	v24 =	vshra.s32 v7, $0x1F;
	v16 =	vor.u32 v0, v16;
	[tilespmem:v11+s11+$0x0] =	vst.idx.add.s32.msk vm5, v2  }
0x18b: {  	v11 =	vor.u32 $0x80000000, v21;
	v9 =	vor.u32 $0x80000000, v9;
	v21 =	vshra.s32 v22, $0x1F;
	[tilespmem:v13+s11+$0x0] =	vst.idx.add.s32.msk vm3, v2  }
0x18c: {  	v24 =	vor.u32 $0x80000000, v24;
	v13 =	vshra.s32 v23, $0x1F;
	v21 =	vor.u32 $0x80000000, v21;
	[tilespmem:v14+s11+$0x0] =	vst.idx.add.s32.msk vm2, v2  }
0x18d: {  	v14 =	vxor.u32 v20, v19;
	v19 =	vxor.u32 v17, v10;
	v13 =	vor.u32 $0x80000000, v13;
	[tilespmem:v15+s11+$0x0] =	vst.idx.add.s32.msk vm1, v2  }
0x18e: {  	v15 =	vxor.u32 v18, v9;
	v10 =	vxor.u32 v23, v13;
	v13 =	vxor.u32 v12, v11  }
0x18f: {  	s17 =	simm.s32 $0x0;
	v23 =	vxor.u32 v7, v24;
	v7 =	vxor.u32 v22, v21;
	v9 =	vshrl.u32 v10, $0x4;
	[tilespmem:v16+s11+$0x0] =	vst.idx.add.s32.msk vm4, v2  }
0x190: {  	v11 =	vshrl.u32 v14, $0x4;
	v12 =	vshrl.u32 v19, $0x4;
	v16 =	vshrl.u32 v13, $0x4;
	[tilespmem:v8+s11+$0x0] =	vst.idx.add.s32.msk vm0, v2  }
.Ltmp7:
0x191: {  	v21 =	vshrl.u32 v15, $0x4;
	v22 =	vshrl.u32 v23, $0x4;
	v8 =	vshrl.u32 v7, $0x4;
	(pc) =	sbr.rel @p0 .LBB2_17-.Ltmp7, $4  }
0x192: {  	v20 =	vshrl.u32 v10, $0x10;
	v10 =	vshrl.u32 v14, $0x10;
	v9 =	vand.u32 $0xFF0, v9  }
0x193: {  	v17 =	vand.u32 $0xFF0, v11;
	v11 =	vshrl.u32 v19, $0x10;
	v12 =	vand.u32 $0xFF0, v12  }
0x194: {  	v18 =	vshrl.u32 v13, $0x10;
	v14 =	vshrl.u32 v15, $0x10;
	v13 =	vand.u32 $0xFF0, v16  }
0x195: {  	s1 =	sadd.s32 $0x80, s1;
	v19 =	vand.u32 $0xFF0, v21;
	v16 =	vshrl.u32 v23, $0x10;
	v15 =	vand.u32 $0xFF0, v22  }
0x196: {  	vm0 =	veq.s32 v20, v6  }
0x197: {  	v9 =	vor.u32 v0, v9;
	vm1 =	veq.s32 v10, v6  }
0x198: {  	v59 =	vor.u32 v0, v17;
	vm2 =	veq.s32 v11, v6  }
0x199: {  	v60 =	vor.u32 v0, v12;
	vm3 =	veq.s32 v18, v6  }
0x19a: {  	v61 =	vor.u32 v0, v13;
	vm4 =	veq.s32 v14, v6  }
0x19b: {  	v7 =	vshrl.u32 v7, $0x10;
	v62 =	vor.u32 v0, v19;
	vm5 =	veq.s32 v16, v6  }
0x19c: {  	v8 =	vand.u32 $0xFF0, v8;
	v63 =	vor.u32 v0, v15;
	vm6 =	veq.s32 v7, v6;
	[tilespmem:v9+s11+$0x0] =	vst.idx.add.s32.msk vm0, v2  }
0x19d: {  	v7 =	vor.u32 v0, v8;
	[tilespmem:v59+s11+$0x0] =	vst.idx.add.s32.msk vm1, v2  }
0x19e: {  	[tilespmem:v60+s11+$0x0] =	vst.idx.add.s32.msk vm2, v2  }
0x19f: {  	[tilespmem:v61+s11+$0x0] =	vst.idx.add.s32.msk vm3, v2  }
0x1a0: {  	[tilespmem:v62+s11+$0x0] =	vst.idx.add.s32.msk vm4, v2  }
0x1a1: {  	[tilespmem:v63+s11+$0x0] =	vst.idx.add.s32.msk vm5, v2  }
0x1a2: {  	[tilespmem:v7+s11+$0x0] =	vst.idx.add.s32.msk vm6, v2  }
.LBB2_19:
0x1a3: {  	s0 =	sshra.s32 s17, $0x2  }
0x1a4: {  	v7 =	vld [tilespmem:s0+$0x18680];
	_ =	sdelay $0x4  }
0x1a5: {  	v8 =	vshra.s32 v7, $0x1F  }
0x1a6: {  	v8 =	vor.u32 $0x80000000, v8  }
0x1a7: {  	v7 =	vxor.u32 v7, v8  }
0x1a8: {  	v8 =	vshrl.u32 v7, $0x4;
	v7 =	vshrl.u32 v7, $0x10  }
0x1a9: {  	vm0 =	veq.s32 v7, v6;
	v7 =	vand.u32 $0xFF0, v8  }
0x1aa: {  	p0 =	sne.s32 s17, $0x40;
	v7 =	vor.u32 v0, v7  }
.Ltmp8:
0x1ab: {  	_ = 	snop;
	(pc) =	sbr.rel @p0 .LBB2_19-.Ltmp8, $2  }
0x1ac: {  	_ =	sdelay $0x2  }
0x1ad: {  	s17 =	sadd.s32 $0x40, s17;
	[tilespmem:v7+s11+$0x0] =	vst.idx.add.s32.msk vm0, v2  }
0x1ae: {  	s0 =	simm.s32 $0xFF0  }
0x1af: {  	v6 =	vor.u32 s0, v0;
	_ =	sdelay $0x4  }
0x1b0: {  	v7 =	vld.idx.msk [tilespmem:v6+s11+$0x0], $0xffff;
	_ =	sdelay $0x4  }
0x1b1: {  	(xrf0) =	vadd.scan.msk.s32 $0xffff, v7;
	_ =	sdelay $0x3  }
0x1b2: {  	s25 =	simm.s32 $0xFE0  }
0x1b3: {  	v7 =	vor.u32 s25, v0  }
0x1b4: {  	v8, _, _ =	vpop (xrf0)  }
0x1b5: {  	(v2sf) =	vpush v8, $0xF;
	_ =	sdelay $0x1  }
0x1b6: {  	s26 =	simm.s32 $0xFD0;
	[tilespmem:v6+s11+$0x0] =	vst.idx.msk $0xffff, v1  }
0x1b7: {  	s28 =	simm.s32 $0xFC0;
	v9 =	vld.idx.msk [tilespmem:v7+s11+$0x0], $0xffff;
	v8 =	vor.u32 s26, v0  }
0x1b8: {  	v6 =	vor.u32 s28, v0;
	_ =	sdelay $0x2  }
0x1b9: {  	[tilespmem:v7+s11+$0x0] =	vst.idx.msk $0xffff, v1  }
0x1ba: {  	(xrf0) =	vadd.scan.msk.s32 $0xffff, v9;
	v7 =	vld.idx.msk [tilespmem:v8+s11+$0x0], $0xffff;
	[tilespmem:v8+s11+$0x0] =	vst.idx.msk $0xffff, v1  }
0x1bb: {  	v8 =	vld.idx.msk [tilespmem:v6+s11+$0x0], $0xffff;
	_ =	sdelay $0x3  }
0x1bc: {  	(xrf0) =	vadd.scan.msk.s32 $0xffff, v7  }
0x1bd: {  	[tilespmem:v6+s11+$0x0] =	vst.idx.msk $0xffff, v1;
	v6, _, _ =	vpop (xrf0);
	(xrf0) =	vadd.scan.msk.s32 $0xffff, v8  }
0x1be: {  	s31 =	spop (v2sf);
	(v2sf) =	vpush v6, $0xF  }
0x1bf: {  	s29 =	simm.s32 $0xFB0  }
0x1c0: {  	v10 =	vor.u32 s29, v0;
	_ =	sdelay $0x1  }
0x1c1: {  	v6, _, _ =	vpop (xrf0)  }
0x1c2: {  	(v2sf) =	vpush v6, $0xF;
	v63, _, _ =	vpop (xrf0)  }
0x1c3: {  	(v2sf) =	vpush v63, $0xF  }
0x1c4: {  	s30 =	simm.s32 $0xFA0;
	s17 =	ssub.s32 s18, s19;
	s18 =	simm.s32 $0x0;
	v62 =	vld.idx.msk [tilespmem:v10+s11+$0x0], $0xffff  }
0x1c5: {  	s1 =	simm.s32 $0xFF;
	s2 =	simm.s32 $0xF90;
	s22 =	simm.s32 $0xF70;
	v8 =	vor.u32 s30, v0  }
0x1c6: {  	s23 =	simm.s32 $0xF60;
	p0 =	sgt.s32 s17, $0x0;
	s0 =	sadd.s32 $0x0, s31  }
0x1c7: {  	s24 =	simm.s32 $0xF50;
	p0 =	por p0, p0;
	p1 =	sge.s32 s0, s17  }
0x1c8: {  	s21 =	simm.s32 $0xF40;
	s19 =	simm.s32 $0x0;
	p0 =	por !p0, !p1  }
0x1c9: {  	s25 =	simm.s32 $0xF80;
	s26 =	simm.s32 $0xF30;
	[tilespmem:v10+s11+$0x0] =	vst.idx.msk $0xffff, v1;
	(xrf0) =	vadd.scan.msk.s32 $0xffff, v62;
	p1 =	por !p0, !p0  }
0x1ca: {  	v7 =	vor.u32 s2, v0;
	v6 =	vld.idx.msk [tilespmem:v8+s11+$0x0], $0xffff;
	[tilespmem:v8+s11+$0x0] =	vst.idx.msk $0xffff, v1;
	p0 =	slt.s32 s0, s17;
	s19 =	smov.u32 @p1 s1;
	s18 =	smov.u32 @p1 s18  }
.LBB2_21:
0x1cb: {  	p1 =	sne.s32 s26, $0x0  }
0x1cc: {  	s2 =	spop (v2sf);
	s28 =	smov.u32 s21;
	s21 =	smov.u32 s26  }
0x1cd: {  	s26 =	sadd.s32 $0xFFFFFFF0, s26;
	s29 =	smov.u32 s0;
	p2 =	por p0, p0  }
.Ltmp9:
0x1ce: {  	s0 =	sadd.s32 s0, s2;
	(pc) =	sbr.rel @p1 .LBB2_21-.Ltmp9, $4  }
0x1cf: {  	[tilespmem:v7+s11+$0x0] =	vst.idx.msk $0xffff, v1;
	(xrf0) =	vadd.scan.msk.s32 $0xffff, v6;
	v6 =	vld.idx.msk [tilespmem:v7+s11+$0x0], $0xffff;
	v8, _, _ =	vpop (xrf0);
	p0 =	slt.s32 s0, s17;
	p3 =	sge.s32 s0, s17  }
0x1d0: {  	v7 =	vor.u32 s25, v0;
	s25 =	smov.u32 s22;
	s22 =	smov.u32 s23;
	(v2sf) =	vpush v8, $0xF;
	p2 =	por !p2, !p3  }
0x1d1: {  	s1 =	sadd.s32 $0xFFFFFFFF, s1;
	s23 =	smov.u32 s24;
	p2 =	por !p2, !p2  }
0x1d2: {  	s24 =	smov.u32 s28;
	s19 =	smov.u32 @p2 s1;
	s18 =	smov.u32 @p2 s29  }
0x1d3: {  	v8 =	vor.u32 s25, v0;
	_ =	sdelay $0x3  }
0x1d4: {  	v9 =	vld.idx.msk [tilespmem:v7+s11+$0x0], $0xffff;
	[tilespmem:v7+s11+$0x0] =	vst.idx.msk $0xffff, v1  }
0x1d5: {  	(xrf0) =	vadd.scan.msk.s32 $0xffff, v6;
	v6 =	vld.idx.msk [tilespmem:v8+s11+$0x0], $0xffff  }
0x1d6: {  	v7 =	vor.u32 s22, v0;
	_ =	sdelay $0x2  }
0x1d7: {  	v10, _, _ =	vpop (xrf0);
	(xrf0) =	vadd.scan.msk.s32 $0xffff, v9  }
0x1d8: {  	[tilespmem:v8+s11+$0x0] =	vst.idx.msk $0xffff, v1;
	(xrf0) =	vadd.scan.msk.s32 $0xffff, v6  }
0x1d9: {  	(v2sf) =	vpush v10, $0xF;
	v8 =	vld.idx.msk [tilespmem:v7+s11+$0x0], $0xffff  }
0x1da: {  	v9, _, _ =	vpop (xrf0);
	v6 =	vor.u32 s23, v0  }
0x1db: {  	(v2sf) =	vpush v9, $0xF;
	_ =	sdelay $0x1  }
0x1dc: {  	[tilespmem:v7+s11+$0x0] =	vst.idx.msk $0xffff, v1;
	v7, _, _ =	vpop (xrf0)  }
0x1dd: {  	(xrf0) =	vadd.scan.msk.s32 $0xffff, v8;
	(v2sf) =	vpush v7, $0xF;
	v7, _, _ =	vpop (xrf0)  }
0x1de: {  	s2 =	spop (v2sf);
	v9 =	vor.u32 s24, v0;
	v10 =	vld.idx.msk [tilespmem:v6+s11+$0x0], $0xffff;
	(v2sf) =	vpush v7, $0xF  }
0x1df: {  	p0 =	por p0, p0;
	s28 =	spop (v2sf);
	v8 =	vor.u32 s21, v0;
	s21 =	sadd.s32 s0, s2  }
0x1e0: {  	s1 =	sadd.s32 $0xFFFFFFFF, s1;
	s29 =	spop (v2sf);
	p1 =	sge.s32 s21, s17  }
0x1e1: {  	p2 =	slt.s32 s21, s17;
	s22 =	sadd.s32 s21, s28;
	p0 =	por !p0, !p1  }
0x1e2: {  	p4 =	por p2, p2;
	p3 =	slt.s32 s22, s17;
	p5 =	sge.s32 s22, s17;
	[tilespmem:v6+s11+$0x0] =	vst.idx.msk $0xffff, v1  }
0x1e3: {  	s24 =	sadd.s32 s22, s29;
	s2 =	simm.s32 @!p0 $0x0;
	p6 =	por p3, p3;
	v6 =	vld.idx.msk [tilespmem:v9+s11+$0x0], $0xffff;
	[tilespmem:v9+s11+$0x0] =	vst.idx.msk $0xffff, v1;
	v9, _, _ =	vpop (xrf0);
	(xrf0) =	vadd.scan.msk.s32 $0xffff, v10  }
0x1e4: {  	p1 =	sge.s32 s24, s17;
	s2 =	simm.s32 @p0 $0x1;
	p0 =	por !p4, !p5;
	(v2sf) =	vpush v9, $0xF  }
0x1e5: {  	p4 =	slt.s32 s24, s17;
	[smem:$0x7E0] =	sst s2;
	s7 =	simm.s32 @!p0 $0x0;
	v7 =	vld.idx.msk [tilespmem:v8+s11+$0x0], $0xffff  }
0x1e6: {  	s7 =	simm.s32 @p0 $0x1;
	p0 =	por !p6, !p1;
	s29 =	sld [smem:$0x7E0]  }
0x1e7: {  	s30 =	spop (v2sf);
	[smem:$0x7E1] =	sst s7;
	s7 =	simm.s32 @!p0 $0x0  }
0x1e8: {  	s23 =	sadd.s32 s24, s30;
	s7 =	simm.s32 @p0 $0x1;
	s30 =	sld [smem:$0x7E1]  }
0x1e9: {  	p2 =	por p4, p4;
	[smem:$0x7E2] =	sst s7;
	(xrf0) =	vadd.scan.msk.s32 $0xffff, v6;
	s31 =	spop (v2sf);
	v6, _, _ =	vpop (xrf0)  }
0x1ea: {  	p3 =	slt.s32 s23, s17;
	p5 =	sge.s32 s23, s17;
	(xrf0) =	vadd.scan.msk.s32 $0xffff, v7;
	s25 =	sadd.s32 s23, s31;
	(v2sf) =	vpush v6, $0xF  }
0x1eb: {  	p6 =	por !p2, !p5;
	p3 =	por p3, p3;
	p5 =	slt.s32 s25, s17  }
0x1ec: {  	s31 =	sld [smem:$0x7E2];
	p4 =	por p5, p5;
	s26 =	spop (v2sf)  }
0x1ed: {  	p5 =	sge.s32 s25, s17;
	s26 =	sadd.s32 s25, s26;
	s28 =	spop (v2sf)  }
0x1ee: {  	p3 =	por !p3, !p5;
	p0 =	slt.s32 s26, s17;
	s28 =	sadd.s32 s26, s28  }
0x1ef: {  	v6, _, _ =	vpop (xrf0);
	p2 =	por p0, p0;
	p0 =	sge.s32 s26, s17;
	p1 =	sge.s32 s28, s17  }
0x1f0: {  	(v2sf) =	vpush v6, $0xF;
	v6, _, _ =	vpop (xrf0);
	p5 =	por !p4, !p0;
	p4 =	seq.s32 s31, $0x1;
	p0 =	por !p2, !p1  }
0x1f1: {  	(v2sf) =	vpush v6, $0xF;
	p5 =	por !p5, !p5;
	p1 =	seq.s32 s29, $0x1;
	s2 =	simm.s32 @!p0 $0x0  }
0x1f2: {  	p2 =	seq.s32 s30, $0x1;
	s2 =	simm.s32 @p0 $0x1;
	p0 =	por !p1, !p1  }
0x1f3: {  	p1 =	slt.s32 s28, s17;
	[smem:$0x7E3] =	sst s2;
	s2 =	spop (v2sf)  }
0x1f4: {  	s7 =	simm.s32 @!p0 $0x0;
	s19 =	smov.u32 @p0 s1;
	s1 =	sadd.s32 $0xFFFFFFFF, s1  }
0x1f5: {  	s7 =	simm.s32 @p0 $0x1;
	p0 =	por !p2, !p2;
	s29 =	sadd.s32 s28, s2  }
0x1f6: {  	[smem:$0x7E4] =	sst s7;
	s7 =	simm.s32 @!p0 $0x0;
	s19 =	smov.u32 @p0 s1  }
0x1f7: {  	s1 =	sadd.s32 $0xFFFFFFFF, s1;
	s7 =	simm.s32 @p0 $0x1;
	p0 =	por !p4, !p4  }
0x1f8: {  	p2 =	slt.s32 s29, s17;
	[smem:$0x7E5] =	sst s7;
	s7 =	simm.s32 @!p0 $0x0  }
0x1f9: {  	s19 =	smov.u32 @p0 s1;
	s1 =	sadd.s32 $0xFFFFFFFF, s1;
	s2 =	spop (v2sf)  }
0x1fa: {  	s7 =	simm.s32 @p0 $0x1;
	p0 =	por !p6, !p6;
	p6 =	por !p3, !p3  }
0x1fb: {  	s30 =	sadd.s32 $0xFFFFFFFF, s1;
	[smem:$0x7E6] =	sst s7;
	s7 =	simm.s32 @!p0 $0x0  }
0x1fc: {  	p3 =	sge.s32 s29, s17;
	s19 =	smov.u32 @p0 s1;
	s7 =	simm.s32 @p0 $0x1  }
0x1fd: {  	s1 =	sadd.s32 s29, s2;
	[smem:$0x7E7] =	sst s7;
	s7 =	simm.s32 @!p6 $0x0  }
0x1fe: {  	s2 =	sadd.s32 $0xFFFFFFFF, s30;
	p0 =	por p1, p1;
	s7 =	simm.s32 @p6 $0x1  }
0x1ff: {  	p1 =	por p2, p2;
	[smem:$0x7E8] =	sst s7;
	s7 =	spop (v2sf)  }
0x200: {  	s19 =	smov.u32 @p6 s30;
	s30 =	sadd.s32 s1, s7;
	s31 =	spop (v2sf)  }
0x201: {  	p2 =	por !p0, !p3;
	s31 =	sadd.s32 s30, s31;
	p0 =	slt.s32 s30, s17  }
0x202: {  	p3 =	por p0, p0;
	p0 =	sge.s32 s31, s17;
	s31 =	sld [smem:$0x7E3]  }
0x203: {  	[tilespmem:v8+s11+$0x0] =	vst.idx.msk $0xffff, v1;
	p4 =	sge.s32 s1, s17;
	p6 =	slt.s32 s1, s17;
	s7 =	simm.s32 $0x40  }
0x204: {  	p4 =	por !p1, !p4;
	p1 =	por p6, p6;
	p6 =	sge.s32 s30, s17;
	v7 =	vld [tilespmem:s7+$0x30]  }
0x205: {  	v8 =	vld [tilespmem:s7+$0xFFFFFFD0];
	p1 =	por !p1, !p6;
	p6 =	por !p3, !p0;
	p3 =	seq.s32 s31, $0x1  }
0x206: {  	s19 =	smov.u32 @p5 s2;
	s2 =	sadd.s32 $0xFFFFFFFF, s2;
	v9 =	vld [tilespmem:s7+$0xFFFFFFE0];
	p3 =	por !p3, !p3  }
0x207: {  	p2 =	por !p2, !p2;
	v10 =	vld [tilespmem:s7+$0xFFFFFFF0];
	s19 =	smov.u32 @p3 s2;
	s2 =	sadd.s32 $0xFFFFFFFF, s2  }
0x208: {  	p4 =	por !p4, !p4;
	v11 =	vld [tilespmem:s7+$0x0];
	s19 =	smov.u32 @p2 s2;
	s2 =	sadd.s32 $0xFFFFFFFF, s2  }
0x209: {  	v12 =	vld [tilespmem:s7+$0x10];
	p0 =	por !p1, !p1;
	s19 =	smov.u32 @p4 s2;
	s2 =	sadd.s32 $0xFFFFFFFF, s2  }
0x20a: {  	v15 =	vld [tilespmem:s7+$0x20];
	p6 =	por !p6, !p6;
	s19 =	smov.u32 @p0 s2;
	s2 =	sadd.s32 $0xFFFFFFFF, s2  }
0x20b: {  	s20 =	sshll.u32 s20, $0x8;
	v16 =	vld [tilespmem:s7+$0xFFFFFFC0];
	s7 =	sld [smem:$0x7E4];
	s19 =	smov.u32 @p6 s2  }
0x20c: {  	s19 =	sor.u32 s20, s19;
	s20 =	sld [smem:$0x7E5];
	_ =	sdelay $0x1  }
0x20d: {  	p1 =	seq.s32 s7, $0x1  }
0x20e: {  	s18 =	smov.u32 @p1 s0;
	v13 =	vshra.s32 v7, $0x1F;
	p1 =	seq.s32 s20, $0x1  }
0x20f: {  	v14 =	vshra.s32 v8, $0x1F;
	v17 =	vshra.s32 v9, $0x1F;
	v19 =	vshra.s32 v11, $0x1F;
	s18 =	smov.u32 @p1 s21;
	s21 =	sld [smem:$0x7E6]  }
0x210: {  	v20 =	vshra.s32 v16, $0x1F;
	v13 =	vor.u32 $0x80000000, v13;
	v14 =	vor.u32 $0x80000000, v14  }
0x211: {  	v20 =	vor.u32 $0x80000000, v20;
	v7 =	vxor.u32 v7, v13;
	v13 =	vshra.s32 v10, $0x1F  }
0x212: {  	v14 =	vxor.u32 v8, v14;
	v16 =	vxor.u32 v16, v20;
	v18 =	vshll.u32 v7, $0x4;
	p1 =	seq.s32 s21, $0x1  }
0x213: {  	v7 =	vshrl.u32 v7, $0x8;
	v13 =	vor.u32 $0x80000000, v13;
	v20 =	vshrl.u32 v16, $0x8;
	s18 =	smov.u32 @p1 s22;
	s22 =	sld [smem:$0x7E7]  }
0x214: {  	s31 =	sld [smem:$0x7E8];
	v18 =	vor.u32 v0, v18;
	v22 =	vxor.u32 v10, v13;
	v10 =	vshll.u32 v16, $0x4  }
0x215: {  	v21 =	vand.u32 $0xFFF, v18;
	v18 =	vor.u32 $0x80000000, v19;
	v19 =	vshra.s32 v15, $0x1F  }
0x216: {  	v13 =	vshll.u32 v22, $0x4;
	v10 =	vor.u32 v0, v10;
	v19 =	vor.u32 $0x80000000, v19;
	p1 =	seq.s32 s22, $0x1  }
0x217: {  	v23 =	vxor.u32 v11, v18;
	v11 =	vshll.u32 v14, $0x4;
	v6 =	vmov s19;
	s18 =	smov.u32 @p1 s24;
	p1 =	seq.s32 s31, $0x1  }
0x218: {  	v13 =	vor.u32 v0, v13;
	v18 =	vshrl.u32 v22, $0x8;
	vm0 =	veq.s32 v7, v6;
	s18 =	smov.u32 @p1 s23  }
0x219: {  	v11 =	vor.u32 v0, v11;
	v7 =	vor.u32 $0x80000000, v17;
	v17 =	vshra.s32 v12, $0x1F;
	s18 =	smov.u32 @p5 s25  }
0x21a: {  	v17 =	vor.u32 $0x80000000, v17;
	v9 =	vxor.u32 v9, v7;
	v7 =	vxor.u32 v15, v19;
	s18 =	smov.u32 @p3 s26  }
0x21b: {  	v19 =	vshll.u32 v23, $0x4;
	v24 =	vxor.u32 v12, v17;
	v12 =	vshll.u32 v9, $0x4;
	s18 =	smov.u32 @p2 s28  }
0x21c: {  	v8 =	vshll.u32 v7, $0x4;
	v17 =	vshrl.u32 v14, $0x8;
	v15 =	vshrl.u32 v9, $0x8;
	s18 =	smov.u32 @p4 s29  }
0x21d: {  	v9 =	vor.u32 v0, v19;
	v19 =	vshrl.u32 v23, $0x8;
	v25 =	vshll.u32 v24, $0x4;
	s18 =	smov.u32 @p0 s1  }
0x21e: {  	s0 =	simm.s32 $0x0;
	v12 =	vor.u32 v0, v12;
	v16 =	vshrl.u32 v24, $0x8;
	v14 =	vor.u32 v0, v25;
	[tilespmem:v21+s11+$0x0] =	vst.idx.add.s32.msk vm0, v2;
	s1 =	simm.s32 $0xC0;
	s18 =	smov.u32 @p6 s30  }
.LBB2_23:
0x21f: {  	v21 =	vld [tilespmem:s1+$0x30];
	s0 =	sadd.s32 $0x8, s0;
	vm4 =	veq.s32 v20, v6;
	v8 =	vor.u32 v0, v8;
	v7 =	vshrl.u32 v7, $0x8  }
0x220: {  	v10 =	vand.u32 $0xFFF, v10;
	vm6 =	veq.s32 v17, v6;
	v11 =	vand.u32 $0xFFF, v11;
	v20 =	vld [tilespmem:s1+$0xFFFFFFD0];
	p0 =	slt.u32 s0, $0x1860  }
0x221: {  	vm5 =	veq.s32 v15, v6;
	v12 =	vand.u32 $0xFFF, v12;
	vm3 =	veq.s32 v18, v6;
	v17 =	vld [tilespmem:s1+$0xFFFFFFE0]  }
0x222: {  	v13 =	vand.u32 $0xFFF, v13;
	vm2 =	veq.s32 v19, v6;
	v9 =	vand.u32 $0xFFF, v9;
	v15 =	vld [tilespmem:s1+$0xFFFFFFF0]  }
0x223: {  	vm1 =	veq.s32 v16, v6;
	v14 =	vand.u32 $0xFFF, v14;
	vm0 =	veq.s32 v7, v6;
	v18 =	vld [tilespmem:s1+$0x0]  }
0x224: {  	v8 =	vand.u32 $0xFFF, v8;
	v7 =	vld [tilespmem:s1+$0x10];
	v16 =	vshra.s32 v21, $0x1F  }
0x225: {  	v19 =	vshra.s32 v20, $0x1F;
	v22 =	vld [tilespmem:s1+$0x20];
	v16 =	vor.u32 $0x80000000, v16  }
0x226: {  	v23 =	vld [tilespmem:s1+$0xFFFFFFC0];
	v19 =	vor.u32 $0x80000000, v19;
	v24 =	vshra.s32 v17, $0x1F;
	v16 =	vxor.u32 v21, v16  }
0x227: {  	v21 =	vshra.s32 v15, $0x1F;
	v25 =	vshll.u32 v16, $0x4;
	v16 =	vshrl.u32 v16, $0x8;
	[tilespmem:v10+s11+$0x0] =	vst.idx.add.s32.msk vm4, v2  }
0x228: {  	v10 =	vshra.s32 v18, $0x1F;
	v25 =	vor.u32 v0, v25;
	vm4 =	veq.s32 v16, v6;
	[tilespmem:v11+s11+$0x0] =	vst.idx.add.s32.msk vm6, v2  }
0x229: {  	v11 =	vor.u32 $0x80000000, v24;
	v16 =	vshra.s32 v7, $0x1F;
	v24 =	vand.u32 $0xFFF, v25;
	[tilespmem:v12+s11+$0x0] =	vst.idx.add.s32.msk vm5, v2  }
0x22a: {  	v12 =	vor.u32 $0x80000000, v21;
	v10 =	vor.u32 $0x80000000, v10;
	v21 =	vshra.s32 v22, $0x1F;
	[tilespmem:v13+s11+$0x0] =	vst.idx.add.s32.msk vm3, v2  }
0x22b: {  	v16 =	vor.u32 $0x80000000, v16;
	v13 =	vshra.s32 v23, $0x1F;
	v21 =	vor.u32 $0x80000000, v21;
	[tilespmem:v9+s11+$0x0] =	vst.idx.add.s32.msk vm2, v2  }
0x22c: {  	v9 =	vor.u32 $0x80000000, v13;
	v13 =	vxor.u32 v20, v19;
	v19 =	vxor.u32 v17, v11;
	[tilespmem:v14+s11+$0x0] =	vst.idx.add.s32.msk vm1, v2  }
0x22d: {  	v14 =	vxor.u32 v15, v12;
	v9 =	vxor.u32 v23, v9;
	v23 =	vxor.u32 v18, v10  }
0x22e: {  	s20 =	simm.s32 $0x0;
	v16 =	vxor.u32 v7, v16;
	v7 =	vxor.u32 v22, v21;
	v10 =	vshll.u32 v9, $0x4;
	[tilespmem:v24+s11+$0x0] =	vst.idx.add.s32.msk vm4, v2  }
0x22f: {  	v11 =	vshll.u32 v13, $0x4;
	v12 =	vshll.u32 v19, $0x4;
	v18 =	vshll.u32 v14, $0x4;
	[tilespmem:v8+s11+$0x0] =	vst.idx.add.s32.msk vm0, v2  }
.Ltmp10:
0x230: {  	v22 =	vshll.u32 v16, $0x4;
	v21 =	vshll.u32 v23, $0x4;
	v8 =	vshll.u32 v7, $0x4;
	(pc) =	sbr.rel @p0 .LBB2_23-.Ltmp10, $4  }
0x231: {  	v20 =	vshrl.u32 v9, $0x8;
	v11 =	vor.u32 v0, v11;
	v10 =	vor.u32 v0, v10  }
0x232: {  	v17 =	vshrl.u32 v13, $0x8;
	v15 =	vshrl.u32 v19, $0x8;
	v12 =	vor.u32 v0, v12  }
0x233: {  	v13 =	vor.u32 v0, v18;
	v18 =	vshrl.u32 v14, $0x8;
	v9 =	vor.u32 v0, v21  }
0x234: {  	s1 =	sadd.s32 $0x80, s1;
	v16 =	vshrl.u32 v16, $0x8;
	v19 =	vshrl.u32 v23, $0x8;
	v14 =	vor.u32 v0, v22  }
0x235: {  	vm0 =	veq.s32 v20, v6  }
0x236: {  	v10 =	vand.u32 $0xFFF, v10;
	vm1 =	veq.s32 v17, v6  }
0x237: {  	v11 =	vand.u32 $0xFFF, v11;
	vm2 =	veq.s32 v15, v6  }
0x238: {  	v12 =	vand.u32 $0xFFF, v12;
	vm3 =	veq.s32 v18, v6  }
0x239: {  	v13 =	vand.u32 $0xFFF, v13;
	vm4 =	veq.s32 v19, v6  }
0x23a: {  	v7 =	vshrl.u32 v7, $0x8;
	v9 =	vand.u32 $0xFFF, v9;
	vm5 =	veq.s32 v16, v6  }
0x23b: {  	v8 =	vor.u32 v0, v8;
	v14 =	vand.u32 $0xFFF, v14;
	vm6 =	veq.s32 v7, v6;
	[tilespmem:v10+s11+$0x0] =	vst.idx.add.s32.msk vm0, v2  }
0x23c: {  	v7 =	vand.u32 $0xFFF, v8;
	[tilespmem:v11+s11+$0x0] =	vst.idx.add.s32.msk vm1, v2  }
0x23d: {  	[tilespmem:v12+s11+$0x0] =	vst.idx.add.s32.msk vm2, v2  }
0x23e: {  	[tilespmem:v13+s11+$0x0] =	vst.idx.add.s32.msk vm3, v2  }
0x23f: {  	[tilespmem:v9+s11+$0x0] =	vst.idx.add.s32.msk vm4, v2  }
0x240: {  	[tilespmem:v14+s11+$0x0] =	vst.idx.add.s32.msk vm5, v2  }
0x241: {  	[tilespmem:v7+s11+$0x0] =	vst.idx.add.s32.msk vm6, v2  }
.LBB2_25:
0x242: {  	s0 =	sshra.s32 s20, $0x2  }
0x243: {  	v7 =	vld [tilespmem:s0+$0x18680];
	_ =	sdelay $0x4  }
0x244: {  	v8 =	vshra.s32 v7, $0x1F  }
0x245: {  	v8 =	vor.u32 $0x80000000, v8  }
0x246: {  	v7 =	vxor.u32 v7, v8  }
0x247: {  	v8 =	vshll.u32 v7, $0x4;
	v7 =	vshrl.u32 v7, $0x8  }
0x248: {  	v8 =	vor.u32 v0, v8;
	vm0 =	veq.s32 v7, v6  }
0x249: {  	p0 =	sne.s32 s20, $0x40;
	v7 =	vand.u32 $0xFFF, v8  }
.Ltmp11:
0x24a: {  	_ = 	snop;
	(pc) =	sbr.rel @p0 .LBB2_25-.Ltmp11, $2  }
0x24b: {  	_ =	sdelay $0x2  }
0x24c: {  	s20 =	sadd.s32 $0x40, s20;
	[tilespmem:v7+s11+$0x0] =	vst.idx.add.s32.msk vm0, v2  }
0x24d: {  	s0 =	simm.s32 $0xFF0  }
0x24e: {  	v6 =	vor.u32 s0, v0;
	_ =	sdelay $0x4  }
0x24f: {  	v7 =	vld.idx.msk [tilespmem:v6+s11+$0x0], $0xffff;
	_ =	sdelay $0x4  }
0x250: {  	(xrf0) =	vadd.scan.msk.s32 $0xffff, v7;
	_ =	sdelay $0x3  }
0x251: {  	s25 =	simm.s32 $0xFE0  }
0x252: {  	v7 =	vor.u32 s25, v0  }
0x253: {  	v8, _, _ =	vpop (xrf0)  }
0x254: {  	(v2sf) =	vpush v8, $0xF;
	_ =	sdelay $0x1  }
0x255: {  	s26 =	simm.s32 $0xFD0;
	[tilespmem:v6+s11+$0x0] =	vst.idx.msk $0xffff, v1  }
0x256: {  	s28 =	simm.s32 $0xFC0;
	v9 =	vld.idx.msk [tilespmem:v7+s11+$0x0], $0xffff;
	v8 =	vor.u32 s26, v0  }
0x257: {  	v6 =	vor.u32 s28, v0;
	_ =	sdelay $0x2  }
0x258: {  	[tilespmem:v7+s11+$0x0] =	vst.idx.msk $0xffff, v1  }
0x259: {  	(xrf0) =	vadd.scan.msk.s32 $0xffff, v9;
	v7 =	vld.idx.msk [tilespmem:v8+s11+$0x0], $0xffff;
	[tilespmem:v8+s11+$0x0] =	vst.idx.msk $0xffff, v1  }
0x25a: {  	v8 =	vld.idx.msk [tilespmem:v6+s11+$0x0], $0xffff;
	_ =	sdelay $0x3  }
0x25b: {  	(xrf0) =	vadd.scan.msk.s32 $0xffff, v7  }
0x25c: {  	[tilespmem:v6+s11+$0x0] =	vst.idx.msk $0xffff, v1;
	v6, _, _ =	vpop (xrf0);
	(xrf0) =	vadd.scan.msk.s32 $0xffff, v8  }
0x25d: {  	s31 =	spop (v2sf);
	(v2sf) =	vpush v6, $0xF  }
0x25e: {  	s29 =	simm.s32 $0xFB0  }
0x25f: {  	v10 =	vor.u32 s29, v0;
	_ =	sdelay $0x1  }
0x260: {  	v6, _, _ =	vpop (xrf0)  }
0x261: {  	(v2sf) =	vpush v6, $0xF;
	v63, _, _ =	vpop (xrf0)  }
0x262: {  	(v2sf) =	vpush v63, $0xF  }
0x263: {  	s30 =	simm.s32 $0xFA0;
	s17 =	ssub.s32 s17, s18;
	s18 =	simm.s32 $0x0;
	v62 =	vld.idx.msk [tilespmem:v10+s11+$0x0], $0xffff  }
0x264: {  	s1 =	simm.s32 $0xFF;
	s2 =	simm.s32 $0xF90;
	s23 =	simm.s32 $0xF80;
	v8 =	vor.u32 s30, v0  }
0x265: {  	s22 =	simm.s32 $0xF70;
	p0 =	sgt.s32 s17, $0x0;
	s21 =	sadd.s32 $0x0, s31  }
0x266: {  	s24 =	simm.s32 $0xF60;
	p0 =	por p0, p0;
	p1 =	sge.s32 s21, s17  }
0x267: {  	s20 =	simm.s32 $0x0;
	s0 =	simm.s32 $0xF40;
	p0 =	por !p0, !p1  }
0x268: {  	s25 =	simm.s32 $0xF50;
	s26 =	simm.s32 $0xF30;
	[tilespmem:v10+s11+$0x0] =	vst.idx.msk $0xffff, v1;
	(xrf0) =	vadd.scan.msk.s32 $0xffff, v62;
	p1 =	por !p0, !p0  }
0x269: {  	v7 =	vor.u32 s2, v0;
	v6 =	vld.idx.msk [tilespmem:v8+s11+$0x0], $0xffff;
	[tilespmem:v8+s11+$0x0] =	vst.idx.msk $0xffff, v1;
	p0 =	slt.s32 s21, s17;
	s20 =	smov.u32 @p1 s1;
	s18 =	smov.u32 @p1 s18  }
.LBB2_27:
0x26a: {  	p1 =	sne.s32 s26, $0x0  }
0x26b: {  	s2 =	spop (v2sf);
	s28 =	smov.u32 s0;
	s0 =	smov.u32 s26  }
0x26c: {  	s26 =	sadd.s32 $0xFFFFFFF0, s26;
	s29 =	smov.u32 s21;
	p2 =	por p0, p0  }
.Ltmp12:
0x26d: {  	s21 =	sadd.s32 s21, s2;
	(pc) =	sbr.rel @p1 .LBB2_27-.Ltmp12, $4  }
0x26e: {  	[tilespmem:v7+s11+$0x0] =	vst.idx.msk $0xffff, v1;
	(xrf0) =	vadd.scan.msk.s32 $0xffff, v6;
	v6 =	vld.idx.msk [tilespmem:v7+s11+$0x0], $0xffff;
	v8, _, _ =	vpop (xrf0);
	p0 =	slt.s32 s21, s17;
	p3 =	sge.s32 s21, s17  }
0x26f: {  	v7 =	vor.u32 s23, v0;
	s23 =	smov.u32 s22;
	s22 =	smov.u32 s24;
	(v2sf) =	vpush v8, $0xF;
	p2 =	por !p2, !p3  }
0x270: {  	s1 =	sadd.s32 $0xFFFFFFFF, s1;
	s24 =	smov.u32 s25;
	p2 =	por !p2, !p2  }
0x271: {  	s25 =	smov.u32 s28;
	s20 =	smov.u32 @p2 s1;
	s18 =	smov.u32 @p2 s29  }
0x272: {  	_ = 	snop  }
0x273: {  	v8 =	vor.u32 s23, v0;
	_ =	sdelay $0x2  }
0x274: {  	v9 =	vld.idx.msk [tilespmem:v7+s11+$0x0], $0xffff  }
0x275: {  	[tilespmem:v7+s11+$0x0] =	vst.idx.msk $0xffff, v1  }
0x276: {  	v7 =	vld.idx.msk [tilespmem:v8+s11+$0x0], $0xffff  }
0x277: {  	(xrf0) =	vadd.scan.msk.s32 $0xffff, v6;
	_ =	sdelay $0x1  }
0x278: {  	v6 =	vor.u32 s22, v0;
	(xrf0) =	vadd.scan.msk.s32 $0xffff, v9;
	_ =	sdelay $0x1  }
0x279: {  	(xrf0) =	vadd.scan.msk.s32 $0xffff, v7;
	v7 =	vor.u32 s24, v0  }
0x27a: {  	v9, _, _ =	vpop (xrf0)  }
0x27b: {  	[tilespmem:v8+s11+$0x0] =	vst.idx.msk $0xffff, v1;
	v8 =	vor.u32 s25, v0;
	(v2sf) =	vpush v9, $0xF;
	v9, _, _ =	vpop (xrf0)  }
0x27c: {  	v10 =	vld.idx.msk [tilespmem:v6+s11+$0x0], $0xffff;
	(v2sf) =	vpush v9, $0xF;
	v9 =	vor.u32 s0, v0  }
0x27d: {  	[tilespmem:v6+s11+$0x0] =	vst.idx.msk $0xffff, v1;
	v6, _, _ =	vpop (xrf0)  }
0x27e: {  	(v2sf) =	vpush v6, $0xF;
	v6 =	vld.idx.msk [tilespmem:v7+s11+$0x0], $0xffff  }
0x27f: {  	[tilespmem:v7+s11+$0x0] =	vst.idx.msk $0xffff, v1  }
0x280: {  	v7 =	vld.idx.msk [tilespmem:v8+s11+$0x0], $0xffff;
	[tilespmem:v8+s11+$0x0] =	vst.idx.msk $0xffff, v1  }
0x281: {  	(xrf0) =	vadd.scan.msk.s32 $0xffff, v10;
	v8 =	vld.idx.msk [tilespmem:v9+s11+$0x0], $0xffff;
	_ =	sdelay $0x1  }
0x282: {  	(xrf0) =	vadd.scan.msk.s32 $0xffff, v6  }
0x283: {  	s25 =	spop (v2sf)  }
0x284: {  	p0 =	por p0, p0;
	s22 =	sadd.s32 s21, s25;
	v11, _, _ =	vpop (xrf0);
	(xrf0) =	vadd.scan.msk.s32 $0xffff, v7  }
0x285: {  	s2 =	spop (v2sf);
	p1 =	slt.s32 s22, s17;
	p2 =	sge.s32 s22, s17;
	(v2sf) =	vpush v11, $0xF;
	(xrf0) =	vadd.scan.msk.s32 $0xffff, v8  }
0x286: {  	s23 =	sadd.s32 s22, s2;
	p0 =	por !p0, !p2;
	p5 =	por p1, p1;
	v6, _, _ =	vpop (xrf0)  }
0x287: {  	p6 =	slt.s32 s23, s17;
	p3 =	sge.s32 s23, s17;
	s7 =	simm.s32 @!p0 $0x0;
	(v2sf) =	vpush v6, $0xF  }
0x288: {  	s7 =	simm.s32 @p0 $0x1;
	p0 =	por !p5, !p3;
	s29 =	spop (v2sf);
	v7, _, _ =	vpop (xrf0)  }
0x289: {  	[smem:$0x7D6] =	sst s7;
	s7 =	simm.s32 @!p0 $0x0;
	s25 =	sadd.s32 s23, s29;
	(v2sf) =	vpush v7, $0xF  }
0x28a: {  	p4 =	por p6, p6;
	s7 =	simm.s32 @p0 $0x1;
	p6 =	sge.s32 s25, s17;
	v6, _, _ =	vpop (xrf0)  }
0x28b: {  	[smem:$0x7D7] =	sst s7;
	p0 =	por !p4, !p6;
	(v2sf) =	vpush v6, $0xF;
	v6, _, _ =	vpop (xrf0)  }
0x28c: {  	p5 =	slt.s32 s25, s17;
	s7 =	simm.s32 @!p0 $0x0;
	s26 =	spop (v2sf);
	(v2sf) =	vpush v6, $0xF  }
0x28d: {  	p2 =	por p5, p5;
	s7 =	simm.s32 @p0 $0x1;
	s24 =	sadd.s32 s25, s26  }
0x28e: {  	[smem:$0x7D8] =	sst s7;
	s28 =	spop (v2sf);
	p3 =	sge.s32 s24, s17  }
0x28f: {  	p4 =	slt.s32 s24, s17;
	p0 =	por !p2, !p3;
	s28 =	sadd.s32 s24, s28  }
0x290: {  	p5 =	por p4, p4;
	s7 =	simm.s32 @!p0 $0x0;
	p3 =	sge.s32 s28, s17  }
0x291: {  	p6 =	slt.s32 s28, s17;
	s7 =	simm.s32 @p0 $0x1;
	p0 =	por !p5, !p3  }
0x292: {  	s30 =	spop (v2sf);
	[smem:$0x7D9] =	sst s7;
	s7 =	simm.s32 @!p0 $0x0  }
0x293: {  	p4 =	por p6, p6;
	s7 =	simm.s32 @p0 $0x1;
	s29 =	sadd.s32 s28, s30  }
0x294: {  	[smem:$0x7DA] =	sst s7;
	p6 =	sge.s32 s29, s17;
	s31 =	spop (v2sf)  }
0x295: {  	p5 =	slt.s32 s29, s17;
	p6 =	por !p4, !p6;
	s26 =	sadd.s32 s29, s31  }
0x296: {  	p1 =	por p5, p5;
	p2 =	sge.s32 s26, s17;
	s7 =	spop (v2sf)  }
0x297: {  	p3 =	slt.s32 s26, s17;
	p5 =	por !p1, !p2;
	s31 =	sadd.s32 s26, s7  }
0x298: {  	p0 =	por p3, p3;
	p4 =	sge.s32 s31, s17;
	s30 =	spop (v2sf)  }
0x299: {  	p1 =	slt.s32 s31, s17;
	p3 =	por !p0, !p4;
	s30 =	sadd.s32 s31, s30  }
0x29a: {  	p1 =	por p1, p1;
	s2 =	spop (v2sf);
	p2 =	sge.s32 s30, s17  }
0x29b: {  	p4 =	slt.s32 s30, s17;
	s0 =	sadd.s32 s30, s2;
	s7 =	spop (v2sf)  }
0x29c: {  	p2 =	por !p1, !p2;
	s2 =	sadd.s32 s0, s7;
	s7 =	sld [smem:$0x7D6]  }
0x29d: {  	p1 =	por p4, p4;
	p0 =	slt.s32 s0, s17;
	p4 =	sge.s32 s0, s17  }
0x29e: {  	p1 =	por !p1, !p4;
	p0 =	por p0, p0;
	p4 =	sge.s32 s2, s17  }
0x29f: {  	p0 =	por !p0, !p4;
	p4 =	seq.s32 s7, $0x1;
	s7 =	sld [smem:$0x7D7]  }
0x2a0: {  	s1 =	sadd.s32 $0xFFFFFFFF, s1;
	p4 =	por !p4, !p4  }
0x2a1: {  	s2 =	simm.s32 @!p4 $0x0;
	s20 =	smov.u32 @p4 s1  }
0x2a2: {  	s2 =	simm.s32 @p4 $0x1;
	p4 =	seq.s32 s7, $0x1;
	s7 =	sld [smem:$0x7D8]  }
0x2a3: {  	s1 =	sadd.s32 $0xFFFFFFFF, s1;
	p4 =	por !p4, !p4  }
0x2a4: {  	[smem:$0x7DB] =	sst s2;
	s2 =	simm.s32 @!p4 $0x0;
	s20 =	smov.u32 @p4 s1  }
0x2a5: {  	s2 =	simm.s32 @p4 $0x1;
	p4 =	seq.s32 s7, $0x1;
	s7 =	sld [smem:$0x7D9]  }
0x2a6: {  	s1 =	sadd.s32 $0xFFFFFFFF, s1;
	p4 =	por !p4, !p4  }
0x2a7: {  	[smem:$0x7DC] =	sst s2;
	s2 =	simm.s32 @!p4 $0x0;
	s20 =	smov.u32 @p4 s1  }
0x2a8: {  	s2 =	simm.s32 @p4 $0x1;
	p4 =	seq.s32 s7, $0x1;
	s7 =	sld [smem:$0x7DA]  }
0x2a9: {  	p6 =	por !p6, !p6;
	p5 =	por !p5, !p5;
	p4 =	por !p4, !p4  }
0x2aa: {  	s1 =	sadd.s32 $0xFFFFFFFF, s1;
	[smem:$0x7DD] =	sst s2;
	s2 =	simm.s32 @!p4 $0x0  }
0x2ab: {  	s20 =	smov.u32 @p4 s1;
	s2 =	simm.s32 @p4 $0x1;
	p4 =	seq.s32 s7, $0x1  }
0x2ac: {  	p3 =	por !p3, !p3;
	s1 =	sadd.s32 $0xFFFFFFFF, s1;
	p4 =	por !p4, !p4  }
0x2ad: {  	p2 =	por !p2, !p2;
	s20 =	smov.u32 @p4 s1;
	s1 =	sadd.s32 $0xFFFFFFFF, s1  }
0x2ae: {  	p1 =	por !p1, !p1;
	s20 =	smov.u32 @p6 s1;
	s1 =	sadd.s32 $0xFFFFFFFF, s1  }
0x2af: {  	(xrf0) =	vmax.scan.msk.f32 $0xffff, v5;
	p0 =	por !p0, !p0;
	s20 =	smov.u32 @p5 s1;
	s1 =	sadd.s32 $0xFFFFFFFF, s1  }
0x2b0: {  	[smem:$0x7DE] =	sst s2;
	s20 =	smov.u32 @p3 s1;
	s1 =	sadd.s32 $0xFFFFFFFF, s1  }
0x2b1: {  	s2 =	simm.s32 @!p0 $0x0;
	s20 =	smov.u32 @p2 s1;
	s1 =	sadd.s32 $0xFFFFFFFF, s1  }
0x2b2: {  	s2 =	simm.s32 @p0 $0x1;
	s20 =	smov.u32 @p1 s1;
	s1 =	sadd.s32 $0xFFFFFFFF, s1  }
0x2b3: {  	[smem:$0x7DF] =	sst s2;
	s2 =	sshll.u32 s19, $0x8;
	s20 =	smov.u32 @p0 s1  }
0x2b4: {  	[tilespmem:v9+s11+$0x0] =	vst.idx.msk $0xffff, v1;
	s19 =	sor.u32 s2, s20;
	s20 =	simm.s32 $0x40  }
0x2b5: {  	v5, _, _ =	vpop (xrf0);
	s7 =	simm.s32 $0x60;
	v8 =	vld [tilespmem:s20+$0x10]  }
0x2b6: {  	v61 =	vimm.f32 $0.0e+00;
	v6 =	vbroadcast v5, $0xF;
	v10 =	vor.u32 s7, v0;
	s7 =	simm.s32 $0x50;
	v22 =	vld [tilespmem:s20+$0x30]  }
0x2b7: {  	v12 =	vor.u32 s7, v0;
	s7 =	simm.s32 $0x20;
	vm5 =	veq.s32 v10, v4;
	vm4 =	vlt.s32 v10, v4;
	s2 =	simm.s32 $0x70;
	v23 =	vld [tilespmem:s20+$0x20]  }
0x2b8: {  	v21 =	vor.u32 s7, v0;
	vm0 =	vlt.s32 v12, v4;
	s1 =	sxor.u32 $0x80000000, s19;
	v9 =	vor.u32 s2, v0;
	s2 =	simm.s32 $0x40;
	v17 =	vld [tilespmem:s20+$0xFFFFFFE0]  }
0x2b9: {  	v5 =	vmov s19;
	v15 =	vld [tilespmem:s20+$0xFFFFFFF0];
	v7 =	vmov s1;
	s1 =	simm.s32 $0x30;
	v11 =	vor.u32 s2, v0  }
0x2ba: {  	v27 =	vld [tilespmem:s20+$0xFFFFFFC0];
	s2 =	simm.s32 $0x10;
	vm6 =	veq.s32 v9, v4;
	vm2 =	vlt.s32 v9, v4;
	v18 =	vor.u32 s1, v0;
	s1 =	simm.s32 $0x0  }
0x2bb: {  	v25 =	vld [tilespmem:s20+$0xFFFFFFD0];
	v20 =	vor.u32 s2, v0;
	vm3 =	vlt.s32 v11, v4;
	v19 =	vor.u32 s1, v0  }
0x2bc: {  	vm1 =	vlt.s32 v18, v4;
	vm10 =	vlt.s32 v19, v4;
	vm7 =	vlt.s32 v8, $0x0  }
0x2bd: {  	v10 =	vxor.u32 $0xFFFFFFFF, v8;
	v13 =	vxor.u32 $0x80000000, v8;
	vm8 =	vlt.s32 v22, $0x0  }
0x2be: {  	v9 =	vld [tilespmem:s20+$0x0];
	v14 =	vxor.u32 $0xFFFFFFFF, v22;
	vm13 =	vlt.s32 v23, $0x0;
	v16 =	vxor.u32 $0x80000000, v22  }
0x2bf: {  	vm14 =	vlt.s32 v17, $0x0;
	vm11 =	vlt.s32 v15, $0x0;
	v40 =	vsub.f32 v27, v6  }
0x2c0: {  	vm12 =	vlt.s32 v25, $0x0;
	v42 =	vsub.f32 v25, v6;
	v43 =	vsub.f32 v17, v6  }
0x2c1: {  	v55 =	vxor.u32 $0x80000000, v27;
	v44 =	vsub.f32 v15, v6;
	v59 =	vsub.f32 v23, v6  }
0x2c2: {  	v60 =	vsub.f32 v8, v6;
	v24 =	vsel vm7, v10, v13;
	v10 =	vxor.u32 $0xFFFFFFFF, v23  }
0x2c3: {  	v13 =	vxor.u32 $0x80000000, v23;
	v28 =	vsel vm8, v14, v16;
	vm15 =	vlt.s32 v9, $0x0  }
0x2c4: {  	v14 =	vxor.u32 $0xFFFFFFFF, v9;
	v54 =	vxor.u32 $0x80000000, v9;
	vm7 =	vlt.s32 v20, v4  }
0x2c5: {  	v39 =	vsub.f32 v9, v6;
	v26 =	vsel vm13, v10, v13;
	v10 =	vxor.u32 $0xFFFFFFFF, v17  }
0x2c6: {  	v13 =	vxor.u32 $0x80000000, v17;
	v31 =	vsel vm15, v14, v54;
	vm13 =	vlt.s32 v27, $0x0  }
0x2c7: {  	v14 =	vxor.u32 $0xFFFFFFFF, v27;
	v40 =	vmul.f32 $1.442695020e+00, v40;
	v42 =	vmul.f32 $1.442695020e+00, v42  }
0x2c8: {  	vm15 =	veq.s32 v11, v4;
	v57 =	vmul.f32 $1.442695020e+00, v43;
	v58 =	vmul.f32 $1.442695020e+00, v44  }
0x2c9: {  	v43 =	vmul.f32 $1.442695020e+00, v60;
	v29 =	vsel vm14, v10, v13;
	v10 =	vxor.u32 $0xFFFFFFFF, v15  }
0x2ca: {  	v13 =	vxor.u32 $0x80000000, v15;
	v32 =	vsel vm13, v14, v55;
	vm14 =	veq.s32 v12, v4  }
0x2cb: {  	v12 =	vnsel vm5, $0x0, v23;
	v11 =	vnsel vm5, $0x0, v26;
	v34 =	vnsel vm15, $0x0, v9  }
0x2cc: {  	vm13 =	veq.s32 v21, v4;
	v39 =	vmul.f32 $1.442695020e+00, v39;
	v30 =	vsel vm11, v10, v13  }
0x2cd: {  	v10 =	vxor.u32 $0xFFFFFFFF, v25;
	v13 =	vxor.u32 $0x80000000, v25;
	v16 =	vnsel vm14, $0x0, v8  }
0x2ce: {  	v14 =	vnsel vm14, $0x0, v24;
	vm14 =	veq.s32 v20, v4;
	v20 =	vnsel vm13, $0x0, v17  }
0x2cf: {  	v36 =	vnsel vm13, $0x0, v29;
	vm13 =	veq.s32 v28, v5;
	(erf) = vpow2.f32 v40  }
0x2d0: {  	v40 =	vmul.f32 $1.442695020e+00, v59;
	v33 =	vsel vm12, v10, v13;
	v10 =	vnsel vm6, $0x0, v22  }
0x2d1: {  	v13 =	vnsel vm6, $0x0, v28;
	vm6 =	vlt.s32 v21, v4;
	vm12 =	veq.s32 v18, v4  }
0x2d2: {  	v18 =	vnsel vm15, $0x0, v31;
	vm15 =	veq.s32 v19, v4;
	v37 =	vnsel vm14, $0x0, v25  }
0x2d3: {  	vm8 =	vmand vm2, vm13;
	v28 =	vxor.u32 $0x80000000, v28;
	vm5 =	veq.s32 v30, v5  }
0x2d4: {  	(erf) = vpow2.f32 v42;
	vm13 =	veq.s32 v32, v5;
	v51 =	vxor.u32 $0x80000000, v30  }
0x2d5: {  	v21 =	vnsel vm12, $0x0, v15;
	v35 =	vnsel vm12, $0x0, v30;
	v38 =	vnsel vm14, $0x0, v33  }
0x2d6: {  	v56 =	vnsel vm15, $0x0, v27;
	v41 =	vnsel vm15, $0x0, v32;
	vm12 =	veq.s32 v26, v5  }
0x2d7: {  	vm14 =	veq.s32 v31, v5;
	vm15 =	veq.s32 v24, v5;
	vm5 =	vmand vm1, vm5  }
0x2d8: {  	vm11 =	veq.s32 v33, v5;
	(erf) = vpow2.f32 v57;
	v26 =	vxor.u32 $0x80000000, v26  }
0x2d9: {  	v33 =	vxor.u32 $0x80000000, v33;
	v32 =	vxor.u32 $0x80000000, v32;
	v44 =	vsel vm8, $0x1, v1  }
0x2da: {  	v24 =	vxor.u32 $0x80000000, v24;
	v57 =	vxor.u32 $0x80000000, v31;
	vm4 =	vmand vm4, vm12  }
0x2db: {  	s7 =	sld [smem:$0x7DB];
	vm2 =	vmand vm3, vm14;
	vm9 =	vmand vm0, vm15;
	vm1 =	vmand vm7, vm11  }
0x2dc: {  	vm12 =	veq.s32 v29, v5;
	vm0 =	vmand vm10, vm13;
	vm14 =	vgt.s32 v28, v7  }
0x2dd: {  	(erf) = vpow2.f32 v58;
	vm15 =	vgt.s32 v32, v7;
	vm10 =	vgt.s32 v26, v7  }
0x2de: {  	p0 =	seq.s32 s7, $0x1;
	vm11 =	vgt.s32 v33, v7;
	v29 =	vxor.u32 $0x80000000, v29;
	v48 =	vsel vm5, $0x1, v1  }
0x2df: {  	s18 =	smov.u32 @p0 s21;
	s21 =	sld [smem:$0x7DC];
	vm13 =	vgt.s32 v24, v7;
	v19 =	vadd.f32 v56, v61;
	(erf) = vpow2.f32 v39  }
0x2e0: {  	vm3 =	vmand vm6, vm12;
	v28 =	vnsel vm14, $0x0, v22;
	v22 =	vsub.f32 v22, v6;
	v62 =	vpop (erf)  }
0x2e1: {  	v27 =	vnsel vm15, $0x0, v27;
	(erf) = vpow2.f32 v43;
	v39 =	vadd.f32 v62, v61  }
0x2e2: {  	p0 =	seq.s32 s21, $0x1;
	v45 =	vsel vm4, $0x1, v1;
	v46 =	vsel vm9, $0x1, v1;
	v23 =	vnsel vm10, $0x0, v23;
	v63 =	vpop (erf)  }
0x2e3: {  	s18 =	smov.u32 @p0 s22;
	s22 =	sld [smem:$0x7DD];
	v22 =	vmul.f32 $1.442695020e+00, v22;
	(erf) = vpow2.f32 v40;
	v43 =	vadd.f32 v63, v39  }
0x2e4: {  	v25 =	vnsel vm11, $0x0, v25;
	v49 =	vsel vm2, $0x1, v1;
	vm12 =	vgt.s32 v29, v7;
	v47 =	vpop (erf)  }
0x2e5: {  	v55 =	vnsel vm13, $0x0, v8;
	(erf) = vpow2.f32 v22;
	v26 =	vadd.f32 v47, v43  }
0x2e6: {  	p0 =	seq.s32 s22, $0x1;
	vm14 =	vgt.s32 v51, v7;
	v27 =	vadd.f32 v27, v61;
	v19 =	vadd.f32 v37, v19;
	v50 =	vpop (erf)  }
0x2e7: {  	s18 =	smov.u32 @p0 s23;
	s23 =	sld [smem:$0x7DE];
	v59 =	vsel vm1, $0x1, v1;
	vm15 =	vgt.s32 v57, v7;
	v26 =	vadd.f32 v50, v26  }
0x2e8: {  	v60 =	vsel vm0, $0x1, v1;
	v8 =	vadd.f32 v25, v27;
	v19 =	vadd.f32 v20, v19;
	v52 =	vpop (erf)  }
0x2e9: {  	v17 =	vnsel vm12, $0x0, v17;
	v53 =	vsel vm3, $0x1, v1;
	v54 =	vadd.f32 v52, v26  }
0x2ea: {  	p0 =	seq.s32 s23, $0x1;
	v15 =	vnsel vm14, $0x0, v15;
	v8 =	vadd.f32 v17, v8;
	v19 =	vadd.f32 v21, v19;
	v56 =	vpop (erf)  }
0x2eb: {  	s18 =	smov.u32 @p0 s25;
	v9 =	vnsel vm15, $0x0, v9;
	v61 =	vimm.s32 $0x0;
	v24 =	vadd.f32 v56, v54  }
0x2ec: {  	s18 =	smov.u32 @p4 s24;
	v15 =	vadd.f32 v15, v8;
	v20 =	vadd.s32 v60, v61;
	v19 =	vadd.f32 v34, v19;
	v58 =	vpop (erf)  }
0x2ed: {  	s18 =	smov.u32 @p6 s28;
	v62 =	vadd.s32 v61, v41;
	v63 =	vadd.s32 v59, v20;
	v17 =	vadd.f32 v58, v24  }
0x2ee: {  	s18 =	smov.u32 @p5 s29;
	v9 =	vadd.f32 v9, v15;
	v15 =	vadd.s32 v38, v62;
	v16 =	vadd.f32 v16, v19;
	v8 =	vpop (erf)  }
0x2ef: {  	s18 =	smov.u32 @p3 s26;
	v15 =	vadd.s32 v36, v15;
	v8 =	vadd.f32 v8, v17;
	v17 =	vadd.s32 v53, v63  }
0x2f0: {  	s18 =	smov.u32 @p2 s31;
	s31 =	sld [smem:$0x7DF];
	v9 =	vadd.f32 v55, v9;
	v15 =	vadd.s32 v35, v15;
	v17 =	vadd.s32 v48, v17  }
0x2f1: {  	v16 =	vadd.f32 v12, v16;
	v15 =	vadd.s32 v18, v15;
	v17 =	vadd.s32 v49, v17  }
0x2f2: {  	v9 =	vadd.f32 v23, v9;
	v14 =	vadd.s32 v14, v15;
	v15 =	vadd.s32 v46, v17  }
0x2f3: {  	s21 =	simm.s32 $0x18680;
	s18 =	smov.u32 @p1 s30;
	p0 =	seq.s32 s31, $0x1;
	v14 =	vadd.s32 v11, v14;
	v11 =	vadd.f32 v10, v16;
	v15 =	vadd.s32 v45, v15  }
0x2f4: {  	s22 =	simm.s32 $0x0;
	s23 =	simm.s32 $0xF0;
	s18 =	smov.u32 @p0 s0;
	v12 =	vadd.f32 v28, v9;
	v10 =	vadd.s32 v13, v14;
	v9 =	vadd.s32 v44, v15  }
.LBB2_29:
0x2f5: {  	s0 =	sadd.s32 $0xFFFFFFF0, s23;
	v13 =	vor.u32 s23, v0  }
0x2f6: {  	s2 =	sadd.s32 $0xFFFFFFD0, s23;
	v16 =	vimm.s32 $0x0;
	v14 =	vor.u32 s0, v0;
	vm12 =	veq.s32 v13, v4  }
0x2f7: {  	s7 =	sadd.s32 $0xFFFFFFE0, s23;
	s31 =	sadd.s32 $0xFFFFFF90, s23;
	s24 =	sadd.s32 $0xFFFFFFA0, s23;
	vm0 =	vlt.s32 v13, v4;
	v13 =	vimm.s32 $0x0;
	v15 =	vor.u32 s2, v0  }
0x2f8: {  	s25 =	sadd.s32 $0xFFFFFFB0, s23;
	v18 =	vor.u32 s7, v0;
	v22 =	vor.u32 s31, v0;
	v23 =	vor.u32 s24, v0  }
0x2f9: {  	s20 =	sadd.s32 $0x80, s20;
	v19 =	vor.u32 s25, v0;
	v13 =	vsel vm0, $0xFFFFFFFF, v13;
	vm11 =	vlt.s32 v18, v4  }
0x2fa: {  	v21 =	vld [tilespmem:s20+$0x30];
	vm14 =	veq.s32 v14, v4;
	vm13 =	vlt.s32 v14, v4;
	v14 =	vimm.s32 $0x0  }
0x2fb: {  	v17 =	vld [tilespmem:s20+$0x10];
	vm4 =	vlt.s32 v15, v4;
	vm9 =	veq.s32 v18, v4;
	vm5 =	vlt.s32 v23, v4  }
0x2fc: {  	s1 =	sadd.s32 $0xFFFFFFC0, s23;
	v20 =	vld [tilespmem:s20+$0x20];
	vm6 =	vlt.s32 v19, v4;
	vm8 =	veq.s32 v15, v4;
	vm7 =	vlt.s32 v22, v4  }
0x2fd: {  	v24 =	vld [tilespmem:s20+$0xFFFFFFD0];
	vm10 =	veq.s32 v19, v4;
	[tilespmem:$0x1FF90] =	vst v13;
	v13 =	vor.u32 s1, v0;
	v14 =	vsel vm13, $0xFFFFFFFF, v14  }
0x2fe: {  	v30 =	vld [tilespmem:s20+$0xFFFFFFC0];
	v16 =	vsel vm11, $0xFFFFFFFF, v16;
	[tilespmem:$0x1FF80] =	vst v14;
	vm15 =	vlt.s32 v13, v4;
	v14 =	vimm.s32 $0x0  }
0x2ff: {  	vm13 =	veq.s32 v22, v4;
	v14 =	vsel vm15, $0xFFFFFFFF, v14;
	vm15 =	veq.s32 v23, v4  }
0x300: {  	[tilespmem:$0x1FFC0] =	vst v14;
	v14 =	vimm.s32 $0x0;
	v15 =	vnsel vm9, $0x0, v17;
	vm11 =	vlt.s32 v21, $0x0  }
0x301: {  	v26 =	vxor.u32 $0xFFFFFFFF, v21;
	v27 =	vxor.u32 $0x80000000, v21;
	v29 =	vxor.u32 $0xFFFFFFFF, v20  }
0x302: {  	v31 =	vxor.u32 $0x80000000, v20;
	v33 =	vxor.u32 $0xFFFFFFFF, v17;
	v34 =	vxor.u32 $0x80000000, v17  }
0x303: {  	v19 =	vld [tilespmem:s20+$0xFFFFFFF0];
	v28 =	vnsel vm15, $0x0, v24;
	v32 =	vnsel vm13, $0x0, v30;
	v39 =	vsub.f32 v21, v6  }
0x304: {  	v42 =	vsub.f32 v20, v6;
	vm1 =	vlt.s32 v24, $0x0;
	v43 =	vxor.u32 $0xFFFFFFFF, v24  }
0x305: {  	v44 =	vxor.u32 $0x80000000, v24;
	vm0 =	vlt.s32 v30, $0x0;
	v46 =	vsub.f32 v17, v6  }
0x306: {  	v47 =	vxor.u32 $0xFFFFFFFF, v30;
	v50 =	vxor.u32 $0x80000000, v30;
	v51 =	vsub.f32 v30, v6  }
0x307: {  	v52 =	vsub.f32 v24, v6;
	v14 =	vsel vm4, $0xFFFFFFFF, v14;
	vm4 =	vlt.s32 v17, $0x0  }
0x308: {  	vm3 =	vlt.s32 v19, $0x0;
	v37 =	vxor.u32 $0xFFFFFFFF, v19;
	v38 =	vxor.u32 $0x80000000, v19  }
0x309: {  	[tilespmem:$0x1FFB0] =	vst v16;
	v49 =	vsub.f32 v19, v6;
	v60 =	vsel vm11, v26, v27;
	v61 =	vsel vm0, v47, v50  }
0x30a: {  	v16 =	vld [tilespmem:s20+$0x0];
	v62 =	vsel vm1, v43, v44;
	v11 =	vadd.f32 v32, v11;
	[tilespmem:$0x1FFA0] =	vst v14;
	v14 =	vimm.s32 $0x0  }
0x30b: {  	v34 =	vsel vm4, v33, v34;
	v37 =	vsel vm3, v37, v38;
	v26 =	vnsel vm12, $0x0, v60  }
0x30c: {  	v63 =	vxor.u32 $0x80000000, v60;
	v54 =	vmul.f32 $1.442695020e+00, v51;
	v56 =	vmul.f32 $1.442695020e+00, v52  }
0x30d: {  	v51 =	vnsel vm15, $0x0, v62;
	v43 =	vnsel vm13, $0x0, v61;
	v42 =	vmul.f32 $1.442695020e+00, v42  }
0x30e: {  	v23 =	vld [tilespmem:s20+$0xFFFFFFE0];
	v39 =	vmul.f32 $1.442695020e+00, v39;
	v38 =	vxor.u32 $0x80000000, v62;
	v46 =	vmul.f32 $1.442695020e+00, v46  }
0x30f: {  	v14 =	vsel vm5, $0xFFFFFFFF, v14;
	v18 =	vnsel vm8, $0x0, v16;
	vm5 =	vlt.s32 v16, $0x0  }
0x310: {  	v35 =	vxor.u32 $0xFFFFFFFF, v16;
	v36 =	vxor.u32 $0x80000000, v16;
	v45 =	vsub.f32 v16, v6  }
0x311: {  	vm1 =	veq.s32 v34, v5;
	v49 =	vmul.f32 $1.442695020e+00, v49;
	vm13 =	vgt.s32 v63, v7  }
0x312: {  	v11 =	vadd.f32 v28, v11;
	v10 =	vadd.s32 v10, v43;
	[tilespmem:$0x1FFD0] =	vst v14;
	v14 =	vimm.s32 $0x0  }
0x313: {  	v25 =	vnsel vm10, $0x0, v23;
	vm2 =	vlt.s32 v23, $0x0;
	v40 =	vxor.u32 $0xFFFFFFFF, v23  }
0x314: {  	v41 =	vxor.u32 $0x80000000, v23;
	v48 =	vsub.f32 v23, v6;
	v35 =	vsel vm5, v35, v36  }
0x315: {  	(erf) = vpow2.f32 v54;
	vm5 =	veq.s32 v61, v5;
	v36 =	vxor.u32 $0x80000000, v61  }
0x316: {  	v10 =	vadd.s32 v51, v10;
	v14 =	vsel vm6, $0xFFFFFFFF, v14;
	vm6 =	vlt.s32 v20, $0x0  }
0x317: {  	v58 =	vld [tilespmem:$0x1FF90];
	v40 =	vsel vm2, v40, v41;
	vm2 =	veq.s32 v60, v5;
	vm3 =	veq.s32 v35, v5  }
0x318: {  	v57 =	vld [tilespmem:$0x1FF80];
	(erf) = vpow2.f32 v56;
	v45 =	vmul.f32 $1.442695020e+00, v45;
	v11 =	vadd.f32 v25, v11  }
0x319: {  	[tilespmem:$0x1FFE0] =	vst v14;
	v14 =	vimm.s32 $0x0;
	v53 =	vsel vm6, v29, v31;
	v29 =	vnsel vm9, $0x0, v34  }
0x31a: {  	v31 =	vnsel vm8, $0x0, v35;
	v44 =	vnsel vm10, $0x0, v40;
	vm6 =	veq.s32 v37, v5  }
0x31b: {  	v34 =	vxor.u32 $0x80000000, v34;
	v48 =	vmul.f32 $1.442695020e+00, v48;
	vm4 =	veq.s32 v40, v5  }
0x31c: {  	vm8 =	veq.s32 v62, v5;
	v35 =	vxor.u32 $0x80000000, v35;
	v40 =	vxor.u32 $0x80000000, v40  }
0x31d: {  	v59 =	vld [tilespmem:$0x1FFA0];
	vm9 =	vnez.u8 v57;
	vm10 =	vnez.u8 v58;
	v14 =	vsel vm7, $0xFFFFFFFF, v14  }
0x31e: {  	vm7 =	veq.s32 v13, v4;
	v13 =	vnsel vm12, $0x0, v21;
	v27 =	vnsel vm14, $0x0, v53  }
0x31f: {  	vm0 =	veq.s32 v53, v5;
	v55 =	vxor.u32 $0x80000000, v53;
	v21 =	vnsel vm13, $0x0, v21  }
0x320: {  	v10 =	vadd.s32 v44, v10;
	[tilespmem:$0x1FFF0] =	vst v14;
	v14 =	vnsel vm14, $0x0, v20;
	v22 =	vnsel vm7, $0x0, v19  }
0x321: {  	v60 =	vld [tilespmem:$0x1FFB0];
	v33 =	vnsel vm7, $0x0, v37;
	v37 =	vxor.u32 $0x80000000, v37;
	(erf) = vpow2.f32 v48  }
0x322: {  	v63 =	vld [tilespmem:$0x1FFD0];
	vm11 =	vmand vm9, vm0;
	vm9 =	vmand vm10, vm2;
	vm12 =	vnez.u8 v59  }
0x323: {  	v62 =	vld [tilespmem:$0x1FFC0];
	vm2 =	vgt.s32 v35, v7;
	(erf) = vpow2.f32 v49;
	vm3 =	vmand vm12, vm3  }
0x324: {  	vm12 =	vgt.s32 v55, v7;
	v47 =	vld [tilespmem:$0x1FFF0];
	v49 =	vsel vm9, $0x1, v1;
	v52 =	vsel vm11, $0x1, v1  }
0x325: {  	v16 =	vnsel vm2, $0x0, v16;
	v11 =	vadd.f32 v22, v11;
	v10 =	vadd.s32 v33, v10  }
0x326: {  	(erf) = vpow2.f32 v45;
	vm14 =	vnez.u8 v60;
	v45 =	vld [tilespmem:$0x1FFE0];
	v20 =	vnsel vm12, $0x0, v20  }
0x327: {  	v56 =	vsel vm3, $0x1, v1;
	v10 =	vadd.s32 v31, v10;
	vm10 =	vmand vm14, vm1  }
0x328: {  	vm15 =	vnez.u8 v62;
	v11 =	vadd.f32 v18, v11;
	v10 =	vadd.s32 v29, v10  }
0x329: {  	vm7 =	vmand vm15, vm6;
	vm6 =	vnez.u8 v63;
	vm15 =	vnez.u8 v47  }
0x32a: {  	v61 =	vpop (erf);
	(erf) = vpow2.f32 v46;
	vm1 =	vmand vm15, vm5;
	vm15 =	vgt.s32 v36, v7  }
0x32b: {  	v8 =	vadd.f32 v61, v8;
	vm14 =	vnez.u8 v45;
	v30 =	vnsel vm15, $0x0, v30  }
0x32c: {  	vm4 =	vmand vm14, vm4;
	vm14 =	vgt.s32 v38, v7;
	v12 =	vadd.f32 v30, v12  }
0x32d: {  	vm0 =	vmand vm6, vm8;
	vm8 =	vgt.s32 v40, v7;
	v46 =	vpop (erf);
	v24 =	vnsel vm14, $0x0, v24  }
0x32e: {  	(erf) = vpow2.f32 v42;
	v8 =	vadd.f32 v46, v8;
	v12 =	vadd.f32 v24, v12  }
0x32f: {  	v53 =	vsel vm10, $0x1, v1;
	v23 =	vnsel vm8, $0x0, v23;
	vm5 =	vgt.s32 v37, v7;
	v48 =	vpop (erf)  }
0x330: {  	(erf) = vpow2.f32 v39;
	v8 =	vadd.f32 v48, v8;
	v12 =	vadd.f32 v23, v12  }
0x331: {  	vm6 =	vgt.s32 v34, v7;
	v55 =	vsel vm7, $0x1, v1;
	v60 =	vnsel vm5, $0x0, v19;
	v50 =	vpop (erf)  }
0x332: {  	v63 =	vsel vm1, $0x1, v1;
	v8 =	vadd.f32 v50, v8;
	v12 =	vadd.f32 v60, v12  }
0x333: {  	v61 =	vsel vm0, $0x1, v1;
	v58 =	vsel vm4, $0x1, v1;
	v9 =	vadd.s32 v63, v9;
	v54 =	vpop (erf)  }
0x334: {  	s22 =	sadd.s32 $0x8, s22;
	v9 =	vadd.s32 v61, v9;
	v8 =	vadd.f32 v54, v8;
	v12 =	vadd.f32 v16, v12  }
0x335: {  	p0 =	slt.u32 s22, $0x1860;
	v11 =	vadd.f32 v15, v11;
	v17 =	vnsel vm6, $0x0, v17;
	v9 =	vadd.s32 v58, v9;
	v57 =	vpop (erf)  }
.Ltmp13:
0x336: {  	v9 =	vadd.s32 v55, v9;
	v8 =	vadd.f32 v57, v8;
	v12 =	vadd.f32 v17, v12;
	(pc) =	sbr.rel @p0 .LBB2_29-.Ltmp13, $4  }
0x337: {  	v10 =	vadd.s32 v27, v10;
	v11 =	vadd.f32 v14, v11;
	v9 =	vadd.s32 v56, v9;
	v59 =	vpop (erf)  }
0x338: {  	v9 =	vadd.s32 v53, v9;
	v8 =	vadd.f32 v59, v8;
	v12 =	vadd.f32 v20, v12  }
0x339: {  	v10 =	vadd.s32 v26, v10;
	v11 =	vadd.f32 v13, v11;
	v9 =	vadd.s32 v52, v9;
	v62 =	vpop (erf)  }
0x33a: {  	s23 =	sadd.s32 $0x80, s23;
	v9 =	vadd.s32 v49, v9;
	v8 =	vadd.f32 v62, v8;
	v12 =	vadd.f32 v21, v12  }
0x33b: {  	s0 =	simm.s32 $0x18680  }
.LBB2_31:
0x33c: {  	v13 =	vld [tilespmem:s21+$0x0];
	_ =	sdelay $0x4  }
0x33d: {  	v14 =	vsub.f32 v13, v6;
	_ =	sdelay $0x1  }
0x33e: {  	v14 =	vmul.f32 $1.442695020e+00, v14;
	_ =	sdelay $0x1  }
0x33f: {  	(erf) = vpow2.f32 v14;
	_ =	sdelay $0x5  }
0x340: {  	v15 =	vxor.u32 $0x80000000, v13  }
0x341: {  	vm0 =	vlt.s32 v13, $0x0;
	v14 =	vxor.u32 $0xFFFFFFFF, v13  }
0x342: {  	v14 =	vsel vm0, v14, v15  }
0x343: {  	p0 =	sne.s32 s0, $0x18690;
	v16 =	vxor.u32 $0x80000000, v14;
	v15 =	vpop (erf)  }
.Ltmp14:
0x344: {  	vm13 =	vgt.s32 v16, v7;
	v8 =	vadd.f32 v15, v8;
	v15 =	vor.u32 s0, v0;
	(pc) =	sbr.rel @p0 .LBB2_31-.Ltmp14, $4  }
0x345: {  	vm14 =	veq.s32 v14, v5;
	v16 =	vnsel vm13, $0x0, v13;
	vm1 =	vlt.s32 v15, v4  }
0x346: {  	v12 =	vadd.f32 v16, v12;
	vm15 =	veq.s32 v15, v4;
	vm0 =	vmand vm1, vm14  }
0x347: {  	v13 =	vnsel vm15, $0x0, v13;
	v14 =	vnsel vm15, $0x0, v14;
	v15 =	vsel vm0, $0x1, v1  }
0x348: {  	s21 =	sadd.s32 $0x10, s21;
	s0 =	sadd.s32 $0x10, s0;
	v11 =	vadd.f32 v13, v11;
	v10 =	vadd.s32 v10, v14;
	v9 =	vadd.s32 v15, v9  }
0x349: {  	(xrf0) =	vadd.scan.msk.s32 $0xffff, v10  }
0x34a: {  	(xrf0) =	vadd.scan.msk.s32 $0xffff, v9;
	_ =	sdelay $0x4  }
0x34b: {  	v4, _, _ =	vpop (xrf0)  }
0x34c: {  	(v2sf) =	vpush v4, $0xF;
	v4, _, _ =	vpop (xrf0)  }
0x34d: {  	(v2sf) =	vpush v4, $0xF;
	_ =	sdelay $0x4  }
0x34e: {  	(xrf2) =	vadd.scan.msk.f32 $0xffff, v8  }
0x34f: {  	(xrf2) =	vadd.scan.msk.f32 $0xffff, v12;
	_ =	sdelay $0x2  }
0x350: {  	(xrf2) =	vadd.scan.msk.f32 $0xffff, v11;
	_ =	sdelay $0x4  }
0x351: {  	s1 =	ssub.s32 s18, s17;
	s0 =	spop (v2sf)  }
0x352: {  	vm0 =	vmmov $0x1;
	s1 =	sadd.s32 $0x9BFF, s1;
	v4, _, _ =	vpop (xrf2);
	s2 =	spop (v2sf)  }
0x353: {  	vm10 =	vgt.s32 v5, $0xFFFFFFFF;
	vm1 =	vcmask $0x31C;
	s31 =	sld [smem:$0x7FD];
	v7, _, _ =	vpop (xrf2);
	v4 =	vbroadcast v4, $0xF;
	s2 =	sadd.s32 s1, s2  }
0x354: {  	s7 =	sshll.u32 s16, $0x4;
	vm11 =	vcmask $0x71C;
	v6 =	vnsel vm0, $0x0, v6;
	v7 =	vbroadcast v7, $0xF;
	p0 =	slt.s32 s2, $0x9BFF;
	s2 =	simm.f32 $1.000000000e+00  }
0x355: {  	vm12 =	veq.s32 v0, $0x3;
	vm13 =	vcmask $0xF1C;
	v4 =	vsel vm1, v6, v4;
	p1 =	seq.s32 s0, s19;
	s1 =	scvt.s32.f32 s1;
	s2 =	simm.s32 @!p0 $0x0  }
0x356: {  	v62 =	vsel vm10, $0xFFFFFFFF, v3;
	v63 =	vor.u32 s7, v0;
	v61, _, _ =	vpop (xrf2);
	v4 =	vsel vm11, v4, v7;
	s2 =	simm.s32 @!p1 $0x0;
	p1 =	seq.s32 s31, $0x1  }
.Ltmp15:
0x357: {  	v5 =	vxor.u32 v5, v62;
	v6 =	vbroadcast v61, $0xF;
	v4 =	vsel vm12, s1, v4;
	(pc) =	sbr.rel @p1 .LBB2_4-.Ltmp15, $4  }
0x358: {  	vm14 =	vcmask $0x131C;
	p0 =	sgt.u32 s0, s19;
	v4 =	vsel vm13, v4, v5  }
0x359: {  	vm15 =	veq.s32 v0, $0x6;
	s2 =	simm.s32 @p0 $0x3F800000;
	v4 =	vsel vm14, v4, v6  }
0x35a: {  	v4 =	vsel vm15, s2, v4  }
0x35b: {  	s16 =	simm.s32 $0x1;
	p0 =	por $0x0, $0x0;
	[tilespmem:v63+s14+$0x0] =	vst.idx.msk $0xffff, v4  }
0x35c: {  	s15 =	sadd.s32 $0x1, s15  }
0x35d: {  	p0 =	sne.s32 s15, s8  }
.Ltmp16:
0x35e: {  	s0 =	rddreg [dreg:$0x3];
	(pc) =	sbr.rel @p0 .LBB2_1-.Ltmp16, $4  }
0x35f: {  	[hbm4b:s0+s3] =	stream.linear.scatter [tilespmem:s14], [sflag:$0x1], $0x80, $0x38;
	[tilespmem:$0x19800] =	vst v63  }
0x360: {  	_ =	swait.ge [sflag:s10], $0x80  }
0x361: {  	[sflag:s10] =	ssyncset.done $0x0  }
0x362: {  	[sflag:s10] =	ssyncadd.s32 $0xFFFFFF80  }
0x363: {  	_ =	sfence.sel $0x180000  }
0x364: {  	[bflag:$0x0] =	sbarrier.arrive $0xFFFF  }
0x365: {  	_ =	strace $0x90000047  }
0x366: {  	s0 =	stileid.u32;
	[bflag:$0x2] =	sbarrier.arrive $0xFFFF  }
0x367: {  	p0 =	sne.s32 s0, $0x0;
	s0 =	rddreg [dreg:$0x2]  }
0x368: {  	s0 =	sadd.s32 @!p0 $0x100000, s0  }
0x369: {  	[sflag:s0] =	ssyncadd.tile.s32 @!p0 $0x1;
	_ =	shalt  }
.Lfunc_end2:
_tile_overlayer_lowered:
.L_overlay_start_2:
0x36a: {  	(tag) =	ssettag $0x2  }
0x36b: {  	s0 =	rddreg [dreg:$0x0];
	s2 =	stileid.u32  }
0x36c: {  	s1 =	rddreg [dreg:$0x1];
	p0 =	sne.s32 s2, $0x0  }
0x36d: {  	s3 =	rddreg [dreg:$0x2];
	[bflag:$0x3] =	sbarrier.arrive $0xFFFF;
	s2 =	simm.s32 @!p0 $0x1C01  }
0x36e: {  	[timem:s3], [sflag:s2] =	dma.local @!p0 [hbm:s0], s1  }
0x36f: {  	s0 =	simm.s32 @!p0 $0x1  }
0x370: {  	_ =	swait.ge @!p0 [sflag:s0], s1  }
0x371: {  	s1 =	ssub.s32 @!p0 $0x0, s1;
	[sflag:s0] =	ssyncset.done @!p0 $0x0  }
0x372: {  	[sflag:s0] =	ssyncadd.s32 @!p0 s1  }
0x373: {  	[bflag:$0x3] =	sbarrier.arrive $0xFFFF  }
0x374: {  	_ =	shalt  }

</sc_bundles>
